<compile_context>
chip_gen: v7x
topology: tpu7x:2x2x1
jax: 0.10.2.dev20260603
libtpu: 0.0.44.dev20260713+nightly
codegen_flags: <defaults>
</compile_context>

<pallas_src>
import functools

import jax
import jax.numpy as jnp
from jax import lax
from jax.experimental import pallas as pl
from jax.experimental.pallas import tpu as pltpu
from jax.experimental.pallas import tpu_sc as plsc

_N = 10000
_E = 320000
_D = 128
_DO = 128
_NCLS = 40

_NTILES = 32
_K = 128
_PT = 10240
_EP = _NTILES * _PT
_CHUNKS = _PT // _K
_ACC_N = 10112
_RPT = _ACC_N // 16
_BN = 1000


def _sc_mesh():
    return plsc.VectorSubcoreMesh(core_axis_name="c", subcore_axis_name="s")


def _make_deg_kernel():
    @functools.partial(
        pl.kernel,
        mesh=_sc_mesh(),
        out_type=jax.ShapeDtypeStruct((2, _ACC_N, _D), jnp.float32),
        scratch_types=[
            pltpu.VMEM((_CHUNKS, _K), jnp.int32),
            pltpu.VMEM((_K, _D), jnp.float32),
            pltpu.VMEM_SHARED((_ACC_N, _D), jnp.float32),
            pltpu.SemaphoreType.DMA,
        ],
    )
    def deg_kernel(dst_hbm, ones_hbm, zero_hbm, out_hbm, dstv, onesv, acc,
                   sem):
        c = lax.axis_index("c")
        s = lax.axis_index("s")
        t = s * 2 + c
        row0 = s * _RPT
        pltpu.sync_copy(zero_hbm, acc.at[pl.ds(row0, _RPT)])
        pltpu.sync_copy(ones_hbm, onesv)
        pltpu.sync_copy(dst_hbm.at[pl.ds(t * _CHUNKS, _CHUNKS)], dstv)
        plsc.subcore_barrier()

        def _wait_one(carry):
            pltpu.make_async_copy(onesv, acc.at[dstv.at[0]], sem).wait()
            return carry

        _depth = 4

        def body(j, carry):
            pltpu.async_copy(onesv, acc.at[dstv.at[j]], sem, add=True)
            return lax.cond(j >= _depth, _wait_one, lambda carr: carr, carry)

        lax.fori_loop(0, _CHUNKS, body, 0)
        for _ in range(_depth):
            _wait_one(0)
        plsc.subcore_barrier()
        pltpu.sync_copy(acc.at[pl.ds(row0, _RPT)],
                        out_hbm.at[c, pl.ds(row0, _RPT)])

    return deg_kernel


def _make_scatter_kernel(d):

    ph_chunks = _CHUNKS // 2

    @functools.partial(
        pl.kernel,
        mesh=_sc_mesh(),
        out_type=jax.ShapeDtypeStruct((2, _ACC_N, d), jnp.float32),
        scratch_types=[
            pltpu.VMEM((ph_chunks, _K), jnp.int32),
            pltpu.VMEM((ph_chunks, _K), jnp.int32),
            pltpu.VMEM((_K, d), jnp.float32),
            pltpu.VMEM((_K, d), jnp.float32),
            pltpu.VMEM_SHARED((_ACC_N, d), jnp.float32),
            pltpu.SemaphoreType.DMA,
            pltpu.SemaphoreType.DMA,
            pltpu.SemaphoreType.DMA,
        ],
    )
    def scat_kernel(hp_hbm, src_hbm, dst_hbm, zero_hbm, out_hbm,
                    srcv, dstv, rows0, rows1, acc, sem0, sem1, semz):
        c = lax.axis_index("c")
        s = lax.axis_index("s")
        t = s * 2 + c
        row0 = s * _RPT
        pltpu.async_copy(zero_hbm, acc.at[pl.ds(row0, _RPT)], semz)

        def _wait(buf, sem):
            pltpu.make_async_copy(hp_hbm.at[pl.ds(0, _K)], buf, sem).wait()

        first = True
        for phase in range(2):
            base = t * _CHUNKS + phase * ph_chunks
            pltpu.sync_copy(src_hbm.at[pl.ds(base, ph_chunks)], srcv)
            pltpu.sync_copy(dst_hbm.at[pl.ds(base, ph_chunks)], dstv)

            pltpu.async_copy(hp_hbm.at[srcv.at[0]], rows0, sem0)
            if first:
                pltpu.make_async_copy(zero_hbm, acc.at[pl.ds(row0, _RPT)],
                                      semz).wait()
                plsc.subcore_barrier()
                first = False

            def body(i, carry):
                j0 = 2 * i
                j1 = j0 + 1
                pltpu.async_copy(hp_hbm.at[srcv.at[j1]], rows1, sem1)
                _wait(rows0, sem0)
                pltpu.sync_copy(rows0, acc.at[dstv.at[j0]], add=True)
                jn = jnp.minimum(j1 + 1, ph_chunks - 1)
                pltpu.async_copy(hp_hbm.at[srcv.at[jn]], rows0, sem0)
                _wait(rows1, sem1)
                pltpu.sync_copy(rows1, acc.at[dstv.at[j1]], add=True)
                return carry

            lax.fori_loop(0, ph_chunks // 2, body, 0)
            _wait(rows0, sem0)
        plsc.subcore_barrier()
        pltpu.sync_copy(acc.at[pl.ds(row0, _RPT)],
                        out_hbm.at[c, pl.ds(row0, _RPT)])

    return scat_kernel


def _deg_s(dp0, dp1):
    deg = dp0[:, 0:1] + dp1[:, 0:1] + 1.0
    return lax.rsqrt(deg)


def _t_first(x, w1, degp):
    def body(x_ref, w_ref, dp_ref, o_ref):
        s = _deg_s(dp_ref[0], dp_ref[1])
        h = jnp.dot(x_ref[...], w_ref[...], preferred_element_type=jnp.float32)
        o_ref[...] = h * s

    return pl.pallas_call(
        body,
        grid=(_N // _BN,),
        in_specs=[
            pl.BlockSpec((_BN, _D), lambda i: (i, 0)),
            pl.BlockSpec((_D, _D), lambda i: (0, 0)),
            pl.BlockSpec((2, _BN, _D), lambda i: (0, i, 0)),
        ],
        out_specs=pl.BlockSpec((_BN, _D), lambda i: (i, 0)),
        out_shape=jax.ShapeDtypeStruct((_N, _D), jnp.float32),
    )(x, w1, degp)


def _t_mid(aggp, hp, degp, b_row, w, dout):
    def body(ap_ref, hp_ref, dp_ref, b_ref, w_ref, o_ref):
        s = _deg_s(dp_ref[0], dp_ref[1])
        h = (ap_ref[0] + ap_ref[1] + hp_ref[...]) * s + b_ref[...]
        h = jnp.maximum(h, 0.0)
        o_ref[...] = jnp.dot(h, w_ref[...],
                             preferred_element_type=jnp.float32) * s

    return pl.pallas_call(
        body,
        grid=(_N // _BN,),
        in_specs=[
            pl.BlockSpec((2, _BN, _D), lambda i: (0, i, 0)),
            pl.BlockSpec((_BN, _D), lambda i: (i, 0)),
            pl.BlockSpec((2, _BN, _D), lambda i: (0, i, 0)),
            pl.BlockSpec((1, _D), lambda i: (0, 0)),
            pl.BlockSpec((_D, dout), lambda i: (0, 0)),
        ],
        out_specs=pl.BlockSpec((_BN, dout), lambda i: (i, 0)),
        out_shape=jax.ShapeDtypeStruct((_N, dout), jnp.float32),
    )(aggp, hp, degp, b_row, w)


def _t_last(aggp, hp, degp, b_row):
    def body(ap_ref, hp_ref, dp_ref, b_ref, o_ref):
        s = _deg_s(dp_ref[0], dp_ref[1])
        o = (ap_ref[0] + ap_ref[1] + hp_ref[...]) * s + b_ref[...]
        col = lax.broadcasted_iota(jnp.int32, (_BN, _DO), 1)
        mask = col < _NCLS
        om = jnp.where(mask, o, -jnp.inf)
        m = jnp.max(om, axis=1, keepdims=True)
        e = jnp.where(mask, jnp.exp(o - m), 0.0)
        lse = jnp.log(jnp.sum(e, axis=1, keepdims=True))
        r = o - m - lse
        o_ref[...] = r[:, :_NCLS]

    return pl.pallas_call(
        body,
        grid=(_N // _BN,),
        in_specs=[
            pl.BlockSpec((2, _BN, _DO), lambda i: (0, i, 0)),
            pl.BlockSpec((_BN, _DO), lambda i: (i, 0)),
            pl.BlockSpec((2, _BN, _D), lambda i: (0, i, 0)),
            pl.BlockSpec((1, _DO), lambda i: (0, 0)),
        ],
        out_specs=pl.BlockSpec((_BN, _NCLS), lambda i: (i, 0)),
        out_shape=jax.ShapeDtypeStruct((_N, _NCLS), jnp.float32),
    )(aggp, hp, degp, b_row)


def kernel(x, edge_index, W1, b1, W2, b2, W3, b3):
    src = edge_index[0].astype(jnp.int32)
    dst = edge_index[1].astype(jnp.int32)

    npad = _EP - _E
    pad_i = jnp.arange(npad, dtype=jnp.int32)
    src_p = jnp.concatenate([src, pad_i % _N]).reshape(_EP // _K, _K)
    dst_flat = jnp.concatenate([dst, _N + (pad_i % (_ACC_N - _N))])
    dst_p = dst_flat.reshape(_EP // _K, _K)

    z128 = jnp.zeros((_RPT, _D), jnp.float32)
    ones128 = jnp.zeros((_K, _D), jnp.float32).at[:, 0].set(1.0)

    b1r = b1.reshape(1, _D)
    b2r = b2.reshape(1, _D)
    b3r = jnp.concatenate([b3, jnp.zeros((_DO - _NCLS,), jnp.float32)]
                          ).reshape(1, _DO)
    w3p = jnp.concatenate(
        [W3, jnp.zeros((_D, _DO - _NCLS), jnp.float32)], axis=1)

    degp = _make_deg_kernel()(dst_p, ones128, z128)

    hp1 = _t_first(x, W1, degp)
    agg1 = _make_scatter_kernel(_D)(hp1, src_p, dst_p, z128)
    hp2 = _t_mid(agg1, hp1, degp, b1r, W2, _D)
    agg2 = _make_scatter_kernel(_D)(hp2, src_p, dst_p, z128)
    hp3 = _t_mid(agg2, hp2, degp, b2r, w3p, _DO)
    agg3 = _make_scatter_kernel(_DO)(hp3, src_p, dst_p, z128)
    return _t_last(agg3, hp3, degp, b3r)

# --- scband reference (transcript-rebuilt; emitter-appended) ---
"""Pipeline reference for scband-gcnmodel-25795573580199 (READ-ONLY COPY).

The authoritative reference and input builder live on the scoring server;
editing this copy changes nothing except your own understanding.
"""

import jax, jax.numpy as jnp
import numpy as np

N = 10000
E = 320000
D_IN = 128
D_HID = 128
D_OUT = 40


def _glorot(key, shape):
    fan_in, fan_out = shape[0], shape[1]
    limit = (6.0 / (fan_in + fan_out)) ** 0.5
    return jax.random.uniform(key, shape, dtype=jnp.float32, minval=-limit, maxval=limit)


def setup_inputs(seed: int = 0) -> dict:
    key = jax.random.key(seed)
    ks = jax.random.split(key, 8)
    x = jax.random.normal(ks[0], (N, D_IN), dtype=jnp.float32)
    edge_index = jax.random.randint(ks[1], (2, E), 0, N, dtype=jnp.int64)
    W1 = _glorot(ks[2], (D_IN, D_HID))
    b1 = jnp.zeros((D_HID,), dtype=jnp.float32)
    W2 = _glorot(ks[3], (D_HID, D_HID))
    b2 = jnp.zeros((D_HID,), dtype=jnp.float32)
    W3 = _glorot(ks[4], (D_HID, D_OUT))
    b3 = jnp.zeros((D_OUT,), dtype=jnp.float32)
    return {"x": x, "edge_index": edge_index, "W1": W1, "b1": b1, "W2": W2, "b2": b2, "W3": W3, "b3": b3}


def _gcn_conv(x, src, dst, norm, W, b, n):
    # PyG GCNConv: h = x @ W, then symmetric-normalized scatter-add aggregation, then + bias
    h = x @ W
    msg = jnp.take(h, src, axis=0) * norm[:, None]
    out = jnp.zeros((n, W.shape[1]), dtype=h.dtype).at[dst].add(msg)
    return out + b


def _prep_graph(edge_index, n):
    loop = jnp.arange(n, dtype=edge_index.dtype)
    src = jnp.concatenate([edge_index[0], loop])
    dst = jnp.concatenate([edge_index[1], loop])
    deg = jnp.zeros((n,), dtype=jnp.float32).at[dst].add(1.0)
    dinv = jnp.where(deg > 0, deg ** -0.5, 0.0)
    norm = dinv[src] * dinv[dst]
    return src, dst, norm


def reference(x, edge_index, W1, b1, W2, b2, W3, b3):
    src, dst, norm = _prep_graph(edge_index, N)
    h = _gcn_conv(x, src, dst, norm, W1, b1, N)
    h = jax.nn.relu(h)
    # dropout is identity in eval mode
    h = _gcn_conv(h, src, dst, norm, W2, b2, N)
    h = jax.nn.relu(h)
    h = _gcn_conv(h, src, dst, norm, W3, b3, N)
    return jax.nn.log_softmax(h, axis=1)

if __name__ == "__main__":
    import jax
    _d = setup_inputs()
    print(jax.jit(kernel)(*tuple(_d.values())))

</pallas_src>

<mosaic_0001>
#map = affine_map<(d0, d1) -> (0, 0)>
#map1 = affine_map<(d0, d1) -> (0, 0, 0)>
module attributes {stable_mosaic.version = 14 : i64} {
  func.func @deg_kernel(%arg0: i32, %arg1: i32, %arg2: memref<2560x128xi32, #tpu.memory_space<hbm>>, %arg3: memref<128x128xf32, #tpu.memory_space<hbm>>, %arg4: memref<632x128xf32, #tpu.memory_space<hbm>>, %arg5: memref<2x10112x128xf32, #tpu.memory_space<hbm>>, %arg6: memref<80x128xi32, #tpu.memory_space<vmem>>, %arg7: memref<128x128xf32, #tpu.memory_space<vmem>>, %arg8: memref<10112x128xf32, #tpu.memory_space<vmem_shared>>, %arg9: memref<!tpu.dma_semaphore, #tpu.memory_space<semaphore_mem>>) attributes {dimension_semantics = [#tpu.dimension_semantics<core_parallel>, #tpu.dimension_semantics<subcore_parallel>], iteration_bounds = array<i64: 2, 16>, scalar_prefetch = 0 : i64, scratch_operands = 4 : i64, tpu.core_type = #tpu.core_type<sc_vector_subcore>, window_params = [{transform_indices = #map}, {transform_indices = #map}, {transform_indices = #map}, {transform_indices = #map1}]} {
    %mul3A = arith.constant 2 : i32
    %mul3A_0 = arith.muli %arg1, %mul3A : i32
    %add3A = arith.addi %mul3A_0, %arg0 : i32
    %mul3A_1 = arith.constant 632 : i32
    %mul3A_2 = arith.muli %arg1, %mul3A_1 : i32
    "tpu.region"() ({
      %run_scoped3A = tpu.sem_alloc : memref<!tpu.dma_semaphore, #tpu.memory_space<semaphore_mem>>
      %dma_start3A = arith.constant 0 : i32
      %dma_start3A_38 = tpu.memref_slice %arg8[%mul3A_2, %dma_start3A] : memref<10112x128xf32, #tpu.memory_space<vmem_shared>> -> memref<632x128xf32, #tpu.memory_space<vmem_shared>>
      tpu.enqueue_dma source(%arg4 : memref<632x128xf32, #tpu.memory_space<hbm>>) target(%dma_start3A_38 : memref<632x128xf32, #tpu.memory_space<vmem_shared>>) target_semaphore(%run_scoped3A : memref<!tpu.dma_semaphore, #tpu.memory_space<semaphore_mem>>)
      %dma_wait3A_39 = arith.constant 0 : i32
      %dma_wait3A_40 = tpu.memref_slice %arg8[%mul3A_2, %dma_wait3A_39] : memref<10112x128xf32, #tpu.memory_space<vmem_shared>> -> memref<632x128xf32, #tpu.memory_space<vmem_shared>>
      tpu.wait_dma2 semaphore(%run_scoped3A : memref<!tpu.dma_semaphore, #tpu.memory_space<semaphore_mem>>) src(%arg4 : memref<632x128xf32, #tpu.memory_space<hbm>>) dst(%dma_wait3A_40 : memref<632x128xf32, #tpu.memory_space<vmem_shared>>)
      tpu.yield
    }) : () -> ()
    "tpu.region"() ({
      %run_scoped3A = tpu.sem_alloc : memref<!tpu.dma_semaphore, #tpu.memory_space<semaphore_mem>>
      tpu.enqueue_dma source(%arg3 : memref<128x128xf32, #tpu.memory_space<hbm>>) target(%arg7 : memref<128x128xf32, #tpu.memory_space<vmem>>) target_semaphore(%run_scoped3A : memref<!tpu.dma_semaphore, #tpu.memory_space<semaphore_mem>>)
      tpu.wait_dma2 semaphore(%run_scoped3A : memref<!tpu.dma_semaphore, #tpu.memory_space<semaphore_mem>>) src(%arg3 : memref<128x128xf32, #tpu.memory_space<hbm>>) dst(%arg7 : memref<128x128xf32, #tpu.memory_space<vmem>>)
      tpu.yield
    }) : () -> ()
    %mul3A_3 = arith.constant 80 : i32
    %mul3A_4 = arith.muli %add3A, %mul3A_3 : i32
    "tpu.region"() ({
      %run_scoped3A = tpu.sem_alloc : memref<!tpu.dma_semaphore, #tpu.memory_space<semaphore_mem>>
      %dma_start3A = arith.constant 0 : i32
      %dma_start3A_38 = tpu.memref_slice %arg2[%mul3A_4, %dma_start3A] : memref<2560x128xi32, #tpu.memory_space<hbm>> -> memref<80x128xi32, #tpu.memory_space<hbm>>
      %dma_start3A_39 = arith.constant 0 : i32
      %dma_start3A_40 = tpu.memref_slice %arg2[%mul3A_4, %dma_start3A_39] : memref<2560x128xi32, #tpu.memory_space<hbm>> -> memref<80x128xi32, #tpu.memory_space<hbm>>
      tpu.enqueue_dma source(%dma_start3A_40 : memref<80x128xi32, #tpu.memory_space<hbm>>) target(%arg6 : memref<80x128xi32, #tpu.memory_space<vmem>>) target_semaphore(%run_scoped3A : memref<!tpu.dma_semaphore, #tpu.memory_space<semaphore_mem>>)
      %dma_wait3A_41 = arith.constant 0 : i32
      %dma_wait3A_42 = tpu.memref_slice %arg2[%mul3A_4, %dma_wait3A_41] : memref<2560x128xi32, #tpu.memory_space<hbm>> -> memref<80x128xi32, #tpu.memory_space<hbm>>
      %dma_wait3A_43 = arith.constant 0 : i32
      %dma_wait3A_44 = tpu.memref_slice %arg2[%mul3A_4, %dma_wait3A_43] : memref<2560x128xi32, #tpu.memory_space<hbm>> -> memref<80x128xi32, #tpu.memory_space<hbm>>
      tpu.wait_dma2 semaphore(%run_scoped3A : memref<!tpu.dma_semaphore, #tpu.memory_space<semaphore_mem>>) src(%dma_wait3A_44 : memref<80x128xi32, #tpu.memory_space<hbm>>) dst(%arg6 : memref<80x128xi32, #tpu.memory_space<vmem>>)
      tpu.yield
    }) : () -> ()
    %barrier3A = arith.constant 0 : index
    tpu.barrier barrier_id(%barrier3A)
    %scan3A = arith.constant 0 : i32
    %scan3A_5 = arith.constant 0 : i32
    %scan3A_6 = arith.constant 80 : i32
    %scan3A_7 = arith.addi %scan3A_5, %scan3A_6 : i32
    %scan3A_8 = arith.constant 1 : i32
    scf.for %scan3A_38 = %scan3A_5 to %scan3A_7 step %scan3A_8  : i32 {
      %dma_start3A = arith.constant 0 : i32
      %dma_start3A_39 = tpu.memref_slice %arg6[%scan3A_38, %dma_start3A] : memref<80x128xi32, #tpu.memory_space<vmem>> -> memref<1x128xi32, #tpu.memory_space<vmem>>
      %dma_start3A_40 = tpu.memref_squeeze %dma_start3A_39 : memref<1x128xi32, #tpu.memory_space<vmem>> -> memref<128xi32, #tpu.memory_space<vmem>>
      %dma_start3A_41 = arith.constant 0 : i32
      %dma_start3A_42 = arith.constant 0 : i32
      %dma_start3A_43 = tpu.memref_slice %arg8[%dma_start3A_41, %dma_start3A_42] : memref<10112x128xf32, #tpu.memory_space<vmem_shared>> -> memref<10112x128xf32, #tpu.memory_space<vmem_shared>>
      tpu.enqueue_indirect_dma source(%arg7 : memref<128x128xf32, #tpu.memory_space<vmem>>) target(%dma_start3A_43 : memref<10112x128xf32, #tpu.memory_space<vmem_shared>>) offsets(%dma_start3A_40 : memref<128xi32, #tpu.memory_space<vmem>>) semaphore(%arg9 : memref<!tpu.dma_semaphore, #tpu.memory_space<semaphore_mem>>) {add = true}
      %ge3A = arith.constant 4 : i32
      %ge3A_44 = arith.cmpi sge, %scan3A_38, %ge3A : i32
      %convert_element_type3A = arith.extui %ge3A_44 : i1 to i32
      %cond3A = arith.constant 0 : i32
      %cond3A_45 = arith.cmpi ne, %convert_element_type3A, %cond3A : i32
      scf.if %cond3A_45 {
        %dma_wait3A_46 = arith.constant 0 : i32
        %dma_wait3A_47 = arith.constant 0 : i32
        %dma_wait3A_48 = tpu.memref_slice %arg6[%dma_wait3A_46, %dma_wait3A_47] : memref<80x128xi32, #tpu.memory_space<vmem>> -> memref<1x128xi32, #tpu.memory_space<vmem>>
        %dma_wait3A_49 = tpu.memref_squeeze %dma_wait3A_48 : memref<1x128xi32, #tpu.memory_space<vmem>> -> memref<128xi32, #tpu.memory_space<vmem>>
        %dma_wait3A_50 = arith.constant 0 : i32
        %dma_wait3A_51 = arith.constant 0 : i32
        %dma_wait3A_52 = tpu.memref_slice %arg8[%dma_wait3A_50, %dma_wait3A_51] : memref<10112x128xf32, #tpu.memory_space<vmem_shared>> -> memref<10112x128xf32, #tpu.memory_space<vmem_shared>>
        tpu.wait_indirect_dma semaphore(%arg9 : memref<!tpu.dma_semaphore, #tpu.memory_space<semaphore_mem>>) src(%arg7 : memref<128x128xf32, #tpu.memory_space<vmem>>) dst(%dma_wait3A_52 : memref<10112x128xf32, #tpu.memory_space<vmem_shared>>)
      } else {
      }
    }
    %scan3A_9 = arith.constant 80 : i32
    %dma_wait3A = arith.constant 0 : i32
    %dma_wait3A_10 = arith.constant 0 : i32
    %dma_wait3A_11 = tpu.memref_slice %arg6[%dma_wait3A, %dma_wait3A_10] : memref<80x128xi32, #tpu.memory_space<vmem>> -> memref<1x128xi32, #tpu.memory_space<vmem>>
    %dma_wait3A_12 = tpu.memref_squeeze %dma_wait3A_11 : memref<1x128xi32, #tpu.memory_space<vmem>> -> memref<128xi32, #tpu.memory_space<vmem>>
    %dma_wait3A_13 = arith.constant 0 : i32
    %dma_wait3A_14 = arith.constant 0 : i32
    %dma_wait3A_15 = tpu.memref_slice %arg8[%dma_wait3A_13, %dma_wait3A_14] : memref<10112x128xf32, #tpu.memory_space<vmem_shared>> -> memref<10112x128xf32, #tpu.memory_space<vmem_shared>>
    tpu.wait_indirect_dma semaphore(%arg9 : memref<!tpu.dma_semaphore, #tpu.memory_space<semaphore_mem>>) src(%arg7 : memref<128x128xf32, #tpu.memory_space<vmem>>) dst(%dma_wait3A_15 : memref<10112x128xf32, #tpu.memory_space<vmem_shared>>)
    %dma_wait3A_16 = arith.constant 0 : i32
    %dma_wait3A_17 = arith.constant 0 : i32
    %dma_wait3A_18 = tpu.memref_slice %arg6[%dma_wait3A_16, %dma_wait3A_17] : memref<80x128xi32, #tpu.memory_space<vmem>> -> memref<1x128xi32, #tpu.memory_space<vmem>>
    %dma_wait3A_19 = tpu.memref_squeeze %dma_wait3A_18 : memref<1x128xi32, #tpu.memory_space<vmem>> -> memref<128xi32, #tpu.memory_space<vmem>>
    %dma_wait3A_20 = arith.constant 0 : i32
    %dma_wait3A_21 = arith.constant 0 : i32
    %dma_wait3A_22 = tpu.memref_slice %arg8[%dma_wait3A_20, %dma_wait3A_21] : memref<10112x128xf32, #tpu.memory_space<vmem_shared>> -> memref<10112x128xf32, #tpu.memory_space<vmem_shared>>
    tpu.wait_indirect_dma semaphore(%arg9 : memref<!tpu.dma_semaphore, #tpu.memory_space<semaphore_mem>>) src(%arg7 : memref<128x128xf32, #tpu.memory_space<vmem>>) dst(%dma_wait3A_22 : memref<10112x128xf32, #tpu.memory_space<vmem_shared>>)
    %dma_wait3A_23 = arith.constant 0 : i32
    %dma_wait3A_24 = arith.constant 0 : i32
    %dma_wait3A_25 = tpu.memref_slice %arg6[%dma_wait3A_23, %dma_wait3A_24] : memref<80x128xi32, #tpu.memory_space<vmem>> -> memref<1x128xi32, #tpu.memory_space<vmem>>
    %dma_wait3A_26 = tpu.memref_squeeze %dma_wait3A_25 : memref<1x128xi32, #tpu.memory_space<vmem>> -> memref<128xi32, #tpu.memory_space<vmem>>
    %dma_wait3A_27 = arith.constant 0 : i32
    %dma_wait3A_28 = arith.constant 0 : i32
    %dma_wait3A_29 = tpu.memref_slice %arg8[%dma_wait3A_27, %dma_wait3A_28] : memref<10112x128xf32, #tpu.memory_space<vmem_shared>> -> memref<10112x128xf32, #tpu.memory_space<vmem_shared>>
    tpu.wait_indirect_dma semaphore(%arg9 : memref<!tpu.dma_semaphore, #tpu.memory_space<semaphore_mem>>) src(%arg7 : memref<128x128xf32, #tpu.memory_space<vmem>>) dst(%dma_wait3A_29 : memref<10112x128xf32, #tpu.memory_space<vmem_shared>>)
    %dma_wait3A_30 = arith.constant 0 : i32
    %dma_wait3A_31 = arith.constant 0 : i32
    %dma_wait3A_32 = tpu.memref_slice %arg6[%dma_wait3A_30, %dma_wait3A_31] : memref<80x128xi32, #tpu.memory_space<vmem>> -> memref<1x128xi32, #tpu.memory_space<vmem>>
    %dma_wait3A_33 = tpu.memref_squeeze %dma_wait3A_32 : memref<1x128xi32, #tpu.memory_space<vmem>> -> memref<128xi32, #tpu.memory_space<vmem>>
    %dma_wait3A_34 = arith.constant 0 : i32
    %dma_wait3A_35 = arith.constant 0 : i32
    %dma_wait3A_36 = tpu.memref_slice %arg8[%dma_wait3A_34, %dma_wait3A_35] : memref<10112x128xf32, #tpu.memory_space<vmem_shared>> -> memref<10112x128xf32, #tpu.memory_space<vmem_shared>>
    tpu.wait_indirect_dma semaphore(%arg9 : memref<!tpu.dma_semaphore, #tpu.memory_space<semaphore_mem>>) src(%arg7 : memref<128x128xf32, #tpu.memory_space<vmem>>) dst(%dma_wait3A_36 : memref<10112x128xf32, #tpu.memory_space<vmem_shared>>)
    %barrier3A_37 = arith.constant 0 : index
    tpu.barrier barrier_id(%barrier3A_37)
    "tpu.region"() ({
      %run_scoped3A = tpu.sem_alloc : memref<!tpu.dma_semaphore, #tpu.memory_space<semaphore_mem>>
      %dma_start3A = arith.constant 0 : i32
      %dma_start3A_38 = tpu.memref_slice %arg5[%arg0, %mul3A_2, %dma_start3A] : memref<2x10112x128xf32, #tpu.memory_space<hbm>> -> memref<1x632x128xf32, #tpu.memory_space<hbm>>
      %dma_start3A_39 = tpu.memref_squeeze %dma_start3A_38 : memref<1x632x128xf32, #tpu.memory_space<hbm>> -> memref<632x128xf32, #tpu.memory_space<hbm>>
      %dma_start3A_40 = arith.constant 0 : i32
      %dma_start3A_41 = tpu.memref_slice %arg8[%mul3A_2, %dma_start3A_40] : memref<10112x128xf32, #tpu.memory_space<vmem_shared>> -> memref<632x128xf32, #tpu.memory_space<vmem_shared>>
      tpu.enqueue_dma source(%dma_start3A_41 : memref<632x128xf32, #tpu.memory_space<vmem_shared>>) target(%dma_start3A_39 : memref<632x128xf32, #tpu.memory_space<hbm>>) target_semaphore(%run_scoped3A : memref<!tpu.dma_semaphore, #tpu.memory_space<semaphore_mem>>)
      %dma_wait3A_42 = arith.constant 0 : i32
      %dma_wait3A_43 = tpu.memref_slice %arg5[%arg0, %mul3A_2, %dma_wait3A_42] : memref<2x10112x128xf32, #tpu.memory_space<hbm>> -> memref<1x632x128xf32, #tpu.memory_space<hbm>>
      %dma_wait3A_44 = tpu.memref_squeeze %dma_wait3A_43 : memref<1x632x128xf32, #tpu.memory_space<hbm>> -> memref<632x128xf32, #tpu.memory_space<hbm>>
      %dma_wait3A_45 = arith.constant 0 : i32
      %dma_wait3A_46 = tpu.memref_slice %arg8[%mul3A_2, %dma_wait3A_45] : memref<10112x128xf32, #tpu.memory_space<vmem_shared>> -> memref<632x128xf32, #tpu.memory_space<vmem_shared>>
      tpu.wait_dma2 semaphore(%run_scoped3A : memref<!tpu.dma_semaphore, #tpu.memory_space<semaphore_mem>>) src(%dma_wait3A_46 : memref<632x128xf32, #tpu.memory_space<vmem_shared>>) dst(%dma_wait3A_44 : memref<632x128xf32, #tpu.memory_space<hbm>>)
      tpu.yield
    }) : () -> ()
    return
  }
}

#map = affine_map<(d0, d1) -> (0, 0)>
#map1 = affine_map<(d0, d1) -> (0, 0, 0)>
module attributes {stable_mosaic.version = 14 : i64} {
  func.func @scat_kernel(%arg0: i32, %arg1: i32, %arg2: memref<10000x128xf32, #tpu.memory_space<hbm>>, %arg3: memref<2560x128xi32, #tpu.memory_space<hbm>>, %arg4: memref<2560x128xi32, #tpu.memory_space<hbm>>, %arg5: memref<632x128xf32, #tpu.memory_space<hbm>>, %arg6: memref<2x10112x128xf32, #tpu.memory_space<hbm>>, %arg7: memref<40x128xi32, #tpu.memory_space<vmem>>, %arg8: memref<40x128xi32, #tpu.memory_space<vmem>>, %arg9: memref<128x128xf32, #tpu.memory_space<vmem>>, %arg10: memref<128x128xf32, #tpu.memory_space<vmem>>, %arg11: memref<10112x128xf32, #tpu.memory_space<vmem_shared>>, %arg12: memref<!tpu.dma_semaphore, #tpu.memory_space<semaphore_mem>>, %arg13: memref<!tpu.dma_semaphore, #tpu.memory_space<semaphore_mem>>, %arg14: memref<!tpu.dma_semaphore, #tpu.memory_space<semaphore_mem>>) attributes {dimension_semantics = [#tpu.dimension_semantics<core_parallel>, #tpu.dimension_semantics<subcore_parallel>], iteration_bounds = array<i64: 2, 16>, scalar_prefetch = 0 : i64, scratch_operands = 8 : i64, tpu.core_type = #tpu.core_type<sc_vector_subcore>, window_params = [{transform_indices = #map}, {transform_indices = #map}, {transform_indices = #map}, {transform_indices = #map}, {transform_indices = #map1}]} {
    %mul3A = arith.constant 2 : i32
    %mul3A_0 = arith.muli %arg1, %mul3A : i32
    %add3A = arith.addi %mul3A_0, %arg0 : i32
    %mul3A_1 = arith.constant 632 : i32
    %mul3A_2 = arith.muli %arg1, %mul3A_1 : i32
    %dma_start3A = arith.constant 0 : i32
    %dma_start3A_3 = tpu.memref_slice %arg11[%mul3A_2, %dma_start3A] : memref<10112x128xf32, #tpu.memory_space<vmem_shared>> -> memref<632x128xf32, #tpu.memory_space<vmem_shared>>
    tpu.enqueue_dma source(%arg5 : memref<632x128xf32, #tpu.memory_space<hbm>>) target(%dma_start3A_3 : memref<632x128xf32, #tpu.memory_space<vmem_shared>>) target_semaphore(%arg14 : memref<!tpu.dma_semaphore, #tpu.memory_space<semaphore_mem>>)
    %mul3A_4 = arith.constant 80 : i32
    %mul3A_5 = arith.muli %add3A, %mul3A_4 : i32
    %add3A_6 = arith.constant 0 : i32
    %add3A_7 = arith.addi %mul3A_5, %add3A_6 : i32
    "tpu.region"() ({
      %run_scoped3A = tpu.sem_alloc : memref<!tpu.dma_semaphore, #tpu.memory_space<semaphore_mem>>
      %dma_start3A_51 = arith.constant 0 : i32
      %dma_start3A_52 = tpu.memref_slice %arg3[%add3A_7, %dma_start3A_51] : memref<2560x128xi32, #tpu.memory_space<hbm>> -> memref<40x128xi32, #tpu.memory_space<hbm>>
      %dma_start3A_53 = arith.constant 0 : i32
      %dma_start3A_54 = tpu.memref_slice %arg3[%add3A_7, %dma_start3A_53] : memref<2560x128xi32, #tpu.memory_space<hbm>> -> memref<40x128xi32, #tpu.memory_space<hbm>>
      tpu.enqueue_dma source(%dma_start3A_54 : memref<40x128xi32, #tpu.memory_space<hbm>>) target(%arg7 : memref<40x128xi32, #tpu.memory_space<vmem>>) target_semaphore(%run_scoped3A : memref<!tpu.dma_semaphore, #tpu.memory_space<semaphore_mem>>)
      %dma_wait3A_55 = arith.constant 0 : i32
      %dma_wait3A_56 = tpu.memref_slice %arg3[%add3A_7, %dma_wait3A_55] : memref<2560x128xi32, #tpu.memory_space<hbm>> -> memref<40x128xi32, #tpu.memory_space<hbm>>
      %dma_wait3A_57 = arith.constant 0 : i32
      %dma_wait3A_58 = tpu.memref_slice %arg3[%add3A_7, %dma_wait3A_57] : memref<2560x128xi32, #tpu.memory_space<hbm>> -> memref<40x128xi32, #tpu.memory_space<hbm>>
      tpu.wait_dma2 semaphore(%run_scoped3A : memref<!tpu.dma_semaphore, #tpu.memory_space<semaphore_mem>>) src(%dma_wait3A_58 : memref<40x128xi32, #tpu.memory_space<hbm>>) dst(%arg7 : memref<40x128xi32, #tpu.memory_space<vmem>>)
      tpu.yield
    }) : () -> ()
    "tpu.region"() ({
      %run_scoped3A = tpu.sem_alloc : memref<!tpu.dma_semaphore, #tpu.memory_space<semaphore_mem>>
      %dma_start3A_51 = arith.constant 0 : i32
      %dma_start3A_52 = tpu.memref_slice %arg4[%add3A_7, %dma_start3A_51] : memref<2560x128xi32, #tpu.memory_space<hbm>> -> memref<40x128xi32, #tpu.memory_space<hbm>>
      %dma_start3A_53 = arith.constant 0 : i32
      %dma_start3A_54 = tpu.memref_slice %arg4[%add3A_7, %dma_start3A_53] : memref<2560x128xi32, #tpu.memory_space<hbm>> -> memref<40x128xi32, #tpu.memory_space<hbm>>
      tpu.enqueue_dma source(%dma_start3A_54 : memref<40x128xi32, #tpu.memory_space<hbm>>) target(%arg8 : memref<40x128xi32, #tpu.memory_space<vmem>>) target_semaphore(%run_scoped3A : memref<!tpu.dma_semaphore, #tpu.memory_space<semaphore_mem>>)
      %dma_wait3A_55 = arith.constant 0 : i32
      %dma_wait3A_56 = tpu.memref_slice %arg4[%add3A_7, %dma_wait3A_55] : memref<2560x128xi32, #tpu.memory_space<hbm>> -> memref<40x128xi32, #tpu.memory_space<hbm>>
      %dma_wait3A_57 = arith.constant 0 : i32
      %dma_wait3A_58 = tpu.memref_slice %arg4[%add3A_7, %dma_wait3A_57] : memref<2560x128xi32, #tpu.memory_space<hbm>> -> memref<40x128xi32, #tpu.memory_space<hbm>>
      tpu.wait_dma2 semaphore(%run_scoped3A : memref<!tpu.dma_semaphore, #tpu.memory_space<semaphore_mem>>) src(%dma_wait3A_58 : memref<40x128xi32, #tpu.memory_space<hbm>>) dst(%arg8 : memref<40x128xi32, #tpu.memory_space<vmem>>)
      tpu.yield
    }) : () -> ()
    %dma_start3A_8 = arith.constant 0 : i32
    %dma_start3A_9 = arith.constant 0 : i32
    %dma_start3A_10 = tpu.memref_slice %arg7[%dma_start3A_8, %dma_start3A_9] : memref<40x128xi32, #tpu.memory_space<vmem>> -> memref<1x128xi32, #tpu.memory_space<vmem>>
    %dma_start3A_11 = tpu.memref_squeeze %dma_start3A_10 : memref<1x128xi32, #tpu.memory_space<vmem>> -> memref<128xi32, #tpu.memory_space<vmem>>
    %dma_start3A_12 = arith.constant 0 : i32
    %dma_start3A_13 = arith.constant 0 : i32
    %dma_start3A_14 = tpu.memref_slice %arg2[%dma_start3A_12, %dma_start3A_13] : memref<10000x128xf32, #tpu.memory_space<hbm>> -> memref<10000x128xf32, #tpu.memory_space<hbm>>
    tpu.enqueue_indirect_dma source(%dma_start3A_14 : memref<10000x128xf32, #tpu.memory_space<hbm>>) target(%arg9 : memref<128x128xf32, #tpu.memory_space<vmem>>) offsets(%dma_start3A_11 : memref<128xi32, #tpu.memory_space<vmem>>) semaphore(%arg12 : memref<!tpu.dma_semaphore, #tpu.memory_space<semaphore_mem>>)
    %dma_wait3A = arith.constant 0 : i32
    %dma_wait3A_15 = tpu.memref_slice %arg11[%mul3A_2, %dma_wait3A] : memref<10112x128xf32, #tpu.memory_space<vmem_shared>> -> memref<632x128xf32, #tpu.memory_space<vmem_shared>>
    tpu.wait_dma2 semaphore(%arg14 : memref<!tpu.dma_semaphore, #tpu.memory_space<semaphore_mem>>) src(%arg5 : memref<632x128xf32, #tpu.memory_space<hbm>>) dst(%dma_wait3A_15 : memref<632x128xf32, #tpu.memory_space<vmem_shared>>)
    %barrier3A = arith.constant 0 : index
    tpu.barrier barrier_id(%barrier3A)
    %scan3A = arith.constant 0 : i32
    %scan3A_16 = arith.constant 0 : i32
    %scan3A_17 = arith.constant 20 : i32
    %scan3A_18 = arith.addi %scan3A_16, %scan3A_17 : i32
    %scan3A_19 = arith.constant 1 : i32
    scf.for %scan3A_51 = %scan3A_16 to %scan3A_18 step %scan3A_19  : i32 {
      %mul3A_52 = arith.constant 2 : i32
      %mul3A_53 = arith.muli %mul3A_52, %scan3A_51 : i32
      %add3A_54 = arith.constant 1 : i32
      %add3A_55 = arith.addi %mul3A_53, %add3A_54 : i32
      %dma_start3A_56 = arith.constant 0 : i32
      %dma_start3A_57 = tpu.memref_slice %arg7[%add3A_55, %dma_start3A_56] : memref<40x128xi32, #tpu.memory_space<vmem>> -> memref<1x128xi32, #tpu.memory_space<vmem>>
      %dma_start3A_58 = tpu.memref_squeeze %dma_start3A_57 : memref<1x128xi32, #tpu.memory_space<vmem>> -> memref<128xi32, #tpu.memory_space<vmem>>
      %dma_start3A_59 = arith.constant 0 : i32
      %dma_start3A_60 = arith.constant 0 : i32
      %dma_start3A_61 = tpu.memref_slice %arg2[%dma_start3A_59, %dma_start3A_60] : memref<10000x128xf32, #tpu.memory_space<hbm>> -> memref<10000x128xf32, #tpu.memory_space<hbm>>
      tpu.enqueue_indirect_dma source(%dma_start3A_61 : memref<10000x128xf32, #tpu.memory_space<hbm>>) target(%arg10 : memref<128x128xf32, #tpu.memory_space<vmem>>) offsets(%dma_start3A_58 : memref<128xi32, #tpu.memory_space<vmem>>) semaphore(%arg13 : memref<!tpu.dma_semaphore, #tpu.memory_space<semaphore_mem>>)
      %dma_wait3A_62 = arith.constant 0 : i32
      %dma_wait3A_63 = arith.constant 0 : i32
      %dma_wait3A_64 = tpu.memref_slice %arg2[%dma_wait3A_62, %dma_wait3A_63] : memref<10000x128xf32, #tpu.memory_space<hbm>> -> memref<128x128xf32, #tpu.memory_space<hbm>>
      %dma_wait3A_65 = arith.constant 0 : i32
      %dma_wait3A_66 = arith.constant 0 : i32
      %dma_wait3A_67 = tpu.memref_slice %arg2[%dma_wait3A_65, %dma_wait3A_66] : memref<10000x128xf32, #tpu.memory_space<hbm>> -> memref<128x128xf32, #tpu.memory_space<hbm>>
      tpu.wait_dma2 semaphore(%arg12 : memref<!tpu.dma_semaphore, #tpu.memory_space<semaphore_mem>>) src(%dma_wait3A_67 : memref<128x128xf32, #tpu.memory_space<hbm>>) dst(%arg9 : memref<128x128xf32, #tpu.memory_space<vmem>>)
      "tpu.region"() ({
        %run_scoped3A = tpu.sem_alloc : memref<!tpu.dma_semaphore, #tpu.memory_space<semaphore_mem>>
        %dma_start3A_83 = arith.constant 0 : i32
        %dma_start3A_84 = tpu.memref_slice %arg8[%mul3A_53, %dma_start3A_83] : memref<40x128xi32, #tpu.memory_space<vmem>> -> memref<1x128xi32, #tpu.memory_space<vmem>>
        %dma_start3A_85 = tpu.memref_squeeze %dma_start3A_84 : memref<1x128xi32, #tpu.memory_space<vmem>> -> memref<128xi32, #tpu.memory_space<vmem>>
        %dma_start3A_86 = arith.constant 0 : i32
        %dma_start3A_87 = arith.constant 0 : i32
        %dma_start3A_88 = tpu.memref_slice %arg11[%dma_start3A_86, %dma_start3A_87] : memref<10112x128xf32, #tpu.memory_space<vmem_shared>> -> memref<10112x128xf32, #tpu.memory_space<vmem_shared>>
        tpu.enqueue_indirect_dma source(%arg9 : memref<128x128xf32, #tpu.memory_space<vmem>>) target(%dma_start3A_88 : memref<10112x128xf32, #tpu.memory_space<vmem_shared>>) offsets(%dma_start3A_85 : memref<128xi32, #tpu.memory_space<vmem>>) semaphore(%run_scoped3A : memref<!tpu.dma_semaphore, #tpu.memory_space<semaphore_mem>>) {add = true}
        %dma_wait3A_89 = arith.constant 0 : i32
        %dma_wait3A_90 = tpu.memref_slice %arg8[%mul3A_53, %dma_wait3A_89] : memref<40x128xi32, #tpu.memory_space<vmem>> -> memref<1x128xi32, #tpu.memory_space<vmem>>
        %dma_wait3A_91 = tpu.memref_squeeze %dma_wait3A_90 : memref<1x128xi32, #tpu.memory_space<vmem>> -> memref<128xi32, #tpu.memory_space<vmem>>
        %dma_wait3A_92 = arith.constant 0 : i32
        %dma_wait3A_93 = arith.constant 0 : i32
        %dma_wait3A_94 = tpu.memref_slice %arg11[%dma_wait3A_92, %dma_wait3A_93] : memref<10112x128xf32, #tpu.memory_space<vmem_shared>> -> memref<10112x128xf32, #tpu.memory_space<vmem_shared>>
        tpu.wait_indirect_dma semaphore(%run_scoped3A : memref<!tpu.dma_semaphore, #tpu.memory_space<semaphore_mem>>) src(%arg9 : memref<128x128xf32, #tpu.memory_space<vmem>>) dst(%dma_wait3A_94 : memref<10112x128xf32, #tpu.memory_space<vmem_shared>>)
        tpu.yield
      }) : () -> ()
      %add3A_68 = arith.constant 1 : i32
      %add3A_69 = arith.addi %add3A_55, %add3A_68 : i32
      %min3A = arith.constant 39 : i32
      %min3A_70 = arith.minsi %add3A_69, %min3A : i32
      %dma_start3A_71 = arith.constant 0 : i32
      %dma_start3A_72 = tpu.memref_slice %arg7[%min3A_70, %dma_start3A_71] : memref<40x128xi32, #tpu.memory_space<vmem>> -> memref<1x128xi32, #tpu.memory_space<vmem>>
      %dma_start3A_73 = tpu.memref_squeeze %dma_start3A_72 : memref<1x128xi32, #tpu.memory_space<vmem>> -> memref<128xi32, #tpu.memory_space<vmem>>
      %dma_start3A_74 = arith.constant 0 : i32
      %dma_start3A_75 = arith.constant 0 : i32
      %dma_start3A_76 = tpu.memref_slice %arg2[%dma_start3A_74, %dma_start3A_75] : memref<10000x128xf32, #tpu.memory_space<hbm>> -> memref<10000x128xf32, #tpu.memory_space<hbm>>
      tpu.enqueue_indirect_dma source(%dma_start3A_76 : memref<10000x128xf32, #tpu.memory_space<hbm>>) target(%arg9 : memref<128x128xf32, #tpu.memory_space<vmem>>) offsets(%dma_start3A_73 : memref<128xi32, #tpu.memory_space<vmem>>) semaphore(%arg12 : memref<!tpu.dma_semaphore, #tpu.memory_space<semaphore_mem>>)
      %dma_wait3A_77 = arith.constant 0 : i32
      %dma_wait3A_78 = arith.constant 0 : i32
      %dma_wait3A_79 = tpu.memref_slice %arg2[%dma_wait3A_77, %dma_wait3A_78] : memref<10000x128xf32, #tpu.memory_space<hbm>> -> memref<128x128xf32, #tpu.memory_space<hbm>>
      %dma_wait3A_80 = arith.constant 0 : i32
      %dma_wait3A_81 = arith.constant 0 : i32
      %dma_wait3A_82 = tpu.memref_slice %arg2[%dma_wait3A_80, %dma_wait3A_81] : memref<10000x128xf32, #tpu.memory_space<hbm>> -> memref<128x128xf32, #tpu.memory_space<hbm>>
      tpu.wait_dma2 semaphore(%arg13 : memref<!tpu.dma_semaphore, #tpu.memory_space<semaphore_mem>>) src(%dma_wait3A_82 : memref<128x128xf32, #tpu.memory_space<hbm>>) dst(%arg10 : memref<128x128xf32, #tpu.memory_space<vmem>>)
      "tpu.region"() ({
        %run_scoped3A = tpu.sem_alloc : memref<!tpu.dma_semaphore, #tpu.memory_space<semaphore_mem>>
        %dma_start3A_83 = arith.constant 0 : i32
        %dma_start3A_84 = tpu.memref_slice %arg8[%add3A_55, %dma_start3A_83] : memref<40x128xi32, #tpu.memory_space<vmem>> -> memref<1x128xi32, #tpu.memory_space<vmem>>
        %dma_start3A_85 = tpu.memref_squeeze %dma_start3A_84 : memref<1x128xi32, #tpu.memory_space<vmem>> -> memref<128xi32, #tpu.memory_space<vmem>>
        %dma_start3A_86 = arith.constant 0 : i32
        %dma_start3A_87 = arith.constant 0 : i32
        %dma_start3A_88 = tpu.memref_slice %arg11[%dma_start3A_86, %dma_start3A_87] : memref<10112x128xf32, #tpu.memory_space<vmem_shared>> -> memref<10112x128xf32, #tpu.memory_space<vmem_shared>>
        tpu.enqueue_indirect_dma source(%arg10 : memref<128x128xf32, #tpu.memory_space<vmem>>) target(%dma_start3A_88 : memref<10112x128xf32, #tpu.memory_space<vmem_shared>>) offsets(%dma_start3A_85 : memref<128xi32, #tpu.memory_space<vmem>>) semaphore(%run_scoped3A : memref<!tpu.dma_semaphore, #tpu.memory_space<semaphore_mem>>) {add = true}
        %dma_wait3A_89 = arith.constant 0 : i32
        %dma_wait3A_90 = tpu.memref_slice %arg8[%add3A_55, %dma_wait3A_89] : memref<40x128xi32, #tpu.memory_space<vmem>> -> memref<1x128xi32, #tpu.memory_space<vmem>>
        %dma_wait3A_91 = tpu.memref_squeeze %dma_wait3A_90 : memref<1x128xi32, #tpu.memory_space<vmem>> -> memref<128xi32, #tpu.memory_space<vmem>>
        %dma_wait3A_92 = arith.constant 0 : i32
        %dma_wait3A_93 = arith.constant 0 : i32
        %dma_wait3A_94 = tpu.memref_slice %arg11[%dma_wait3A_92, %dma_wait3A_93] : memref<10112x128xf32, #tpu.memory_space<vmem_shared>> -> memref<10112x128xf32, #tpu.memory_space<vmem_shared>>
        tpu.wait_indirect_dma semaphore(%run_scoped3A : memref<!tpu.dma_semaphore, #tpu.memory_space<semaphore_mem>>) src(%arg10 : memref<128x128xf32, #tpu.memory_space<vmem>>) dst(%dma_wait3A_94 : memref<10112x128xf32, #tpu.memory_space<vmem_shared>>)
        tpu.yield
      }) : () -> ()
    }
    %scan3A_20 = arith.constant 20 : i32
    %dma_wait3A_21 = arith.constant 0 : i32
    %dma_wait3A_22 = arith.constant 0 : i32
    %dma_wait3A_23 = tpu.memref_slice %arg2[%dma_wait3A_21, %dma_wait3A_22] : memref<10000x128xf32, #tpu.memory_space<hbm>> -> memref<128x128xf32, #tpu.memory_space<hbm>>
    %dma_wait3A_24 = arith.constant 0 : i32
    %dma_wait3A_25 = arith.constant 0 : i32
    %dma_wait3A_26 = tpu.memref_slice %arg2[%dma_wait3A_24, %dma_wait3A_25] : memref<10000x128xf32, #tpu.memory_space<hbm>> -> memref<128x128xf32, #tpu.memory_space<hbm>>
    tpu.wait_dma2 semaphore(%arg12 : memref<!tpu.dma_semaphore, #tpu.memory_space<semaphore_mem>>) src(%dma_wait3A_26 : memref<128x128xf32, #tpu.memory_space<hbm>>) dst(%arg9 : memref<128x128xf32, #tpu.memory_space<vmem>>)
    %mul3A_27 = arith.constant 80 : i32
    %mul3A_28 = arith.muli %add3A, %mul3A_27 : i32
    %add3A_29 = arith.constant 40 : i32
    %add3A_30 = arith.addi %mul3A_28, %add3A_29 : i32
    "tpu.region"() ({
      %run_scoped3A = tpu.sem_alloc : memref<!tpu.dma_semaphore, #tpu.memory_space<semaphore_mem>>
      %dma_start3A_51 = arith.constant 0 : i32
      %dma_start3A_52 = tpu.memref_slice %arg3[%add3A_30, %dma_start3A_51] : memref<2560x128xi32, #tpu.memory_space<hbm>> -> memref<40x128xi32, #tpu.memory_space<hbm>>
      %dma_start3A_53 = arith.constant 0 : i32
      %dma_start3A_54 = tpu.memref_slice %arg3[%add3A_30, %dma_start3A_53] : memref<2560x128xi32, #tpu.memory_space<hbm>> -> memref<40x128xi32, #tpu.memory_space<hbm>>
      tpu.enqueue_dma source(%dma_start3A_54 : memref<40x128xi32, #tpu.memory_space<hbm>>) target(%arg7 : memref<40x128xi32, #tpu.memory_space<vmem>>) target_semaphore(%run_scoped3A : memref<!tpu.dma_semaphore, #tpu.memory_space<semaphore_mem>>)
      %dma_wait3A_55 = arith.constant 0 : i32
      %dma_wait3A_56 = tpu.memref_slice %arg3[%add3A_30, %dma_wait3A_55] : memref<2560x128xi32, #tpu.memory_space<hbm>> -> memref<40x128xi32, #tpu.memory_space<hbm>>
      %dma_wait3A_57 = arith.constant 0 : i32
      %dma_wait3A_58 = tpu.memref_slice %arg3[%add3A_30, %dma_wait3A_57] : memref<2560x128xi32, #tpu.memory_space<hbm>> -> memref<40x128xi32, #tpu.memory_space<hbm>>
      tpu.wait_dma2 semaphore(%run_scoped3A : memref<!tpu.dma_semaphore, #tpu.memory_space<semaphore_mem>>) src(%dma_wait3A_58 : memref<40x128xi32, #tpu.memory_space<hbm>>) dst(%arg7 : memref<40x128xi32, #tpu.memory_space<vmem>>)
      tpu.yield
    }) : () -> ()
    "tpu.region"() ({
      %run_scoped3A = tpu.sem_alloc : memref<!tpu.dma_semaphore, #tpu.memory_space<semaphore_mem>>
      %dma_start3A_51 = arith.constant 0 : i32
      %dma_start3A_52 = tpu.memref_slice %arg4[%add3A_30, %dma_start3A_51] : memref<2560x128xi32, #tpu.memory_space<hbm>> -> memref<40x128xi32, #tpu.memory_space<hbm>>
      %dma_start3A_53 = arith.constant 0 : i32
      %dma_start3A_54 = tpu.memref_slice %arg4[%add3A_30, %dma_start3A_53] : memref<2560x128xi32, #tpu.memory_space<hbm>> -> memref<40x128xi32, #tpu.memory_space<hbm>>
      tpu.enqueue_dma source(%dma_start3A_54 : memref<40x128xi32, #tpu.memory_space<hbm>>) target(%arg8 : memref<40x128xi32, #tpu.memory_space<vmem>>) target_semaphore(%run_scoped3A : memref<!tpu.dma_semaphore, #tpu.memory_space<semaphore_mem>>)
      %dma_wait3A_55 = arith.constant 0 : i32
      %dma_wait3A_56 = tpu.memref_slice %arg4[%add3A_30, %dma_wait3A_55] : memref<2560x128xi32, #tpu.memory_space<hbm>> -> memref<40x128xi32, #tpu.memory_space<hbm>>
      %dma_wait3A_57 = arith.constant 0 : i32
      %dma_wait3A_58 = tpu.memref_slice %arg4[%add3A_30, %dma_wait3A_57] : memref<2560x128xi32, #tpu.memory_space<hbm>> -> memref<40x128xi32, #tpu.memory_space<hbm>>
      tpu.wait_dma2 semaphore(%run_scoped3A : memref<!tpu.dma_semaphore, #tpu.memory_space<semaphore_mem>>) src(%dma_wait3A_58 : memref<40x128xi32, #tpu.memory_space<hbm>>) dst(%arg8 : memref<40x128xi32, #tpu.memory_space<vmem>>)
      tpu.yield
    }) : () -> ()
    %dma_start3A_31 = arith.constant 0 : i32
    %dma_start3A_32 = arith.constant 0 : i32
    %dma_start3A_33 = tpu.memref_slice %arg7[%dma_start3A_31, %dma_start3A_32] : memref<40x128xi32, #tpu.memory_space<vmem>> -> memref<1x128xi32, #tpu.memory_space<vmem>>
    %dma_start3A_34 = tpu.memref_squeeze %dma_start3A_33 : memref<1x128xi32, #tpu.memory_space<vmem>> -> memref<128xi32, #tpu.memory_space<vmem>>
    %dma_start3A_35 = arith.constant 0 : i32
    %dma_start3A_36 = arith.constant 0 : i32
    %dma_start3A_37 = tpu.memref_slice %arg2[%dma_start3A_35, %dma_start3A_36] : memref<10000x128xf32, #tpu.memory_space<hbm>> -> memref<10000x128xf32, #tpu.memory_space<hbm>>
    tpu.enqueue_indirect_dma source(%dma_start3A_37 : memref<10000x128xf32, #tpu.memory_space<hbm>>) target(%arg9 : memref<128x128xf32, #tpu.memory_space<vmem>>) offsets(%dma_start3A_34 : memref<128xi32, #tpu.memory_space<vmem>>) semaphore(%arg12 : memref<!tpu.dma_semaphore, #tpu.memory_space<semaphore_mem>>)
    %scan3A_38 = arith.constant 0 : i32
    %scan3A_39 = arith.constant 0 : i32
    %scan3A_40 = arith.constant 20 : i32
    %scan3A_41 = arith.addi %scan3A_39, %scan3A_40 : i32
    %scan3A_42 = arith.constant 1 : i32
    scf.for %scan3A_51 = %scan3A_39 to %scan3A_41 step %scan3A_42  : i32 {
      %mul3A_52 = arith.constant 2 : i32
      %mul3A_53 = arith.muli %mul3A_52, %scan3A_51 : i32
      %add3A_54 = arith.constant 1 : i32
      %add3A_55 = arith.addi %mul3A_53, %add3A_54 : i32
      %dma_start3A_56 = arith.constant 0 : i32
      %dma_start3A_57 = tpu.memref_slice %arg7[%add3A_55, %dma_start3A_56] : memref<40x128xi32, #tpu.memory_space<vmem>> -> memref<1x128xi32, #tpu.memory_space<vmem>>
      %dma_start3A_58 = tpu.memref_squeeze %dma_start3A_57 : memref<1x128xi32, #tpu.memory_space<vmem>> -> memref<128xi32, #tpu.memory_space<vmem>>
      %dma_start3A_59 = arith.constant 0 : i32
      %dma_start3A_60 = arith.constant 0 : i32
      %dma_start3A_61 = tpu.memref_slice %arg2[%dma_start3A_59, %dma_start3A_60] : memref<10000x128xf32, #tpu.memory_space<hbm>> -> memref<10000x128xf32, #tpu.memory_space<hbm>>
      tpu.enqueue_indirect_dma source(%dma_start3A_61 : memref<10000x128xf32, #tpu.memory_space<hbm>>) target(%arg10 : memref<128x128xf32, #tpu.memory_space<vmem>>) offsets(%dma_start3A_58 : memref<128xi32, #tpu.memory_space<vmem>>) semaphore(%arg13 : memref<!tpu.dma_semaphore, #tpu.memory_space<semaphore_mem>>)
      %dma_wait3A_62 = arith.constant 0 : i32
      %dma_wait3A_63 = arith.constant 0 : i32
      %dma_wait3A_64 = tpu.memref_slice %arg2[%dma_wait3A_62, %dma_wait3A_63] : memref<10000x128xf32, #tpu.memory_space<hbm>> -> memref<128x128xf32, #tpu.memory_space<hbm>>
      %dma_wait3A_65 = arith.constant 0 : i32
      %dma_wait3A_66 = arith.constant 0 : i32
      %dma_wait3A_67 = tpu.memref_slice %arg2[%dma_wait3A_65, %dma_wait3A_66] : memref<10000x128xf32, #tpu.memory_space<hbm>> -> memref<128x128xf32, #tpu.memory_space<hbm>>
      tpu.wait_dma2 semaphore(%arg12 : memref<!tpu.dma_semaphore, #tpu.memory_space<semaphore_mem>>) src(%dma_wait3A_67 : memref<128x128xf32, #tpu.memory_space<hbm>>) dst(%arg9 : memref<128x128xf32, #tpu.memory_space<vmem>>)
      "tpu.region"() ({
        %run_scoped3A = tpu.sem_alloc : memref<!tpu.dma_semaphore, #tpu.memory_space<semaphore_mem>>
        %dma_start3A_83 = arith.constant 0 : i32
        %dma_start3A_84 = tpu.memref_slice %arg8[%mul3A_53, %dma_start3A_83] : memref<40x128xi32, #tpu.memory_space<vmem>> -> memref<1x128xi32, #tpu.memory_space<vmem>>
        %dma_start3A_85 = tpu.memref_squeeze %dma_start3A_84 : memref<1x128xi32, #tpu.memory_space<vmem>> -> memref<128xi32, #tpu.memory_space<vmem>>
        %dma_start3A_86 = arith.constant 0 : i32
        %dma_start3A_87 = arith.constant 0 : i32
        %dma_start3A_88 = tpu.memref_slice %arg11[%dma_start3A_86, %dma_start3A_87] : memref<10112x128xf32, #tpu.memory_space<vmem_shared>> -> memref<10112x128xf32, #tpu.memory_space<vmem_shared>>
        tpu.enqueue_indirect_dma source(%arg9 : memref<128x128xf32, #tpu.memory_space<vmem>>) target(%dma_start3A_88 : memref<10112x128xf32, #tpu.memory_space<vmem_shared>>) offsets(%dma_start3A_85 : memref<128xi32, #tpu.memory_space<vmem>>) semaphore(%run_scoped3A : memref<!tpu.dma_semaphore, #tpu.memory_space<semaphore_mem>>) {add = true}
        %dma_wait3A_89 = arith.constant 0 : i32
        %dma_wait3A_90 = tpu.memref_slice %arg8[%mul3A_53, %dma_wait3A_89] : memref<40x128xi32, #tpu.memory_space<vmem>> -> memref<1x128xi32, #tpu.memory_space<vmem>>
        %dma_wait3A_91 = tpu.memref_squeeze %dma_wait3A_90 : memref<1x128xi32, #tpu.memory_space<vmem>> -> memref<128xi32, #tpu.memory_space<vmem>>
        %dma_wait3A_92 = arith.constant 0 : i32
        %dma_wait3A_93 = arith.constant 0 : i32
        %dma_wait3A_94 = tpu.memref_slice %arg11[%dma_wait3A_92, %dma_wait3A_93] : memref<10112x128xf32, #tpu.memory_space<vmem_shared>> -> memref<10112x128xf32, #tpu.memory_space<vmem_shared>>
        tpu.wait_indirect_dma semaphore(%run_scoped3A : memref<!tpu.dma_semaphore, #tpu.memory_space<semaphore_mem>>) src(%arg9 : memref<128x128xf32, #tpu.memory_space<vmem>>) dst(%dma_wait3A_94 : memref<10112x128xf32, #tpu.memory_space<vmem_shared>>)
        tpu.yield
      }) : () -> ()
      %add3A_68 = arith.constant 1 : i32
      %add3A_69 = arith.addi %add3A_55, %add3A_68 : i32
      %min3A = arith.constant 39 : i32
      %min3A_70 = arith.minsi %add3A_69, %min3A : i32
      %dma_start3A_71 = arith.constant 0 : i32
      %dma_start3A_72 = tpu.memref_slice %arg7[%min3A_70, %dma_start3A_71] : memref<40x128xi32, #tpu.memory_space<vmem>> -> memref<1x128xi32, #tpu.memory_space<vmem>>
      %dma_start3A_73 = tpu.memref_squeeze %dma_start3A_72 : memref<1x128xi32, #tpu.memory_space<vmem>> -> memref<128xi32, #tpu.memory_space<vmem>>
      %dma_start3A_74 = arith.constant 0 : i32
      %dma_start3A_75 = arith.constant 0 : i32
      %dma_start3A_76 = tpu.memref_slice %arg2[%dma_start3A_74, %dma_start3A_75] : memref<10000x128xf32, #tpu.memory_space<hbm>> -> memref<10000x128xf32, #tpu.memory_space<hbm>>
      tpu.enqueue_indirect_dma source(%dma_start3A_76 : memref<10000x128xf32, #tpu.memory_space<hbm>>) target(%arg9 : memref<128x128xf32, #tpu.memory_space<vmem>>) offsets(%dma_start3A_73 : memref<128xi32, #tpu.memory_space<vmem>>) semaphore(%arg12 : memref<!tpu.dma_semaphore, #tpu.memory_space<semaphore_mem>>)
      %dma_wait3A_77 = arith.constant 0 : i32
      %dma_wait3A_78 = arith.constant 0 : i32
      %dma_wait3A_79 = tpu.memref_slice %arg2[%dma_wait3A_77, %dma_wait3A_78] : memref<10000x128xf32, #tpu.memory_space<hbm>> -> memref<128x128xf32, #tpu.memory_space<hbm>>
      %dma_wait3A_80 = arith.constant 0 : i32
      %dma_wait3A_81 = arith.constant 0 : i32
      %dma_wait3A_82 = tpu.memref_slice %arg2[%dma_wait3A_80, %dma_wait3A_81] : memref<10000x128xf32, #tpu.memory_space<hbm>> -> memref<128x128xf32, #tpu.memory_space<hbm>>
      tpu.wait_dma2 semaphore(%arg13 : memref<!tpu.dma_semaphore, #tpu.memory_space<semaphore_mem>>) src(%dma_wait3A_82 : memref<128x128xf32, #tpu.memory_space<hbm>>) dst(%arg10 : memref<128x128xf32, #tpu.memory_space<vmem>>)
      "tpu.region"() ({
        %run_scoped3A = tpu.sem_alloc : memref<!tpu.dma_semaphore, #tpu.memory_space<semaphore_mem>>
        %dma_start3A_83 = arith.constant 0 : i32
        %dma_start3A_84 = tpu.memref_slice %arg8[%add3A_55, %dma_start3A_83] : memref<40x128xi32, #tpu.memory_space<vmem>> -> memref<1x128xi32, #tpu.memory_space<vmem>>
        %dma_start3A_85 = tpu.memref_squeeze %dma_start3A_84 : memref<1x128xi32, #tpu.memory_space<vmem>> -> memref<128xi32, #tpu.memory_space<vmem>>
        %dma_start3A_86 = arith.constant 0 : i32
        %dma_start3A_87 = arith.constant 0 : i32
        %dma_start3A_88 = tpu.memref_slice %arg11[%dma_start3A_86, %dma_start3A_87] : memref<10112x128xf32, #tpu.memory_space<vmem_shared>> -> memref<10112x128xf32, #tpu.memory_space<vmem_shared>>
        tpu.enqueue_indirect_dma source(%arg10 : memref<128x128xf32, #tpu.memory_space<vmem>>) target(%dma_start3A_88 : memref<10112x128xf32, #tpu.memory_space<vmem_shared>>) offsets(%dma_start3A_85 : memref<128xi32, #tpu.memory_space<vmem>>) semaphore(%run_scoped3A : memref<!tpu.dma_semaphore, #tpu.memory_space<semaphore_mem>>) {add = true}
        %dma_wait3A_89 = arith.constant 0 : i32
        %dma_wait3A_90 = tpu.memref_slice %arg8[%add3A_55, %dma_wait3A_89] : memref<40x128xi32, #tpu.memory_space<vmem>> -> memref<1x128xi32, #tpu.memory_space<vmem>>
        %dma_wait3A_91 = tpu.memref_squeeze %dma_wait3A_90 : memref<1x128xi32, #tpu.memory_space<vmem>> -> memref<128xi32, #tpu.memory_space<vmem>>
        %dma_wait3A_92 = arith.constant 0 : i32
        %dma_wait3A_93 = arith.constant 0 : i32
        %dma_wait3A_94 = tpu.memref_slice %arg11[%dma_wait3A_92, %dma_wait3A_93] : memref<10112x128xf32, #tpu.memory_space<vmem_shared>> -> memref<10112x128xf32, #tpu.memory_space<vmem_shared>>
        tpu.wait_indirect_dma semaphore(%run_scoped3A : memref<!tpu.dma_semaphore, #tpu.memory_space<semaphore_mem>>) src(%arg10 : memref<128x128xf32, #tpu.memory_space<vmem>>) dst(%dma_wait3A_94 : memref<10112x128xf32, #tpu.memory_space<vmem_shared>>)
        tpu.yield
      }) : () -> ()
    }
    %scan3A_43 = arith.constant 20 : i32
    %dma_wait3A_44 = arith.constant 0 : i32
    %dma_wait3A_45 = arith.constant 0 : i32
    %dma_wait3A_46 = tpu.memref_slice %arg2[%dma_wait3A_44, %dma_wait3A_45] : memref<10000x128xf32, #tpu.memory_space<hbm>> -> memref<128x128xf32, #tpu.memory_space<hbm>>
    %dma_wait3A_47 = arith.constant 0 : i32
    %dma_wait3A_48 = arith.constant 0 : i32
    %dma_wait3A_49 = tpu.memref_slice %arg2[%dma_wait3A_47, %dma_wait3A_48] : memref<10000x128xf32, #tpu.memory_space<hbm>> -> memref<128x128xf32, #tpu.memory_space<hbm>>
    tpu.wait_dma2 semaphore(%arg12 : memref<!tpu.dma_semaphore, #tpu.memory_space<semaphore_mem>>) src(%dma_wait3A_49 : memref<128x128xf32, #tpu.memory_space<hbm>>) dst(%arg9 : memref<128x128xf32, #tpu.memory_space<vmem>>)
    %barrier3A_50 = arith.constant 0 : index
    tpu.barrier barrier_id(%barrier3A_50)
    "tpu.region"() ({
      %run_scoped3A = tpu.sem_alloc : memref<!tpu.dma_semaphore, #tpu.memory_space<semaphore_mem>>
      %dma_start3A_51 = arith.constant 0 : i32
      %dma_start3A_52 = tpu.memref_slice %arg6[%arg0, %mul3A_2, %dma_start3A_51] : memref<2x10112x128xf32, #tpu.memory_space<hbm>> -> memref<1x632x128xf32, #tpu.memory_space<hbm>>
      %dma_start3A_53 = tpu.memref_squeeze %dma_start3A_52 : memref<1x632x128xf32, #tpu.memory_space<hbm>> -> memref<632x128xf32, #tpu.memory_space<hbm>>
      %dma_start3A_54 = arith.constant 0 : i32
      %dma_start3A_55 = tpu.memref_slice %arg11[%mul3A_2, %dma_start3A_54] : memref<10112x128xf32, #tpu.memory_space<vmem_shared>> -> memref<632x128xf32, #tpu.memory_space<vmem_shared>>
      tpu.enqueue_dma source(%dma_start3A_55 : memref<632x128xf32, #tpu.memory_space<vmem_shared>>) target(%dma_start3A_53 : memref<632x128xf32, #tpu.memory_space<hbm>>) target_semaphore(%run_scoped3A : memref<!tpu.dma_semaphore, #tpu.memory_space<semaphore_mem>>)
      %dma_wait3A_56 = arith.constant 0 : i32
      %dma_wait3A_57 = tpu.memref_slice %arg6[%arg0, %mul3A_2, %dma_wait3A_56] : memref<2x10112x128xf32, #tpu.memory_space<hbm>> -> memref<1x632x128xf32, #tpu.memory_space<hbm>>
      %dma_wait3A_58 = tpu.memref_squeeze %dma_wait3A_57 : memref<1x632x128xf32, #tpu.memory_space<hbm>> -> memref<632x128xf32, #tpu.memory_space<hbm>>
      %dma_wait3A_59 = arith.constant 0 : i32
      %dma_wait3A_60 = tpu.memref_slice %arg11[%mul3A_2, %dma_wait3A_59] : memref<10112x128xf32, #tpu.memory_space<vmem_shared>> -> memref<632x128xf32, #tpu.memory_space<vmem_shared>>
      tpu.wait_dma2 semaphore(%run_scoped3A : memref<!tpu.dma_semaphore, #tpu.memory_space<semaphore_mem>>) src(%dma_wait3A_60 : memref<632x128xf32, #tpu.memory_space<vmem_shared>>) dst(%dma_wait3A_58 : memref<632x128xf32, #tpu.memory_space<hbm>>)
      tpu.yield
    }) : () -> ()
    return
  }
}

#map = affine_map<(d0, d1) -> (0, 0)>
#map1 = affine_map<(d0, d1) -> (0, 0, 0)>
module attributes {stable_mosaic.version = 14 : i64} {
  func.func @scat_kernel(%arg0: i32, %arg1: i32, %arg2: memref<10000x128xf32, #tpu.memory_space<hbm>>, %arg3: memref<2560x128xi32, #tpu.memory_space<hbm>>, %arg4: memref<2560x128xi32, #tpu.memory_space<hbm>>, %arg5: memref<632x128xf32, #tpu.memory_space<hbm>>, %arg6: memref<2x10112x128xf32, #tpu.memory_space<hbm>>, %arg7: memref<40x128xi32, #tpu.memory_space<vmem>>, %arg8: memref<40x128xi32, #tpu.memory_space<vmem>>, %arg9: memref<128x128xf32, #tpu.memory_space<vmem>>, %arg10: memref<128x128xf32, #tpu.memory_space<vmem>>, %arg11: memref<10112x128xf32, #tpu.memory_space<vmem_shared>>, %arg12: memref<!tpu.dma_semaphore, #tpu.memory_space<semaphore_mem>>, %arg13: memref<!tpu.dma_semaphore, #tpu.memory_space<semaphore_mem>>, %arg14: memref<!tpu.dma_semaphore, #tpu.memory_space<semaphore_mem>>) attributes {dimension_semantics = [#tpu.dimension_semantics<core_parallel>, #tpu.dimension_semantics<subcore_parallel>], iteration_bounds = array<i64: 2, 16>, scalar_prefetch = 0 : i64, scratch_operands = 8 : i64, tpu.core_type = #tpu.core_type<sc_vector_subcore>, window_params = [{transform_indices = #map}, {transform_indices = #map}, {transform_indices = #map}, {transform_indices = #map}, {transform_indices = #map1}]} {
    %mul3A = arith.constant 2 : i32
    %mul3A_0 = arith.muli %arg1, %mul3A : i32
    %add3A = arith.addi %mul3A_0, %arg0 : i32
    %mul3A_1 = arith.constant 632 : i32
    %mul3A_2 = arith.muli %arg1, %mul3A_1 : i32
    %dma_start3A = arith.constant 0 : i32
    %dma_start3A_3 = tpu.memref_slice %arg11[%mul3A_2, %dma_start3A] : memref<10112x128xf32, #tpu.memory_space<vmem_shared>> -> memref<632x128xf32, #tpu.memory_space<vmem_shared>>
    tpu.enqueue_dma source(%arg5 : memref<632x128xf32, #tpu.memory_space<hbm>>) target(%dma_start3A_3 : memref<632x128xf32, #tpu.memory_space<vmem_shared>>) target_semaphore(%arg14 : memref<!tpu.dma_semaphore, #tpu.memory_space<semaphore_mem>>)
    %mul3A_4 = arith.constant 80 : i32
    %mul3A_5 = arith.muli %add3A, %mul3A_4 : i32
    %add3A_6 = arith.constant 0 : i32
    %add3A_7 = arith.addi %mul3A_5, %add3A_6 : i32
    "tpu.region"() ({
      %run_scoped3A = tpu.sem_alloc : memref<!tpu.dma_semaphore, #tpu.memory_space<semaphore_mem>>
      %dma_start3A_51 = arith.constant 0 : i32
      %dma_start3A_52 = tpu.memref_slice %arg3[%add3A_7, %dma_start3A_51] : memref<2560x128xi32, #tpu.memory_space<hbm>> -> memref<40x128xi32, #tpu.memory_space<hbm>>
      %dma_start3A_53 = arith.constant 0 : i32
      %dma_start3A_54 = tpu.memref_slice %arg3[%add3A_7, %dma_start3A_53] : memref<2560x128xi32, #tpu.memory_space<hbm>> -> memref<40x128xi32, #tpu.memory_space<hbm>>
      tpu.enqueue_dma source(%dma_start3A_54 : memref<40x128xi32, #tpu.memory_space<hbm>>) target(%arg7 : memref<40x128xi32, #tpu.memory_space<vmem>>) target_semaphore(%run_scoped3A : memref<!tpu.dma_semaphore, #tpu.memory_space<semaphore_mem>>)
      %dma_wait3A_55 = arith.constant 0 : i32
      %dma_wait3A_56 = tpu.memref_slice %arg3[%add3A_7, %dma_wait3A_55] : memref<2560x128xi32, #tpu.memory_space<hbm>> -> memref<40x128xi32, #tpu.memory_space<hbm>>
      %dma_wait3A_57 = arith.constant 0 : i32
      %dma_wait3A_58 = tpu.memref_slice %arg3[%add3A_7, %dma_wait3A_57] : memref<2560x128xi32, #tpu.memory_space<hbm>> -> memref<40x128xi32, #tpu.memory_space<hbm>>
      tpu.wait_dma2 semaphore(%run_scoped3A : memref<!tpu.dma_semaphore, #tpu.memory_space<semaphore_mem>>) src(%dma_wait3A_58 : memref<40x128xi32, #tpu.memory_space<hbm>>) dst(%arg7 : memref<40x128xi32, #tpu.memory_space<vmem>>)
      tpu.yield
    }) : () -> ()
    "tpu.region"() ({
      %run_scoped3A = tpu.sem_alloc : memref<!tpu.dma_semaphore, #tpu.memory_space<semaphore_mem>>
      %dma_start3A_51 = arith.constant 0 : i32
      %dma_start3A_52 = tpu.memref_slice %arg4[%add3A_7, %dma_start3A_51] : memref<2560x128xi32, #tpu.memory_space<hbm>> -> memref<40x128xi32, #tpu.memory_space<hbm>>
      %dma_start3A_53 = arith.constant 0 : i32
      %dma_start3A_54 = tpu.memref_slice %arg4[%add3A_7, %dma_start3A_53] : memref<2560x128xi32, #tpu.memory_space<hbm>> -> memref<40x128xi32, #tpu.memory_space<hbm>>
      tpu.enqueue_dma source(%dma_start3A_54 : memref<40x128xi32, #tpu.memory_space<hbm>>) target(%arg8 : memref<40x128xi32, #tpu.memory_space<vmem>>) target_semaphore(%run_scoped3A : memref<!tpu.dma_semaphore, #tpu.memory_space<semaphore_mem>>)
      %dma_wait3A_55 = arith.constant 0 : i32
      %dma_wait3A_56 = tpu.memref_slice %arg4[%add3A_7, %dma_wait3A_55] : memref<2560x128xi32, #tpu.memory_space<hbm>> -> memref<40x128xi32, #tpu.memory_space<hbm>>
      %dma_wait3A_57 = arith.constant 0 : i32
      %dma_wait3A_58 = tpu.memref_slice %arg4[%add3A_7, %dma_wait3A_57] : memref<2560x128xi32, #tpu.memory_space<hbm>> -> memref<40x128xi32, #tpu.memory_space<hbm>>
      tpu.wait_dma2 semaphore(%run_scoped3A : memref<!tpu.dma_semaphore, #tpu.memory_space<semaphore_mem>>) src(%dma_wait3A_58 : memref<40x128xi32, #tpu.memory_space<hbm>>) dst(%arg8 : memref<40x128xi32, #tpu.memory_space<vmem>>)
      tpu.yield
    }) : () -> ()
    %dma_start3A_8 = arith.constant 0 : i32
    %dma_start3A_9 = arith.constant 0 : i32
    %dma_start3A_10 = tpu.memref_slice %arg7[%dma_start3A_8, %dma_start3A_9] : memref<40x128xi32, #tpu.memory_space<vmem>> -> memref<1x128xi32, #tpu.memory_space<vmem>>
    %dma_start3A_11 = tpu.memref_squeeze %dma_start3A_10 : memref<1x128xi32, #tpu.memory_space<vmem>> -> memref<128xi32, #tpu.memory_space<vmem>>
    %dma_start3A_12 = arith.constant 0 : i32
    %dma_start3A_13 = arith.constant 0 : i32
    %dma_start3A_14 = tpu.memref_slice %arg2[%dma_start3A_12, %dma_start3A_13] : memref<10000x128xf32, #tpu.memory_space<hbm>> -> memref<10000x128xf32, #tpu.memory_space<hbm>>
    tpu.enqueue_indirect_dma source(%dma_start3A_14 : memref<10000x128xf32, #tpu.memory_space<hbm>>) target(%arg9 : memref<128x128xf32, #tpu.memory_space<vmem>>) offsets(%dma_start3A_11 : memref<128xi32, #tpu.memory_space<vmem>>) semaphore(%arg12 : memref<!tpu.dma_semaphore, #tpu.memory_space<semaphore_mem>>)
    %dma_wait3A = arith.constant 0 : i32
    %dma_wait3A_15 = tpu.memref_slice %arg11[%mul3A_2, %dma_wait3A] : memref<10112x128xf32, #tpu.memory_space<vmem_shared>> -> memref<632x128xf32, #tpu.memory_space<vmem_shared>>
    tpu.wait_dma2 semaphore(%arg14 : memref<!tpu.dma_semaphore, #tpu.memory_space<semaphore_mem>>) src(%arg5 : memref<632x128xf32, #tpu.memory_space<hbm>>) dst(%dma_wait3A_15 : memref<632x128xf32, #tpu.memory_space<vmem_shared>>)
    %barrier3A = arith.constant 0 : index
    tpu.barrier barrier_id(%barrier3A)
    %scan3A = arith.constant 0 : i32
    %scan3A_16 = arith.constant 0 : i32
    %scan3A_17 = arith.constant 20 : i32
    %scan3A_18 = arith.addi %scan3A_16, %scan3A_17 : i32
    %scan3A_19 = arith.constant 1 : i32
    scf.for %scan3A_51 = %scan3A_16 to %scan3A_18 step %scan3A_19  : i32 {
      %mul3A_52 = arith.constant 2 : i32
      %mul3A_53 = arith.muli %mul3A_52, %scan3A_51 : i32
      %add3A_54 = arith.constant 1 : i32
      %add3A_55 = arith.addi %mul3A_53, %add3A_54 : i32
      %dma_start3A_56 = arith.constant 0 : i32
      %dma_start3A_57 = tpu.memref_slice %arg7[%add3A_55, %dma_start3A_56] : memref<40x128xi32, #tpu.memory_space<vmem>> -> memref<1x128xi32, #tpu.memory_space<vmem>>
      %dma_start3A_58 = tpu.memref_squeeze %dma_start3A_57 : memref<1x128xi32, #tpu.memory_space<vmem>> -> memref<128xi32, #tpu.memory_space<vmem>>
      %dma_start3A_59 = arith.constant 0 : i32
      %dma_start3A_60 = arith.constant 0 : i32
      %dma_start3A_61 = tpu.memref_slice %arg2[%dma_start3A_59, %dma_start3A_60] : memref<10000x128xf32, #tpu.memory_space<hbm>> -> memref<10000x128xf32, #tpu.memory_space<hbm>>
      tpu.enqueue_indirect_dma source(%dma_start3A_61 : memref<10000x128xf32, #tpu.memory_space<hbm>>) target(%arg10 : memref<128x128xf32, #tpu.memory_space<vmem>>) offsets(%dma_start3A_58 : memref<128xi32, #tpu.memory_space<vmem>>) semaphore(%arg13 : memref<!tpu.dma_semaphore, #tpu.memory_space<semaphore_mem>>)
      %dma_wait3A_62 = arith.constant 0 : i32
      %dma_wait3A_63 = arith.constant 0 : i32
      %dma_wait3A_64 = tpu.memref_slice %arg2[%dma_wait3A_62, %dma_wait3A_63] : memref<10000x128xf32, #tpu.memory_space<hbm>> -> memref<128x128xf32, #tpu.memory_space<hbm>>
      %dma_wait3A_65 = arith.constant 0 : i32
      %dma_wait3A_66 = arith.constant 0 : i32
      %dma_wait3A_67 = tpu.memref_slice %arg2[%dma_wait3A_65, %dma_wait3A_66] : memref<10000x128xf32, #tpu.memory_space<hbm>> -> memref<128x128xf32, #tpu.memory_space<hbm>>
      tpu.wait_dma2 semaphore(%arg12 : memref<!tpu.dma_semaphore, #tpu.memory_space<semaphore_mem>>) src(%dma_wait3A_67 : memref<128x128xf32, #tpu.memory_space<hbm>>) dst(%arg9 : memref<128x128xf32, #tpu.memory_space<vmem>>)
      "tpu.region"() ({
        %run_scoped3A = tpu.sem_alloc : memref<!tpu.dma_semaphore, #tpu.memory_space<semaphore_mem>>
        %dma_start3A_83 = arith.constant 0 : i32
        %dma_start3A_84 = tpu.memref_slice %arg8[%mul3A_53, %dma_start3A_83] : memref<40x128xi32, #tpu.memory_space<vmem>> -> memref<1x128xi32, #tpu.memory_space<vmem>>
        %dma_start3A_85 = tpu.memref_squeeze %dma_start3A_84 : memref<1x128xi32, #tpu.memory_space<vmem>> -> memref<128xi32, #tpu.memory_space<vmem>>
        %dma_start3A_86 = arith.constant 0 : i32
        %dma_start3A_87 = arith.constant 0 : i32
        %dma_start3A_88 = tpu.memref_slice %arg11[%dma_start3A_86, %dma_start3A_87] : memref<10112x128xf32, #tpu.memory_space<vmem_shared>> -> memref<10112x128xf32, #tpu.memory_space<vmem_shared>>
        tpu.enqueue_indirect_dma source(%arg9 : memref<128x128xf32, #tpu.memory_space<vmem>>) target(%dma_start3A_88 : memref<10112x128xf32, #tpu.memory_space<vmem_shared>>) offsets(%dma_start3A_85 : memref<128xi32, #tpu.memory_space<vmem>>) semaphore(%run_scoped3A : memref<!tpu.dma_semaphore, #tpu.memory_space<semaphore_mem>>) {add = true}
        %dma_wait3A_89 = arith.constant 0 : i32
        %dma_wait3A_90 = tpu.memref_slice %arg8[%mul3A_53, %dma_wait3A_89] : memref<40x128xi32, #tpu.memory_space<vmem>> -> memref<1x128xi32, #tpu.memory_space<vmem>>
        %dma_wait3A_91 = tpu.memref_squeeze %dma_wait3A_90 : memref<1x128xi32, #tpu.memory_space<vmem>> -> memref<128xi32, #tpu.memory_space<vmem>>
        %dma_wait3A_92 = arith.constant 0 : i32
        %dma_wait3A_93 = arith.constant 0 : i32
        %dma_wait3A_94 = tpu.memref_slice %arg11[%dma_wait3A_92, %dma_wait3A_93] : memref<10112x128xf32, #tpu.memory_space<vmem_shared>> -> memref<10112x128xf32, #tpu.memory_space<vmem_shared>>
        tpu.wait_indirect_dma semaphore(%run_scoped3A : memref<!tpu.dma_semaphore, #tpu.memory_space<semaphore_mem>>) src(%arg9 : memref<128x128xf32, #tpu.memory_space<vmem>>) dst(%dma_wait3A_94 : memref<10112x128xf32, #tpu.memory_space<vmem_shared>>)
        tpu.yield
      }) : () -> ()
      %add3A_68 = arith.constant 1 : i32
      %add3A_69 = arith.addi %add3A_55, %add3A_68 : i32
      %min3A = arith.constant 39 : i32
      %min3A_70 = arith.minsi %add3A_69, %min3A : i32
      %dma_start3A_71 = arith.constant 0 : i32
      %dma_start3A_72 = tpu.memref_slice %arg7[%min3A_70, %dma_start3A_71] : memref<40x128xi32, #tpu.memory_space<vmem>> -> memref<1x128xi32, #tpu.memory_space<vmem>>
      %dma_start3A_73 = tpu.memref_squeeze %dma_start3A_72 : memref<1x128xi32, #tpu.memory_space<vmem>> -> memref<128xi32, #tpu.memory_space<vmem>>
      %dma_start3A_74 = arith.constant 0 : i32
      %dma_start3A_75 = arith.constant 0 : i32
      %dma_start3A_76 = tpu.memref_slice %arg2[%dma_start3A_74, %dma_start3A_75] : memref<10000x128xf32, #tpu.memory_space<hbm>> -> memref<10000x128xf32, #tpu.memory_space<hbm>>
      tpu.enqueue_indirect_dma source(%dma_start3A_76 : memref<10000x128xf32, #tpu.memory_space<hbm>>) target(%arg9 : memref<128x128xf32, #tpu.memory_space<vmem>>) offsets(%dma_start3A_73 : memref<128xi32, #tpu.memory_space<vmem>>) semaphore(%arg12 : memref<!tpu.dma_semaphore, #tpu.memory_space<semaphore_mem>>)
      %dma_wait3A_77 = arith.constant 0 : i32
      %dma_wait3A_78 = arith.constant 0 : i32
      %dma_wait3A_79 = tpu.memref_slice %arg2[%dma_wait3A_77, %dma_wait3A_78] : memref<10000x128xf32, #tpu.memory_space<hbm>> -> memref<128x128xf32, #tpu.memory_space<hbm>>
      %dma_wait3A_80 = arith.constant 0 : i32
      %dma_wait3A_81 = arith.constant 0 : i32
      %dma_wait3A_82 = tpu.memref_slice %arg2[%dma_wait3A_80, %dma_wait3A_81] : memref<10000x128xf32, #tpu.memory_space<hbm>> -> memref<128x128xf32, #tpu.memory_space<hbm>>
      tpu.wait_dma2 semaphore(%arg13 : memref<!tpu.dma_semaphore, #tpu.memory_space<semaphore_mem>>) src(%dma_wait3A_82 : memref<128x128xf32, #tpu.memory_space<hbm>>) dst(%arg10 : memref<128x128xf32, #tpu.memory_space<vmem>>)
      "tpu.region"() ({
        %run_scoped3A = tpu.sem_alloc : memref<!tpu.dma_semaphore, #tpu.memory_space<semaphore_mem>>
        %dma_start3A_83 = arith.constant 0 : i32
        %dma_start3A_84 = tpu.memref_slice %arg8[%add3A_55, %dma_start3A_83] : memref<40x128xi32, #tpu.memory_space<vmem>> -> memref<1x128xi32, #tpu.memory_space<vmem>>
        %dma_start3A_85 = tpu.memref_squeeze %dma_start3A_84 : memref<1x128xi32, #tpu.memory_space<vmem>> -> memref<128xi32, #tpu.memory_space<vmem>>
        %dma_start3A_86 = arith.constant 0 : i32
        %dma_start3A_87 = arith.constant 0 : i32
        %dma_start3A_88 = tpu.memref_slice %arg11[%dma_start3A_86, %dma_start3A_87] : memref<10112x128xf32, #tpu.memory_space<vmem_shared>> -> memref<10112x128xf32, #tpu.memory_space<vmem_shared>>
        tpu.enqueue_indirect_dma source(%arg10 : memref<128x128xf32, #tpu.memory_space<vmem>>) target(%dma_start3A_88 : memref<10112x128xf32, #tpu.memory_space<vmem_shared>>) offsets(%dma_start3A_85 : memref<128xi32, #tpu.memory_space<vmem>>) semaphore(%run_scoped3A : memref<!tpu.dma_semaphore, #tpu.memory_space<semaphore_mem>>) {add = true}
        %dma_wait3A_89 = arith.constant 0 : i32
        %dma_wait3A_90 = tpu.memref_slice %arg8[%add3A_55, %dma_wait3A_89] : memref<40x128xi32, #tpu.memory_space<vmem>> -> memref<1x128xi32, #tpu.memory_space<vmem>>
        %dma_wait3A_91 = tpu.memref_squeeze %dma_wait3A_90 : memref<1x128xi32, #tpu.memory_space<vmem>> -> memref<128xi32, #tpu.memory_space<vmem>>
        %dma_wait3A_92 = arith.constant 0 : i32
        %dma_wait3A_93 = arith.constant 0 : i32
        %dma_wait3A_94 = tpu.memref_slice %arg11[%dma_wait3A_92, %dma_wait3A_93] : memref<10112x128xf32, #tpu.memory_space<vmem_shared>> -> memref<10112x128xf32, #tpu.memory_space<vmem_shared>>
        tpu.wait_indirect_dma semaphore(%run_scoped3A : memref<!tpu.dma_semaphore, #tpu.memory_space<semaphore_mem>>) src(%arg10 : memref<128x128xf32, #tpu.memory_space<vmem>>) dst(%dma_wait3A_94 : memref<10112x128xf32, #tpu.memory_space<vmem_shared>>)
        tpu.yield
      }) : () -> ()
    }
    %scan3A_20 = arith.constant 20 : i32
    %dma_wait3A_21 = arith.constant 0 : i32
    %dma_wait3A_22 = arith.constant 0 : i32
    %dma_wait3A_23 = tpu.memref_slice %arg2[%dma_wait3A_21, %dma_wait3A_22] : memref<10000x128xf32, #tpu.memory_space<hbm>> -> memref<128x128xf32, #tpu.memory_space<hbm>>
    %dma_wait3A_24 = arith.constant 0 : i32
    %dma_wait3A_25 = arith.constant 0 : i32
    %dma_wait3A_26 = tpu.memref_slice %arg2[%dma_wait3A_24, %dma_wait3A_25] : memref<10000x128xf32, #tpu.memory_space<hbm>> -> memref<128x128xf32, #tpu.memory_space<hbm>>
    tpu.wait_dma2 semaphore(%arg12 : memref<!tpu.dma_semaphore, #tpu.memory_space<semaphore_mem>>) src(%dma_wait3A_26 : memref<128x128xf32, #tpu.memory_space<hbm>>) dst(%arg9 : memref<128x128xf32, #tpu.memory_space<vmem>>)
    %mul3A_27 = arith.constant 80 : i32
    %mul3A_28 = arith.muli %add3A, %mul3A_27 : i32
    %add3A_29 = arith.constant 40 : i32
    %add3A_30 = arith.addi %mul3A_28, %add3A_29 : i32
    "tpu.region"() ({
      %run_scoped3A = tpu.sem_alloc : memref<!tpu.dma_semaphore, #tpu.memory_space<semaphore_mem>>
      %dma_start3A_51 = arith.constant 0 : i32
      %dma_start3A_52 = tpu.memref_slice %arg3[%add3A_30, %dma_start3A_51] : memref<2560x128xi32, #tpu.memory_space<hbm>> -> memref<40x128xi32, #tpu.memory_space<hbm>>
      %dma_start3A_53 = arith.constant 0 : i32
      %dma_start3A_54 = tpu.memref_slice %arg3[%add3A_30, %dma_start3A_53] : memref<2560x128xi32, #tpu.memory_space<hbm>> -> memref<40x128xi32, #tpu.memory_space<hbm>>
      tpu.enqueue_dma source(%dma_start3A_54 : memref<40x128xi32, #tpu.memory_space<hbm>>) target(%arg7 : memref<40x128xi32, #tpu.memory_space<vmem>>) target_semaphore(%run_scoped3A : memref<!tpu.dma_semaphore, #tpu.memory_space<semaphore_mem>>)
      %dma_wait3A_55 = arith.constant 0 : i32
      %dma_wait3A_56 = tpu.memref_slice %arg3[%add3A_30, %dma_wait3A_55] : memref<2560x128xi32, #tpu.memory_space<hbm>> -> memref<40x128xi32, #tpu.memory_space<hbm>>
      %dma_wait3A_57 = arith.constant 0 : i32
      %dma_wait3A_58 = tpu.memref_slice %arg3[%add3A_30, %dma_wait3A_57] : memref<2560x128xi32, #tpu.memory_space<hbm>> -> memref<40x128xi32, #tpu.memory_space<hbm>>
      tpu.wait_dma2 semaphore(%run_scoped3A : memref<!tpu.dma_semaphore, #tpu.memory_space<semaphore_mem>>) src(%dma_wait3A_58 : memref<40x128xi32, #tpu.memory_space<hbm>>) dst(%arg7 : memref<40x128xi32, #tpu.memory_space<vmem>>)
      tpu.yield
    }) : () -> ()
    "tpu.region"() ({
      %run_scoped3A = tpu.sem_alloc : memref<!tpu.dma_semaphore, #tpu.memory_space<semaphore_mem>>
      %dma_start3A_51 = arith.constant 0 : i32
      %dma_start3A_52 = tpu.memref_slice %arg4[%add3A_30, %dma_start3A_51] : memref<2560x128xi32, #tpu.memory_space<hbm>> -> memref<40x128xi32, #tpu.memory_space<hbm>>
      %dma_start3A_53 = arith.constant 0 : i32
      %dma_start3A_54 = tpu.memref_slice %arg4[%add3A_30, %dma_start3A_53] : memref<2560x128xi32, #tpu.memory_space<hbm>> -> memref<40x128xi32, #tpu.memory_space<hbm>>
      tpu.enqueue_dma source(%dma_start3A_54 : memref<40x128xi32, #tpu.memory_space<hbm>>) target(%arg8 : memref<40x128xi32, #tpu.memory_space<vmem>>) target_semaphore(%run_scoped3A : memref<!tpu.dma_semaphore, #tpu.memory_space<semaphore_mem>>)
      %dma_wait3A_55 = arith.constant 0 : i32
      %dma_wait3A_56 = tpu.memref_slice %arg4[%add3A_30, %dma_wait3A_55] : memref<2560x128xi32, #tpu.memory_space<hbm>> -> memref<40x128xi32, #tpu.memory_space<hbm>>
      %dma_wait3A_57 = arith.constant 0 : i32
      %dma_wait3A_58 = tpu.memref_slice %arg4[%add3A_30, %dma_wait3A_57] : memref<2560x128xi32, #tpu.memory_space<hbm>> -> memref<40x128xi32, #tpu.memory_space<hbm>>
      tpu.wait_dma2 semaphore(%run_scoped3A : memref<!tpu.dma_semaphore, #tpu.memory_space<semaphore_mem>>) src(%dma_wait3A_58 : memref<40x128xi32, #tpu.memory_space<hbm>>) dst(%arg8 : memref<40x128xi32, #tpu.memory_space<vmem>>)
      tpu.yield
    }) : () -> ()
    %dma_start3A_31 = arith.constant 0 : i32
    %dma_start3A_32 = arith.constant 0 : i32
    %dma_start3A_33 = tpu.memref_slice %arg7[%dma_start3A_31, %dma_start3A_32] : memref<40x128xi32, #tpu.memory_space<vmem>> -> memref<1x128xi32, #tpu.memory_space<vmem>>
    %dma_start3A_34 = tpu.memref_squeeze %dma_start3A_33 : memref<1x128xi32, #tpu.memory_space<vmem>> -> memref<128xi32, #tpu.memory_space<vmem>>
    %dma_start3A_35 = arith.constant 0 : i32
    %dma_start3A_36 = arith.constant 0 : i32
    %dma_start3A_37 = tpu.memref_slice %arg2[%dma_start3A_35, %dma_start3A_36] : memref<10000x128xf32, #tpu.memory_space<hbm>> -> memref<10000x128xf32, #tpu.memory_space<hbm>>
    tpu.enqueue_indirect_dma source(%dma_start3A_37 : memref<10000x128xf32, #tpu.memory_space<hbm>>) target(%arg9 : memref<128x128xf32, #tpu.memory_space<vmem>>) offsets(%dma_start3A_34 : memref<128xi32, #tpu.memory_space<vmem>>) semaphore(%arg12 : memref<!tpu.dma_semaphore, #tpu.memory_space<semaphore_mem>>)
    %scan3A_38 = arith.constant 0 : i32
    %scan3A_39 = arith.constant 0 : i32
    %scan3A_40 = arith.constant 20 : i32
    %scan3A_41 = arith.addi %scan3A_39, %scan3A_40 : i32
    %scan3A_42 = arith.constant 1 : i32
    scf.for %scan3A_51 = %scan3A_39 to %scan3A_41 step %scan3A_42  : i32 {
      %mul3A_52 = arith.constant 2 : i32
      %mul3A_53 = arith.muli %mul3A_52, %scan3A_51 : i32
      %add3A_54 = arith.constant 1 : i32
      %add3A_55 = arith.addi %mul3A_53, %add3A_54 : i32
      %dma_start3A_56 = arith.constant 0 : i32
      %dma_start3A_57 = tpu.memref_slice %arg7[%add3A_55, %dma_start3A_56] : memref<40x128xi32, #tpu.memory_space<vmem>> -> memref<1x128xi32, #tpu.memory_space<vmem>>
      %dma_start3A_58 = tpu.memref_squeeze %dma_start3A_57 : memref<1x128xi32, #tpu.memory_space<vmem>> -> memref<128xi32, #tpu.memory_space<vmem>>
      %dma_start3A_59 = arith.constant 0 : i32
      %dma_start3A_60 = arith.constant 0 : i32
      %dma_start3A_61 = tpu.memref_slice %arg2[%dma_start3A_59, %dma_start3A_60] : memref<10000x128xf32, #tpu.memory_space<hbm>> -> memref<10000x128xf32, #tpu.memory_space<hbm>>
      tpu.enqueue_indirect_dma source(%dma_start3A_61 : memref<10000x128xf32, #tpu.memory_space<hbm>>) target(%arg10 : memref<128x128xf32, #tpu.memory_space<vmem>>) offsets(%dma_start3A_58 : memref<128xi32, #tpu.memory_space<vmem>>) semaphore(%arg13 : memref<!tpu.dma_semaphore, #tpu.memory_space<semaphore_mem>>)
      %dma_wait3A_62 = arith.constant 0 : i32
      %dma_wait3A_63 = arith.constant 0 : i32
      %dma_wait3A_64 = tpu.memref_slice %arg2[%dma_wait3A_62, %dma_wait3A_63] : memref<10000x128xf32, #tpu.memory_space<hbm>> -> memref<128x128xf32, #tpu.memory_space<hbm>>
      %dma_wait3A_65 = arith.constant 0 : i32
      %dma_wait3A_66 = arith.constant 0 : i32
      %dma_wait3A_67 = tpu.memref_slice %arg2[%dma_wait3A_65, %dma_wait3A_66] : memref<10000x128xf32, #tpu.memory_space<hbm>> -> memref<128x128xf32, #tpu.memory_space<hbm>>
      tpu.wait_dma2 semaphore(%arg12 : memref<!tpu.dma_semaphore, #tpu.memory_space<semaphore_mem>>) src(%dma_wait3A_67 : memref<128x128xf32, #tpu.memory_space<hbm>>) dst(%arg9 : memref<128x128xf32, #tpu.memory_space<vmem>>)
      "tpu.region"() ({
        %run_scoped3A = tpu.sem_alloc : memref<!tpu.dma_semaphore, #tpu.memory_space<semaphore_mem>>
        %dma_start3A_83 = arith.constant 0 : i32
        %dma_start3A_84 = tpu.memref_slice %arg8[%mul3A_53, %dma_start3A_83] : memref<40x128xi32, #tpu.memory_space<vmem>> -> memref<1x128xi32, #tpu.memory_space<vmem>>
        %dma_start3A_85 = tpu.memref_squeeze %dma_start3A_84 : memref<1x128xi32, #tpu.memory_space<vmem>> -> memref<128xi32, #tpu.memory_space<vmem>>
        %dma_start3A_86 = arith.constant 0 : i32
        %dma_start3A_87 = arith.constant 0 : i32
        %dma_start3A_88 = tpu.memref_slice %arg11[%dma_start3A_86, %dma_start3A_87] : memref<10112x128xf32, #tpu.memory_space<vmem_shared>> -> memref<10112x128xf32, #tpu.memory_space<vmem_shared>>
        tpu.enqueue_indirect_dma source(%arg9 : memref<128x128xf32, #tpu.memory_space<vmem>>) target(%dma_start3A_88 : memref<10112x128xf32, #tpu.memory_space<vmem_shared>>) offsets(%dma_start3A_85 : memref<128xi32, #tpu.memory_space<vmem>>) semaphore(%run_scoped3A : memref<!tpu.dma_semaphore, #tpu.memory_space<semaphore_mem>>) {add = true}
        %dma_wait3A_89 = arith.constant 0 : i32
        %dma_wait3A_90 = tpu.memref_slice %arg8[%mul3A_53, %dma_wait3A_89] : memref<40x128xi32, #tpu.memory_space<vmem>> -> memref<1x128xi32, #tpu.memory_space<vmem>>
        %dma_wait3A_91 = tpu.memref_squeeze %dma_wait3A_90 : memref<1x128xi32, #tpu.memory_space<vmem>> -> memref<128xi32, #tpu.memory_space<vmem>>
        %dma_wait3A_92 = arith.constant 0 : i32
        %dma_wait3A_93 = arith.constant 0 : i32
        %dma_wait3A_94 = tpu.memref_slice %arg11[%dma_wait3A_92, %dma_wait3A_93] : memref<10112x128xf32, #tpu.memory_space<vmem_shared>> -> memref<10112x128xf32, #tpu.memory_space<vmem_shared>>
        tpu.wait_indirect_dma semaphore(%run_scoped3A : memref<!tpu.dma_semaphore, #tpu.memory_space<semaphore_mem>>) src(%arg9 : memref<128x128xf32, #tpu.memory_space<vmem>>) dst(%dma_wait3A_94 : memref<10112x128xf32, #tpu.memory_space<vmem_shared>>)
        tpu.yield
      }) : () -> ()
      %add3A_68 = arith.constant 1 : i32
      %add3A_69 = arith.addi %add3A_55, %add3A_68 : i32
      %min3A = arith.constant 39 : i32
      %min3A_70 = arith.minsi %add3A_69, %min3A : i32
      %dma_start3A_71 = arith.constant 0 : i32
      %dma_start3A_72 = tpu.memref_slice %arg7[%min3A_70, %dma_start3A_71] : memref<40x128xi32, #tpu.memory_space<vmem>> -> memref<1x128xi32, #tpu.memory_space<vmem>>
      %dma_start3A_73 = tpu.memref_squeeze %dma_start3A_72 : memref<1x128xi32, #tpu.memory_space<vmem>> -> memref<128xi32, #tpu.memory_space<vmem>>
      %dma_start3A_74 = arith.constant 0 : i32
      %dma_start3A_75 = arith.constant 0 : i32
      %dma_start3A_76 = tpu.memref_slice %arg2[%dma_start3A_74, %dma_start3A_75] : memref<10000x128xf32, #tpu.memory_space<hbm>> -> memref<10000x128xf32, #tpu.memory_space<hbm>>
      tpu.enqueue_indirect_dma source(%dma_start3A_76 : memref<10000x128xf32, #tpu.memory_space<hbm>>) target(%arg9 : memref<128x128xf32, #tpu.memory_space<vmem>>) offsets(%dma_start3A_73 : memref<128xi32, #tpu.memory_space<vmem>>) semaphore(%arg12 : memref<!tpu.dma_semaphore, #tpu.memory_space<semaphore_mem>>)
      %dma_wait3A_77 = arith.constant 0 : i32
      %dma_wait3A_78 = arith.constant 0 : i32
      %dma_wait3A_79 = tpu.memref_slice %arg2[%dma_wait3A_77, %dma_wait3A_78] : memref<10000x128xf32, #tpu.memory_space<hbm>> -> memref<128x128xf32, #tpu.memory_space<hbm>>
      %dma_wait3A_80 = arith.constant 0 : i32
      %dma_wait3A_81 = arith.constant 0 : i32
      %dma_wait3A_82 = tpu.memref_slice %arg2[%dma_wait3A_80, %dma_wait3A_81] : memref<10000x128xf32, #tpu.memory_space<hbm>> -> memref<128x128xf32, #tpu.memory_space<hbm>>
      tpu.wait_dma2 semaphore(%arg13 : memref<!tpu.dma_semaphore, #tpu.memory_space<semaphore_mem>>) src(%dma_wait3A_82 : memref<128x128xf32, #tpu.memory_space<hbm>>) dst(%arg10 : memref<128x128xf32, #tpu.memory_space<vmem>>)
      "tpu.region"() ({
        %run_scoped3A = tpu.sem_alloc : memref<!tpu.dma_semaphore, #tpu.memory_space<semaphore_mem>>
        %dma_start3A_83 = arith.constant 0 : i32
        %dma_start3A_84 = tpu.memref_slice %arg8[%add3A_55, %dma_start3A_83] : memref<40x128xi32, #tpu.memory_space<vmem>> -> memref<1x128xi32, #tpu.memory_space<vmem>>
        %dma_start3A_85 = tpu.memref_squeeze %dma_start3A_84 : memref<1x128xi32, #tpu.memory_space<vmem>> -> memref<128xi32, #tpu.memory_space<vmem>>
        %dma_start3A_86 = arith.constant 0 : i32
        %dma_start3A_87 = arith.constant 0 : i32
        %dma_start3A_88 = tpu.memref_slice %arg11[%dma_start3A_86, %dma_start3A_87] : memref<10112x128xf32, #tpu.memory_space<vmem_shared>> -> memref<10112x128xf32, #tpu.memory_space<vmem_shared>>
        tpu.enqueue_indirect_dma source(%arg10 : memref<128x128xf32, #tpu.memory_space<vmem>>) target(%dma_start3A_88 : memref<10112x128xf32, #tpu.memory_space<vmem_shared>>) offsets(%dma_start3A_85 : memref<128xi32, #tpu.memory_space<vmem>>) semaphore(%run_scoped3A : memref<!tpu.dma_semaphore, #tpu.memory_space<semaphore_mem>>) {add = true}
        %dma_wait3A_89 = arith.constant 0 : i32
        %dma_wait3A_90 = tpu.memref_slice %arg8[%add3A_55, %dma_wait3A_89] : memref<40x128xi32, #tpu.memory_space<vmem>> -> memref<1x128xi32, #tpu.memory_space<vmem>>
        %dma_wait3A_91 = tpu.memref_squeeze %dma_wait3A_90 : memref<1x128xi32, #tpu.memory_space<vmem>> -> memref<128xi32, #tpu.memory_space<vmem>>
        %dma_wait3A_92 = arith.constant 0 : i32
        %dma_wait3A_93 = arith.constant 0 : i32
        %dma_wait3A_94 = tpu.memref_slice %arg11[%dma_wait3A_92, %dma_wait3A_93] : memref<10112x128xf32, #tpu.memory_space<vmem_shared>> -> memref<10112x128xf32, #tpu.memory_space<vmem_shared>>
        tpu.wait_indirect_dma semaphore(%run_scoped3A : memref<!tpu.dma_semaphore, #tpu.memory_space<semaphore_mem>>) src(%arg10 : memref<128x128xf32, #tpu.memory_space<vmem>>) dst(%dma_wait3A_94 : memref<10112x128xf32, #tpu.memory_space<vmem_shared>>)
        tpu.yield
      }) : () -> ()
    }
    %scan3A_43 = arith.constant 20 : i32
    %dma_wait3A_44 = arith.constant 0 : i32
    %dma_wait3A_45 = arith.constant 0 : i32
    %dma_wait3A_46 = tpu.memref_slice %arg2[%dma_wait3A_44, %dma_wait3A_45] : memref<10000x128xf32, #tpu.memory_space<hbm>> -> memref<128x128xf32, #tpu.memory_space<hbm>>
    %dma_wait3A_47 = arith.constant 0 : i32
    %dma_wait3A_48 = arith.constant 0 : i32
    %dma_wait3A_49 = tpu.memref_slice %arg2[%dma_wait3A_47, %dma_wait3A_48] : memref<10000x128xf32, #tpu.memory_space<hbm>> -> memref<128x128xf32, #tpu.memory_space<hbm>>
    tpu.wait_dma2 semaphore(%arg12 : memref<!tpu.dma_semaphore, #tpu.memory_space<semaphore_mem>>) src(%dma_wait3A_49 : memref<128x128xf32, #tpu.memory_space<hbm>>) dst(%arg9 : memref<128x128xf32, #tpu.memory_space<vmem>>)
    %barrier3A_50 = arith.constant 0 : index
    tpu.barrier barrier_id(%barrier3A_50)
    "tpu.region"() ({
      %run_scoped3A = tpu.sem_alloc : memref<!tpu.dma_semaphore, #tpu.memory_space<semaphore_mem>>
      %dma_start3A_51 = arith.constant 0 : i32
      %dma_start3A_52 = tpu.memref_slice %arg6[%arg0, %mul3A_2, %dma_start3A_51] : memref<2x10112x128xf32, #tpu.memory_space<hbm>> -> memref<1x632x128xf32, #tpu.memory_space<hbm>>
      %dma_start3A_53 = tpu.memref_squeeze %dma_start3A_52 : memref<1x632x128xf32, #tpu.memory_space<hbm>> -> memref<632x128xf32, #tpu.memory_space<hbm>>
      %dma_start3A_54 = arith.constant 0 : i32
      %dma_start3A_55 = tpu.memref_slice %arg11[%mul3A_2, %dma_start3A_54] : memref<10112x128xf32, #tpu.memory_space<vmem_shared>> -> memref<632x128xf32, #tpu.memory_space<vmem_shared>>
      tpu.enqueue_dma source(%dma_start3A_55 : memref<632x128xf32, #tpu.memory_space<vmem_shared>>) target(%dma_start3A_53 : memref<632x128xf32, #tpu.memory_space<hbm>>) target_semaphore(%run_scoped3A : memref<!tpu.dma_semaphore, #tpu.memory_space<semaphore_mem>>)
      %dma_wait3A_56 = arith.constant 0 : i32
      %dma_wait3A_57 = tpu.memref_slice %arg6[%arg0, %mul3A_2, %dma_wait3A_56] : memref<2x10112x128xf32, #tpu.memory_space<hbm>> -> memref<1x632x128xf32, #tpu.memory_space<hbm>>
      %dma_wait3A_58 = tpu.memref_squeeze %dma_wait3A_57 : memref<1x632x128xf32, #tpu.memory_space<hbm>> -> memref<632x128xf32, #tpu.memory_space<hbm>>
      %dma_wait3A_59 = arith.constant 0 : i32
      %dma_wait3A_60 = tpu.memref_slice %arg11[%mul3A_2, %dma_wait3A_59] : memref<10112x128xf32, #tpu.memory_space<vmem_shared>> -> memref<632x128xf32, #tpu.memory_space<vmem_shared>>
      tpu.wait_dma2 semaphore(%run_scoped3A : memref<!tpu.dma_semaphore, #tpu.memory_space<semaphore_mem>>) src(%dma_wait3A_60 : memref<632x128xf32, #tpu.memory_space<vmem_shared>>) dst(%dma_wait3A_58 : memref<632x128xf32, #tpu.memory_space<hbm>>)
      tpu.yield
    }) : () -> ()
    return
  }
}

#map = affine_map<(d0, d1) -> (0, 0)>
#map1 = affine_map<(d0, d1) -> (0, 0, 0)>
module attributes {stable_mosaic.version = 14 : i64} {
  func.func @scat_kernel(%arg0: i32, %arg1: i32, %arg2: memref<10000x128xf32, #tpu.memory_space<hbm>>, %arg3: memref<2560x128xi32, #tpu.memory_space<hbm>>, %arg4: memref<2560x128xi32, #tpu.memory_space<hbm>>, %arg5: memref<632x128xf32, #tpu.memory_space<hbm>>, %arg6: memref<2x10112x128xf32, #tpu.memory_space<hbm>>, %arg7: memref<40x128xi32, #tpu.memory_space<vmem>>, %arg8: memref<40x128xi32, #tpu.memory_space<vmem>>, %arg9: memref<128x128xf32, #tpu.memory_space<vmem>>, %arg10: memref<128x128xf32, #tpu.memory_space<vmem>>, %arg11: memref<10112x128xf32, #tpu.memory_space<vmem_shared>>, %arg12: memref<!tpu.dma_semaphore, #tpu.memory_space<semaphore_mem>>, %arg13: memref<!tpu.dma_semaphore, #tpu.memory_space<semaphore_mem>>, %arg14: memref<!tpu.dma_semaphore, #tpu.memory_space<semaphore_mem>>) attributes {dimension_semantics = [#tpu.dimension_semantics<core_parallel>, #tpu.dimension_semantics<subcore_parallel>], iteration_bounds = array<i64: 2, 16>, scalar_prefetch = 0 : i64, scratch_operands = 8 : i64, tpu.core_type = #tpu.core_type<sc_vector_subcore>, window_params = [{transform_indices = #map}, {transform_indices = #map}, {transform_indices = #map}, {transform_indices = #map}, {transform_indices = #map1}]} {
    %mul3A = arith.constant 2 : i32
    %mul3A_0 = arith.muli %arg1, %mul3A : i32
    %add3A = arith.addi %mul3A_0, %arg0 : i32
    %mul3A_1 = arith.constant 632 : i32
    %mul3A_2 = arith.muli %arg1, %mul3A_1 : i32
    %dma_start3A = arith.constant 0 : i32
    %dma_start3A_3 = tpu.memref_slice %arg11[%mul3A_2, %dma_start3A] : memref<10112x128xf32, #tpu.memory_space<vmem_shared>> -> memref<632x128xf32, #tpu.memory_space<vmem_shared>>
    tpu.enqueue_dma source(%arg5 : memref<632x128xf32, #tpu.memory_space<hbm>>) target(%dma_start3A_3 : memref<632x128xf32, #tpu.memory_space<vmem_shared>>) target_semaphore(%arg14 : memref<!tpu.dma_semaphore, #tpu.memory_space<semaphore_mem>>)
    %mul3A_4 = arith.constant 80 : i32
    %mul3A_5 = arith.muli %add3A, %mul3A_4 : i32
    %add3A_6 = arith.constant 0 : i32
    %add3A_7 = arith.addi %mul3A_5, %add3A_6 : i32
    "tpu.region"() ({
      %run_scoped3A = tpu.sem_alloc : memref<!tpu.dma_semaphore, #tpu.memory_space<semaphore_mem>>
      %dma_start3A_51 = arith.constant 0 : i32
      %dma_start3A_52 = tpu.memref_slice %arg3[%add3A_7, %dma_start3A_51] : memref<2560x128xi32, #tpu.memory_space<hbm>> -> memref<40x128xi32, #tpu.memory_space<hbm>>
      %dma_start3A_53 = arith.constant 0 : i32
      %dma_start3A_54 = tpu.memref_slice %arg3[%add3A_7, %dma_start3A_53] : memref<2560x128xi32, #tpu.memory_space<hbm>> -> memref<40x128xi32, #tpu.memory_space<hbm>>
      tpu.enqueue_dma source(%dma_start3A_54 : memref<40x128xi32, #tpu.memory_space<hbm>>) target(%arg7 : memref<40x128xi32, #tpu.memory_space<vmem>>) target_semaphore(%run_scoped3A : memref<!tpu.dma_semaphore, #tpu.memory_space<semaphore_mem>>)
      %dma_wait3A_55 = arith.constant 0 : i32
      %dma_wait3A_56 = tpu.memref_slice %arg3[%add3A_7, %dma_wait3A_55] : memref<2560x128xi32, #tpu.memory_space<hbm>> -> memref<40x128xi32, #tpu.memory_space<hbm>>
      %dma_wait3A_57 = arith.constant 0 : i32
      %dma_wait3A_58 = tpu.memref_slice %arg3[%add3A_7, %dma_wait3A_57] : memref<2560x128xi32, #tpu.memory_space<hbm>> -> memref<40x128xi32, #tpu.memory_space<hbm>>
      tpu.wait_dma2 semaphore(%run_scoped3A : memref<!tpu.dma_semaphore, #tpu.memory_space<semaphore_mem>>) src(%dma_wait3A_58 : memref<40x128xi32, #tpu.memory_space<hbm>>) dst(%arg7 : memref<40x128xi32, #tpu.memory_space<vmem>>)
      tpu.yield
    }) : () -> ()
    "tpu.region"() ({
      %run_scoped3A = tpu.sem_alloc : memref<!tpu.dma_semaphore, #tpu.memory_space<semaphore_mem>>
      %dma_start3A_51 = arith.constant 0 : i32
      %dma_start3A_52 = tpu.memref_slice %arg4[%add3A_7, %dma_start3A_51] : memref<2560x128xi32, #tpu.memory_space<hbm>> -> memref<40x128xi32, #tpu.memory_space<hbm>>
      %dma_start3A_53 = arith.constant 0 : i32
      %dma_start3A_54 = tpu.memref_slice %arg4[%add3A_7, %dma_start3A_53] : memref<2560x128xi32, #tpu.memory_space<hbm>> -> memref<40x128xi32, #tpu.memory_space<hbm>>
      tpu.enqueue_dma source(%dma_start3A_54 : memref<40x128xi32, #tpu.memory_space<hbm>>) target(%arg8 : memref<40x128xi32, #tpu.memory_space<vmem>>) target_semaphore(%run_scoped3A : memref<!tpu.dma_semaphore, #tpu.memory_space<semaphore_mem>>)
      %dma_wait3A_55 = arith.constant 0 : i32
      %dma_wait3A_56 = tpu.memref_slice %arg4[%add3A_7, %dma_wait3A_55] : memref<2560x128xi32, #tpu.memory_space<hbm>> -> memref<40x128xi32, #tpu.memory_space<hbm>>
      %dma_wait3A_57 = arith.constant 0 : i32
      %dma_wait3A_58 = tpu.memref_slice %arg4[%add3A_7, %dma_wait3A_57] : memref<2560x128xi32, #tpu.memory_space<hbm>> -> memref<40x128xi32, #tpu.memory_space<hbm>>
      tpu.wait_dma2 semaphore(%run_scoped3A : memref<!tpu.dma_semaphore, #tpu.memory_space<semaphore_mem>>) src(%dma_wait3A_58 : memref<40x128xi32, #tpu.memory_space<hbm>>) dst(%arg8 : memref<40x128xi32, #tpu.memory_space<vmem>>)
      tpu.yield
    }) : () -> ()
    %dma_start3A_8 = arith.constant 0 : i32
    %dma_start3A_9 = arith.constant 0 : i32
    %dma_start3A_10 = tpu.memref_slice %arg7[%dma_start3A_8, %dma_start3A_9] : memref<40x128xi32, #tpu.memory_space<vmem>> -> memref<1x128xi32, #tpu.memory_space<vmem>>
    %dma_start3A_11 = tpu.memref_squeeze %dma_start3A_10 : memref<1x128xi32, #tpu.memory_space<vmem>> -> memref<128xi32, #tpu.memory_space<vmem>>
    %dma_start3A_12 = arith.constant 0 : i32
    %dma_start3A_13 = arith.constant 0 : i32
    %dma_start3A_14 = tpu.memref_slice %arg2[%dma_start3A_12, %dma_start3A_13] : memref<10000x128xf32, #tpu.memory_space<hbm>> -> memref<10000x128xf32, #tpu.memory_space<hbm>>
    tpu.enqueue_indirect_dma source(%dma_start3A_14 : memref<10000x128xf32, #tpu.memory_space<hbm>>) target(%arg9 : memref<128x128xf32, #tpu.memory_space<vmem>>) offsets(%dma_start3A_11 : memref<128xi32, #tpu.memory_space<vmem>>) semaphore(%arg12 : memref<!tpu.dma_semaphore, #tpu.memory_space<semaphore_mem>>)
    %dma_wait3A = arith.constant 0 : i32
    %dma_wait3A_15 = tpu.memref_slice %arg11[%mul3A_2, %dma_wait3A] : memref<10112x128xf32, #tpu.memory_space<vmem_shared>> -> memref<632x128xf32, #tpu.memory_space<vmem_shared>>
    tpu.wait_dma2 semaphore(%arg14 : memref<!tpu.dma_semaphore, #tpu.memory_space<semaphore_mem>>) src(%arg5 : memref<632x128xf32, #tpu.memory_space<hbm>>) dst(%dma_wait3A_15 : memref<632x128xf32, #tpu.memory_space<vmem_shared>>)
    %barrier3A = arith.constant 0 : index
    tpu.barrier barrier_id(%barrier3A)
    %scan3A = arith.constant 0 : i32
    %scan3A_16 = arith.constant 0 : i32
    %scan3A_17 = arith.constant 20 : i32
    %scan3A_18 = arith.addi %scan3A_16, %scan3A_17 : i32
    %scan3A_19 = arith.constant 1 : i32
    scf.for %scan3A_51 = %scan3A_16 to %scan3A_18 step %scan3A_19  : i32 {
      %mul3A_52 = arith.constant 2 : i32
      %mul3A_53 = arith.muli %mul3A_52, %scan3A_51 : i32
      %add3A_54 = arith.constant 1 : i32
      %add3A_55 = arith.addi %mul3A_53, %add3A_54 : i32
      %dma_start3A_56 = arith.constant 0 : i32
      %dma_start3A_57 = tpu.memref_slice %arg7[%add3A_55, %dma_start3A_56] : memref<40x128xi32, #tpu.memory_space<vmem>> -> memref<1x128xi32, #tpu.memory_space<vmem>>
      %dma_start3A_58 = tpu.memref_squeeze %dma_start3A_57 : memref<1x128xi32, #tpu.memory_space<vmem>> -> memref<128xi32, #tpu.memory_space<vmem>>
      %dma_start3A_59 = arith.constant 0 : i32
      %dma_start3A_60 = arith.constant 0 : i32
      %dma_start3A_61 = tpu.memref_slice %arg2[%dma_start3A_59, %dma_start3A_60] : memref<10000x128xf32, #tpu.memory_space<hbm>> -> memref<10000x128xf32, #tpu.memory_space<hbm>>
      tpu.enqueue_indirect_dma source(%dma_start3A_61 : memref<10000x128xf32, #tpu.memory_space<hbm>>) target(%arg10 : memref<128x128xf32, #tpu.memory_space<vmem>>) offsets(%dma_start3A_58 : memref<128xi32, #tpu.memory_space<vmem>>) semaphore(%arg13 : memref<!tpu.dma_semaphore, #tpu.memory_space<semaphore_mem>>)
      %dma_wait3A_62 = arith.constant 0 : i32
      %dma_wait3A_63 = arith.constant 0 : i32
      %dma_wait3A_64 = tpu.memref_slice %arg2[%dma_wait3A_62, %dma_wait3A_63] : memref<10000x128xf32, #tpu.memory_space<hbm>> -> memref<128x128xf32, #tpu.memory_space<hbm>>
      %dma_wait3A_65 = arith.constant 0 : i32
      %dma_wait3A_66 = arith.constant 0 : i32
      %dma_wait3A_67 = tpu.memref_slice %arg2[%dma_wait3A_65, %dma_wait3A_66] : memref<10000x128xf32, #tpu.memory_space<hbm>> -> memref<128x128xf32, #tpu.memory_space<hbm>>
      tpu.wait_dma2 semaphore(%arg12 : memref<!tpu.dma_semaphore, #tpu.memory_space<semaphore_mem>>) src(%dma_wait3A_67 : memref<128x128xf32, #tpu.memory_space<hbm>>) dst(%arg9 : memref<128x128xf32, #tpu.memory_space<vmem>>)
      "tpu.region"() ({
        %run_scoped3A = tpu.sem_alloc : memref<!tpu.dma_semaphore, #tpu.memory_space<semaphore_mem>>
        %dma_start3A_83 = arith.constant 0 : i32
        %dma_start3A_84 = tpu.memref_slice %arg8[%mul3A_53, %dma_start3A_83] : memref<40x128xi32, #tpu.memory_space<vmem>> -> memref<1x128xi32, #tpu.memory_space<vmem>>
        %dma_start3A_85 = tpu.memref_squeeze %dma_start3A_84 : memref<1x128xi32, #tpu.memory_space<vmem>> -> memref<128xi32, #tpu.memory_space<vmem>>
        %dma_start3A_86 = arith.constant 0 : i32
        %dma_start3A_87 = arith.constant 0 : i32
        %dma_start3A_88 = tpu.memref_slice %arg11[%dma_start3A_86, %dma_start3A_87] : memref<10112x128xf32, #tpu.memory_space<vmem_shared>> -> memref<10112x128xf32, #tpu.memory_space<vmem_shared>>
        tpu.enqueue_indirect_dma source(%arg9 : memref<128x128xf32, #tpu.memory_space<vmem>>) target(%dma_start3A_88 : memref<10112x128xf32, #tpu.memory_space<vmem_shared>>) offsets(%dma_start3A_85 : memref<128xi32, #tpu.memory_space<vmem>>) semaphore(%run_scoped3A : memref<!tpu.dma_semaphore, #tpu.memory_space<semaphore_mem>>) {add = true}
        %dma_wait3A_89 = arith.constant 0 : i32
        %dma_wait3A_90 = tpu.memref_slice %arg8[%mul3A_53, %dma_wait3A_89] : memref<40x128xi32, #tpu.memory_space<vmem>> -> memref<1x128xi32, #tpu.memory_space<vmem>>
        %dma_wait3A_91 = tpu.memref_squeeze %dma_wait3A_90 : memref<1x128xi32, #tpu.memory_space<vmem>> -> memref<128xi32, #tpu.memory_space<vmem>>
        %dma_wait3A_92 = arith.constant 0 : i32
        %dma_wait3A_93 = arith.constant 0 : i32
        %dma_wait3A_94 = tpu.memref_slice %arg11[%dma_wait3A_92, %dma_wait3A_93] : memref<10112x128xf32, #tpu.memory_space<vmem_shared>> -> memref<10112x128xf32, #tpu.memory_space<vmem_shared>>
        tpu.wait_indirect_dma semaphore(%run_scoped3A : memref<!tpu.dma_semaphore, #tpu.memory_space<semaphore_mem>>) src(%arg9 : memref<128x128xf32, #tpu.memory_space<vmem>>) dst(%dma_wait3A_94 : memref<10112x128xf32, #tpu.memory_space<vmem_shared>>)
        tpu.yield
      }) : () -> ()
      %add3A_68 = arith.constant 1 : i32
      %add3A_69 = arith.addi %add3A_55, %add3A_68 : i32
      %min3A = arith.constant 39 : i32
      %min3A_70 = arith.minsi %add3A_69, %min3A : i32
      %dma_start3A_71 = arith.constant 0 : i32
      %dma_start3A_72 = tpu.memref_slice %arg7[%min3A_70, %dma_start3A_71] : memref<40x128xi32, #tpu.memory_space<vmem>> -> memref<1x128xi32, #tpu.memory_space<vmem>>
      %dma_start3A_73 = tpu.memref_squeeze %dma_start3A_72 : memref<1x128xi32, #tpu.memory_space<vmem>> -> memref<128xi32, #tpu.memory_space<vmem>>
      %dma_start3A_74 = arith.constant 0 : i32
      %dma_start3A_75 = arith.constant 0 : i32
      %dma_start3A_76 = tpu.memref_slice %arg2[%dma_start3A_74, %dma_start3A_75] : memref<10000x128xf32, #tpu.memory_space<hbm>> -> memref<10000x128xf32, #tpu.memory_space<hbm>>
      tpu.enqueue_indirect_dma source(%dma_start3A_76 : memref<10000x128xf32, #tpu.memory_space<hbm>>) target(%arg9 : memref<128x128xf32, #tpu.memory_space<vmem>>) offsets(%dma_start3A_73 : memref<128xi32, #tpu.memory_space<vmem>>) semaphore(%arg12 : memref<!tpu.dma_semaphore, #tpu.memory_space<semaphore_mem>>)
      %dma_wait3A_77 = arith.constant 0 : i32
      %dma_wait3A_78 = arith.constant 0 : i32
      %dma_wait3A_79 = tpu.memref_slice %arg2[%dma_wait3A_77, %dma_wait3A_78] : memref<10000x128xf32, #tpu.memory_space<hbm>> -> memref<128x128xf32, #tpu.memory_space<hbm>>
      %dma_wait3A_80 = arith.constant 0 : i32
      %dma_wait3A_81 = arith.constant 0 : i32
      %dma_wait3A_82 = tpu.memref_slice %arg2[%dma_wait3A_80, %dma_wait3A_81] : memref<10000x128xf32, #tpu.memory_space<hbm>> -> memref<128x128xf32, #tpu.memory_space<hbm>>
      tpu.wait_dma2 semaphore(%arg13 : memref<!tpu.dma_semaphore, #tpu.memory_space<semaphore_mem>>) src(%dma_wait3A_82 : memref<128x128xf32, #tpu.memory_space<hbm>>) dst(%arg10 : memref<128x128xf32, #tpu.memory_space<vmem>>)
      "tpu.region"() ({
        %run_scoped3A = tpu.sem_alloc : memref<!tpu.dma_semaphore, #tpu.memory_space<semaphore_mem>>
        %dma_start3A_83 = arith.constant 0 : i32
        %dma_start3A_84 = tpu.memref_slice %arg8[%add3A_55, %dma_start3A_83] : memref<40x128xi32, #tpu.memory_space<vmem>> -> memref<1x128xi32, #tpu.memory_space<vmem>>
        %dma_start3A_85 = tpu.memref_squeeze %dma_start3A_84 : memref<1x128xi32, #tpu.memory_space<vmem>> -> memref<128xi32, #tpu.memory_space<vmem>>
        %dma_start3A_86 = arith.constant 0 : i32
        %dma_start3A_87 = arith.constant 0 : i32
        %dma_start3A_88 = tpu.memref_slice %arg11[%dma_start3A_86, %dma_start3A_87] : memref<10112x128xf32, #tpu.memory_space<vmem_shared>> -> memref<10112x128xf32, #tpu.memory_space<vmem_shared>>
        tpu.enqueue_indirect_dma source(%arg10 : memref<128x128xf32, #tpu.memory_space<vmem>>) target(%dma_start3A_88 : memref<10112x128xf32, #tpu.memory_space<vmem_shared>>) offsets(%dma_start3A_85 : memref<128xi32, #tpu.memory_space<vmem>>) semaphore(%run_scoped3A : memref<!tpu.dma_semaphore, #tpu.memory_space<semaphore_mem>>) {add = true}
        %dma_wait3A_89 = arith.constant 0 : i32
        %dma_wait3A_90 = tpu.memref_slice %arg8[%add3A_55, %dma_wait3A_89] : memref<40x128xi32, #tpu.memory_space<vmem>> -> memref<1x128xi32, #tpu.memory_space<vmem>>
        %dma_wait3A_91 = tpu.memref_squeeze %dma_wait3A_90 : memref<1x128xi32, #tpu.memory_space<vmem>> -> memref<128xi32, #tpu.memory_space<vmem>>
        %dma_wait3A_92 = arith.constant 0 : i32
        %dma_wait3A_93 = arith.constant 0 : i32
        %dma_wait3A_94 = tpu.memref_slice %arg11[%dma_wait3A_92, %dma_wait3A_93] : memref<10112x128xf32, #tpu.memory_space<vmem_shared>> -> memref<10112x128xf32, #tpu.memory_space<vmem_shared>>
        tpu.wait_indirect_dma semaphore(%run_scoped3A : memref<!tpu.dma_semaphore, #tpu.memory_space<semaphore_mem>>) src(%arg10 : memref<128x128xf32, #tpu.memory_space<vmem>>) dst(%dma_wait3A_94 : memref<10112x128xf32, #tpu.memory_space<vmem_shared>>)
        tpu.yield
      }) : () -> ()
    }
    %scan3A_20 = arith.constant 20 : i32
    %dma_wait3A_21 = arith.constant 0 : i32
    %dma_wait3A_22 = arith.constant 0 : i32
    %dma_wait3A_23 = tpu.memref_slice %arg2[%dma_wait3A_21, %dma_wait3A_22] : memref<10000x128xf32, #tpu.memory_space<hbm>> -> memref<128x128xf32, #tpu.memory_space<hbm>>
    %dma_wait3A_24 = arith.constant 0 : i32
    %dma_wait3A_25 = arith.constant 0 : i32
    %dma_wait3A_26 = tpu.memref_slice %arg2[%dma_wait3A_24, %dma_wait3A_25] : memref<10000x128xf32, #tpu.memory_space<hbm>> -> memref<128x128xf32, #tpu.memory_space<hbm>>
    tpu.wait_dma2 semaphore(%arg12 : memref<!tpu.dma_semaphore, #tpu.memory_space<semaphore_mem>>) src(%dma_wait3A_26 : memref<128x128xf32, #tpu.memory_space<hbm>>) dst(%arg9 : memref<128x128xf32, #tpu.memory_space<vmem>>)
    %mul3A_27 = arith.constant 80 : i32
    %mul3A_28 = arith.muli %add3A, %mul3A_27 : i32
    %add3A_29 = arith.constant 40 : i32
    %add3A_30 = arith.addi %mul3A_28, %add3A_29 : i32
    "tpu.region"() ({
      %run_scoped3A = tpu.sem_alloc : memref<!tpu.dma_semaphore, #tpu.memory_space<semaphore_mem>>
      %dma_start3A_51 = arith.constant 0 : i32
      %dma_start3A_52 = tpu.memref_slice %arg3[%add3A_30, %dma_start3A_51] : memref<2560x128xi32, #tpu.memory_space<hbm>> -> memref<40x128xi32, #tpu.memory_space<hbm>>
      %dma_start3A_53 = arith.constant 0 : i32
      %dma_start3A_54 = tpu.memref_slice %arg3[%add3A_30, %dma_start3A_53] : memref<2560x128xi32, #tpu.memory_space<hbm>> -> memref<40x128xi32, #tpu.memory_space<hbm>>
      tpu.enqueue_dma source(%dma_start3A_54 : memref<40x128xi32, #tpu.memory_space<hbm>>) target(%arg7 : memref<40x128xi32, #tpu.memory_space<vmem>>) target_semaphore(%run_scoped3A : memref<!tpu.dma_semaphore, #tpu.memory_space<semaphore_mem>>)
      %dma_wait3A_55 = arith.constant 0 : i32
      %dma_wait3A_56 = tpu.memref_slice %arg3[%add3A_30, %dma_wait3A_55] : memref<2560x128xi32, #tpu.memory_space<hbm>> -> memref<40x128xi32, #tpu.memory_space<hbm>>
      %dma_wait3A_57 = arith.constant 0 : i32
      %dma_wait3A_58 = tpu.memref_slice %arg3[%add3A_30, %dma_wait3A_57] : memref<2560x128xi32, #tpu.memory_space<hbm>> -> memref<40x128xi32, #tpu.memory_space<hbm>>
      tpu.wait_dma2 semaphore(%run_scoped3A : memref<!tpu.dma_semaphore, #tpu.memory_space<semaphore_mem>>) src(%dma_wait3A_58 : memref<40x128xi32, #tpu.memory_space<hbm>>) dst(%arg7 : memref<40x128xi32, #tpu.memory_space<vmem>>)
      tpu.yield
    }) : () -> ()
    "tpu.region"() ({
      %run_scoped3A = tpu.sem_alloc : memref<!tpu.dma_semaphore, #tpu.memory_space<semaphore_mem>>
      %dma_start3A_51 = arith.constant 0 : i32
      %dma_start3A_52 = tpu.memref_slice %arg4[%add3A_30, %dma_start3A_51] : memref<2560x128xi32, #tpu.memory_space<hbm>> -> memref<40x128xi32, #tpu.memory_space<hbm>>
      %dma_start3A_53 = arith.constant 0 : i32
      %dma_start3A_54 = tpu.memref_slice %arg4[%add3A_30, %dma_start3A_53] : memref<2560x128xi32, #tpu.memory_space<hbm>> -> memref<40x128xi32, #tpu.memory_space<hbm>>
      tpu.enqueue_dma source(%dma_start3A_54 : memref<40x128xi32, #tpu.memory_space<hbm>>) target(%arg8 : memref<40x128xi32, #tpu.memory_space<vmem>>) target_semaphore(%run_scoped3A : memref<!tpu.dma_semaphore, #tpu.memory_space<semaphore_mem>>)
      %dma_wait3A_55 = arith.constant 0 : i32
      %dma_wait3A_56 = tpu.memref_slice %arg4[%add3A_30, %dma_wait3A_55] : memref<2560x128xi32, #tpu.memory_space<hbm>> -> memref<40x128xi32, #tpu.memory_space<hbm>>
      %dma_wait3A_57 = arith.constant 0 : i32
      %dma_wait3A_58 = tpu.memref_slice %arg4[%add3A_30, %dma_wait3A_57] : memref<2560x128xi32, #tpu.memory_space<hbm>> -> memref<40x128xi32, #tpu.memory_space<hbm>>
      tpu.wait_dma2 semaphore(%run_scoped3A : memref<!tpu.dma_semaphore, #tpu.memory_space<semaphore_mem>>) src(%dma_wait3A_58 : memref<40x128xi32, #tpu.memory_space<hbm>>) dst(%arg8 : memref<40x128xi32, #tpu.memory_space<vmem>>)
      tpu.yield
    }) : () -> ()
    %dma_start3A_31 = arith.constant 0 : i32
    %dma_start3A_32 = arith.constant 0 : i32
    %dma_start3A_33 = tpu.memref_slice %arg7[%dma_start3A_31, %dma_start3A_32] : memref<40x128xi32, #tpu.memory_space<vmem>> -> memref<1x128xi32, #tpu.memory_space<vmem>>
    %dma_start3A_34 = tpu.memref_squeeze %dma_start3A_33 : memref<1x128xi32, #tpu.memory_space<vmem>> -> memref<128xi32, #tpu.memory_space<vmem>>
    %dma_start3A_35 = arith.constant 0 : i32
    %dma_start3A_36 = arith.constant 0 : i32
    %dma_start3A_37 = tpu.memref_slice %arg2[%dma_start3A_35, %dma_start3A_36] : memref<10000x128xf32, #tpu.memory_space<hbm>> -> memref<10000x128xf32, #tpu.memory_space<hbm>>
    tpu.enqueue_indirect_dma source(%dma_start3A_37 : memref<10000x128xf32, #tpu.memory_space<hbm>>) target(%arg9 : memref<128x128xf32, #tpu.memory_space<vmem>>) offsets(%dma_start3A_34 : memref<128xi32, #tpu.memory_space<vmem>>) semaphore(%arg12 : memref<!tpu.dma_semaphore, #tpu.memory_space<semaphore_mem>>)
    %scan3A_38 = arith.constant 0 : i32
    %scan3A_39 = arith.constant 0 : i32
    %scan3A_40 = arith.constant 20 : i32
    %scan3A_41 = arith.addi %scan3A_39, %scan3A_40 : i32
    %scan3A_42 = arith.constant 1 : i32
    scf.for %scan3A_51 = %scan3A_39 to %scan3A_41 step %scan3A_42  : i32 {
      %mul3A_52 = arith.constant 2 : i32
      %mul3A_53 = arith.muli %mul3A_52, %scan3A_51 : i32
      %add3A_54 = arith.constant 1 : i32
      %add3A_55 = arith.addi %mul3A_53, %add3A_54 : i32
      %dma_start3A_56 = arith.constant 0 : i32
      %dma_start3A_57 = tpu.memref_slice %arg7[%add3A_55, %dma_start3A_56] : memref<40x128xi32, #tpu.memory_space<vmem>> -> memref<1x128xi32, #tpu.memory_space<vmem>>
      %dma_start3A_58 = tpu.memref_squeeze %dma_start3A_57 : memref<1x128xi32, #tpu.memory_space<vmem>> -> memref<128xi32, #tpu.memory_space<vmem>>
      %dma_start3A_59 = arith.constant 0 : i32
      %dma_start3A_60 = arith.constant 0 : i32
      %dma_start3A_61 = tpu.memref_slice %arg2[%dma_start3A_59, %dma_start3A_60] : memref<10000x128xf32, #tpu.memory_space<hbm>> -> memref<10000x128xf32, #tpu.memory_space<hbm>>
      tpu.enqueue_indirect_dma source(%dma_start3A_61 : memref<10000x128xf32, #tpu.memory_space<hbm>>) target(%arg10 : memref<128x128xf32, #tpu.memory_space<vmem>>) offsets(%dma_start3A_58 : memref<128xi32, #tpu.memory_space<vmem>>) semaphore(%arg13 : memref<!tpu.dma_semaphore, #tpu.memory_space<semaphore_mem>>)
      %dma_wait3A_62 = arith.constant 0 : i32
      %dma_wait3A_63 = arith.constant 0 : i32
      %dma_wait3A_64 = tpu.memref_slice %arg2[%dma_wait3A_62, %dma_wait3A_63] : memref<10000x128xf32, #tpu.memory_space<hbm>> -> memref<128x128xf32, #tpu.memory_space<hbm>>
      %dma_wait3A_65 = arith.constant 0 : i32
      %dma_wait3A_66 = arith.constant 0 : i32
      %dma_wait3A_67 = tpu.memref_slice %arg2[%dma_wait3A_65, %dma_wait3A_66] : memref<10000x128xf32, #tpu.memory_space<hbm>> -> memref<128x128xf32, #tpu.memory_space<hbm>>
      tpu.wait_dma2 semaphore(%arg12 : memref<!tpu.dma_semaphore, #tpu.memory_space<semaphore_mem>>) src(%dma_wait3A_67 : memref<128x128xf32, #tpu.memory_space<hbm>>) dst(%arg9 : memref<128x128xf32, #tpu.memory_space<vmem>>)
      "tpu.region"() ({
        %run_scoped3A = tpu.sem_alloc : memref<!tpu.dma_semaphore, #tpu.memory_space<semaphore_mem>>
        %dma_start3A_83 = arith.constant 0 : i32
        %dma_start3A_84 = tpu.memref_slice %arg8[%mul3A_53, %dma_start3A_83] : memref<40x128xi32, #tpu.memory_space<vmem>> -> memref<1x128xi32, #tpu.memory_space<vmem>>
        %dma_start3A_85 = tpu.memref_squeeze %dma_start3A_84 : memref<1x128xi32, #tpu.memory_space<vmem>> -> memref<128xi32, #tpu.memory_space<vmem>>
        %dma_start3A_86 = arith.constant 0 : i32
        %dma_start3A_87 = arith.constant 0 : i32
        %dma_start3A_88 = tpu.memref_slice %arg11[%dma_start3A_86, %dma_start3A_87] : memref<10112x128xf32, #tpu.memory_space<vmem_shared>> -> memref<10112x128xf32, #tpu.memory_space<vmem_shared>>
        tpu.enqueue_indirect_dma source(%arg9 : memref<128x128xf32, #tpu.memory_space<vmem>>) target(%dma_start3A_88 : memref<10112x128xf32, #tpu.memory_space<vmem_shared>>) offsets(%dma_start3A_85 : memref<128xi32, #tpu.memory_space<vmem>>) semaphore(%run_scoped3A : memref<!tpu.dma_semaphore, #tpu.memory_space<semaphore_mem>>) {add = true}
        %dma_wait3A_89 = arith.constant 0 : i32
        %dma_wait3A_90 = tpu.memref_slice %arg8[%mul3A_53, %dma_wait3A_89] : memref<40x128xi32, #tpu.memory_space<vmem>> -> memref<1x128xi32, #tpu.memory_space<vmem>>
        %dma_wait3A_91 = tpu.memref_squeeze %dma_wait3A_90 : memref<1x128xi32, #tpu.memory_space<vmem>> -> memref<128xi32, #tpu.memory_space<vmem>>
        %dma_wait3A_92 = arith.constant 0 : i32
        %dma_wait3A_93 = arith.constant 0 : i32
        %dma_wait3A_94 = tpu.memref_slice %arg11[%dma_wait3A_92, %dma_wait3A_93] : memref<10112x128xf32, #tpu.memory_space<vmem_shared>> -> memref<10112x128xf32, #tpu.memory_space<vmem_shared>>
        tpu.wait_indirect_dma semaphore(%run_scoped3A : memref<!tpu.dma_semaphore, #tpu.memory_space<semaphore_mem>>) src(%arg9 : memref<128x128xf32, #tpu.memory_space<vmem>>) dst(%dma_wait3A_94 : memref<10112x128xf32, #tpu.memory_space<vmem_shared>>)
        tpu.yield
      }) : () -> ()
      %add3A_68 = arith.constant 1 : i32
      %add3A_69 = arith.addi %add3A_55, %add3A_68 : i32
      %min3A = arith.constant 39 : i32
      %min3A_70 = arith.minsi %add3A_69, %min3A : i32
      %dma_start3A_71 = arith.constant 0 : i32
      %dma_start3A_72 = tpu.memref_slice %arg7[%min3A_70, %dma_start3A_71] : memref<40x128xi32, #tpu.memory_space<vmem>> -> memref<1x128xi32, #tpu.memory_space<vmem>>
      %dma_start3A_73 = tpu.memref_squeeze %dma_start3A_72 : memref<1x128xi32, #tpu.memory_space<vmem>> -> memref<128xi32, #tpu.memory_space<vmem>>
      %dma_start3A_74 = arith.constant 0 : i32
      %dma_start3A_75 = arith.constant 0 : i32
      %dma_start3A_76 = tpu.memref_slice %arg2[%dma_start3A_74, %dma_start3A_75] : memref<10000x128xf32, #tpu.memory_space<hbm>> -> memref<10000x128xf32, #tpu.memory_space<hbm>>
      tpu.enqueue_indirect_dma source(%dma_start3A_76 : memref<10000x128xf32, #tpu.memory_space<hbm>>) target(%arg9 : memref<128x128xf32, #tpu.memory_space<vmem>>) offsets(%dma_start3A_73 : memref<128xi32, #tpu.memory_space<vmem>>) semaphore(%arg12 : memref<!tpu.dma_semaphore, #tpu.memory_space<semaphore_mem>>)
      %dma_wait3A_77 = arith.constant 0 : i32
      %dma_wait3A_78 = arith.constant 0 : i32
      %dma_wait3A_79 = tpu.memref_slice %arg2[%dma_wait3A_77, %dma_wait3A_78] : memref<10000x128xf32, #tpu.memory_space<hbm>> -> memref<128x128xf32, #tpu.memory_space<hbm>>
      %dma_wait3A_80 = arith.constant 0 : i32
      %dma_wait3A_81 = arith.constant 0 : i32
      %dma_wait3A_82 = tpu.memref_slice %arg2[%dma_wait3A_80, %dma_wait3A_81] : memref<10000x128xf32, #tpu.memory_space<hbm>> -> memref<128x128xf32, #tpu.memory_space<hbm>>
      tpu.wait_dma2 semaphore(%arg13 : memref<!tpu.dma_semaphore, #tpu.memory_space<semaphore_mem>>) src(%dma_wait3A_82 : memref<128x128xf32, #tpu.memory_space<hbm>>) dst(%arg10 : memref<128x128xf32, #tpu.memory_space<vmem>>)
      "tpu.region"() ({
        %run_scoped3A = tpu.sem_alloc : memref<!tpu.dma_semaphore, #tpu.memory_space<semaphore_mem>>
        %dma_start3A_83 = arith.constant 0 : i32
        %dma_start3A_84 = tpu.memref_slice %arg8[%add3A_55, %dma_start3A_83] : memref<40x128xi32, #tpu.memory_space<vmem>> -> memref<1x128xi32, #tpu.memory_space<vmem>>
        %dma_start3A_85 = tpu.memref_squeeze %dma_start3A_84 : memref<1x128xi32, #tpu.memory_space<vmem>> -> memref<128xi32, #tpu.memory_space<vmem>>
        %dma_start3A_86 = arith.constant 0 : i32
        %dma_start3A_87 = arith.constant 0 : i32
        %dma_start3A_88 = tpu.memref_slice %arg11[%dma_start3A_86, %dma_start3A_87] : memref<10112x128xf32, #tpu.memory_space<vmem_shared>> -> memref<10112x128xf32, #tpu.memory_space<vmem_shared>>
        tpu.enqueue_indirect_dma source(%arg10 : memref<128x128xf32, #tpu.memory_space<vmem>>) target(%dma_start3A_88 : memref<10112x128xf32, #tpu.memory_space<vmem_shared>>) offsets(%dma_start3A_85 : memref<128xi32, #tpu.memory_space<vmem>>) semaphore(%run_scoped3A : memref<!tpu.dma_semaphore, #tpu.memory_space<semaphore_mem>>) {add = true}
        %dma_wait3A_89 = arith.constant 0 : i32
        %dma_wait3A_90 = tpu.memref_slice %arg8[%add3A_55, %dma_wait3A_89] : memref<40x128xi32, #tpu.memory_space<vmem>> -> memref<1x128xi32, #tpu.memory_space<vmem>>
        %dma_wait3A_91 = tpu.memref_squeeze %dma_wait3A_90 : memref<1x128xi32, #tpu.memory_space<vmem>> -> memref<128xi32, #tpu.memory_space<vmem>>
        %dma_wait3A_92 = arith.constant 0 : i32
        %dma_wait3A_93 = arith.constant 0 : i32
        %dma_wait3A_94 = tpu.memref_slice %arg11[%dma_wait3A_92, %dma_wait3A_93] : memref<10112x128xf32, #tpu.memory_space<vmem_shared>> -> memref<10112x128xf32, #tpu.memory_space<vmem_shared>>
        tpu.wait_indirect_dma semaphore(%run_scoped3A : memref<!tpu.dma_semaphore, #tpu.memory_space<semaphore_mem>>) src(%arg10 : memref<128x128xf32, #tpu.memory_space<vmem>>) dst(%dma_wait3A_94 : memref<10112x128xf32, #tpu.memory_space<vmem_shared>>)
        tpu.yield
      }) : () -> ()
    }
    %scan3A_43 = arith.constant 20 : i32
    %dma_wait3A_44 = arith.constant 0 : i32
    %dma_wait3A_45 = arith.constant 0 : i32
    %dma_wait3A_46 = tpu.memref_slice %arg2[%dma_wait3A_44, %dma_wait3A_45] : memref<10000x128xf32, #tpu.memory_space<hbm>> -> memref<128x128xf32, #tpu.memory_space<hbm>>
    %dma_wait3A_47 = arith.constant 0 : i32
    %dma_wait3A_48 = arith.constant 0 : i32
    %dma_wait3A_49 = tpu.memref_slice %arg2[%dma_wait3A_47, %dma_wait3A_48] : memref<10000x128xf32, #tpu.memory_space<hbm>> -> memref<128x128xf32, #tpu.memory_space<hbm>>
    tpu.wait_dma2 semaphore(%arg12 : memref<!tpu.dma_semaphore, #tpu.memory_space<semaphore_mem>>) src(%dma_wait3A_49 : memref<128x128xf32, #tpu.memory_space<hbm>>) dst(%arg9 : memref<128x128xf32, #tpu.memory_space<vmem>>)
    %barrier3A_50 = arith.constant 0 : index
    tpu.barrier barrier_id(%barrier3A_50)
    "tpu.region"() ({
      %run_scoped3A = tpu.sem_alloc : memref<!tpu.dma_semaphore, #tpu.memory_space<semaphore_mem>>
      %dma_start3A_51 = arith.constant 0 : i32
      %dma_start3A_52 = tpu.memref_slice %arg6[%arg0, %mul3A_2, %dma_start3A_51] : memref<2x10112x128xf32, #tpu.memory_space<hbm>> -> memref<1x632x128xf32, #tpu.memory_space<hbm>>
      %dma_start3A_53 = tpu.memref_squeeze %dma_start3A_52 : memref<1x632x128xf32, #tpu.memory_space<hbm>> -> memref<632x128xf32, #tpu.memory_space<hbm>>
      %dma_start3A_54 = arith.constant 0 : i32
      %dma_start3A_55 = tpu.memref_slice %arg11[%mul3A_2, %dma_start3A_54] : memref<10112x128xf32, #tpu.memory_space<vmem_shared>> -> memref<632x128xf32, #tpu.memory_space<vmem_shared>>
      tpu.enqueue_dma source(%dma_start3A_55 : memref<632x128xf32, #tpu.memory_space<vmem_shared>>) target(%dma_start3A_53 : memref<632x128xf32, #tpu.memory_space<hbm>>) target_semaphore(%run_scoped3A : memref<!tpu.dma_semaphore, #tpu.memory_space<semaphore_mem>>)
      %dma_wait3A_56 = arith.constant 0 : i32
      %dma_wait3A_57 = tpu.memref_slice %arg6[%arg0, %mul3A_2, %dma_wait3A_56] : memref<2x10112x128xf32, #tpu.memory_space<hbm>> -> memref<1x632x128xf32, #tpu.memory_space<hbm>>
      %dma_wait3A_58 = tpu.memref_squeeze %dma_wait3A_57 : memref<1x632x128xf32, #tpu.memory_space<hbm>> -> memref<632x128xf32, #tpu.memory_space<hbm>>
      %dma_wait3A_59 = arith.constant 0 : i32
      %dma_wait3A_60 = tpu.memref_slice %arg11[%mul3A_2, %dma_wait3A_59] : memref<10112x128xf32, #tpu.memory_space<vmem_shared>> -> memref<632x128xf32, #tpu.memory_space<vmem_shared>>
      tpu.wait_dma2 semaphore(%run_scoped3A : memref<!tpu.dma_semaphore, #tpu.memory_space<semaphore_mem>>) src(%dma_wait3A_60 : memref<632x128xf32, #tpu.memory_space<vmem_shared>>) dst(%dma_wait3A_58 : memref<632x128xf32, #tpu.memory_space<hbm>>)
      tpu.yield
    }) : () -> ()
    return
  }
}

module attributes {stable_mosaic.version = 14 : i64} {
  func.func @body(%arg0: i32, %arg1: memref<1000x128xf32, #tpu.memory_space<vmem>>, %arg2: memref<128x128xf32, #tpu.memory_space<vmem>>, %arg3: memref<2x1000x128xf32, #tpu.memory_space<vmem>>, %arg4: memref<1000x128xf32, #tpu.memory_space<vmem>>) attributes {dimension_semantics = [#tpu.dimension_semantics<arbitrary>], iteration_bounds = array<i64: 10>, scalar_prefetch = 0 : i64, scratch_operands = 0 : i64, tpu.core_type = #tpu.core_type<tc>, window_params = [{transform_indices = @transform_0, window_bounds = array<i64: 1000, 128>}, {pipeline_mode = #tpu.pipeline_mode<synchronous>, transform_indices = @transform_1, window_bounds = array<i64: 128, 128>}, {transform_indices = @transform_2, window_bounds = array<i64: 2, 1000, 128>}, {transform_indices = @transform_3, window_bounds = array<i64: 1000, 128>}]} {
    %get3A = arith.constant 0 : index
    %get3A_0 = arith.constant 0 : index
    %get3A_1 = arith.constant 0 : index
    %get3A_2 = vector.load %arg3[%get3A, %get3A_0, %get3A_1] : memref<2x1000x128xf32, #tpu.memory_space<vmem>>, vector<1x1000x128xf32>
    %get3A_3 = vector.shape_cast %get3A_2 : vector<1x1000x128xf32> to vector<1000x128xf32>
    %get3A_4 = arith.constant 1 : index
    %get3A_5 = arith.constant 0 : index
    %get3A_6 = arith.constant 0 : index
    %get3A_7 = vector.load %arg3[%get3A_4, %get3A_5, %get3A_6] : memref<2x1000x128xf32, #tpu.memory_space<vmem>>, vector<1x1000x128xf32>
    %get3A_8 = vector.shape_cast %get3A_7 : vector<1x1000x128xf32> to vector<1000x128xf32>
    %slice3A = vector.extract_strided_slice %get3A_3 {offsets = [0, 0], sizes = [1000, 1], strides = [1, 1]} : vector<1000x128xf32> to vector<1000x1xf32>
    %slice3A_9 = vector.extract_strided_slice %get3A_8 {offsets = [0, 0], sizes = [1000, 1], strides = [1, 1]} : vector<1000x128xf32> to vector<1000x1xf32>
    %add3A = arith.addf %slice3A, %slice3A_9 : vector<1000x1xf32>
    %add3A_10 = arith.constant 1.000000e+00 : f32
    %add3A_11 = vector.broadcast %add3A_10 : f32 to vector<1000x1xf32>
    %add3A_12 = arith.addf %add3A, %add3A_11 : vector<1000x1xf32>
    %rsqrt3A = math.rsqrt %add3A_12 : vector<1000x1xf32>
    %get3A_13 = arith.constant 0 : index
    %get3A_14 = arith.constant 0 : index
    %get3A_15 = vector.load %arg1[%get3A_13, %get3A_14] : memref<1000x128xf32, #tpu.memory_space<vmem>>, vector<1000x128xf32>
    %get3A_16 = arith.constant 0 : index
    %get3A_17 = arith.constant 0 : index
    %get3A_18 = vector.load %arg2[%get3A_16, %get3A_17] : memref<128x128xf32, #tpu.memory_space<vmem>>, vector<128x128xf32>
    %dot_general3A = arith.constant dense<0.000000e+00> : vector<1000x128xf32>
    %dot_general3A_19 = tpu.matmul %get3A_15, %get3A_18, %dot_general3A {dimension_numbers = #tpu.dot_dimension_numbers<[1], [0], [0], [1], [0, 0, 1, 1], [], []>, transpose_lhs_hint = false} : vector<1000x128xf32>, vector<128x128xf32>, vector<1000x128xf32> -> vector<1000x128xf32>
    %mul3A = vector.broadcast %rsqrt3A : vector<1000x1xf32> to vector<1000x128xf32>
    %mul3A_20 = arith.mulf %dot_general3A_19, %mul3A : vector<1000x128xf32>
    %swap3A = arith.constant 0 : index
    %swap3A_21 = arith.constant 0 : index
    %swap3A_22 = vector.load %arg4[%swap3A, %swap3A_21] : memref<1000x128xf32, #tpu.memory_space<vmem>>, vector<1000x128xf32>
    tpu.vector_store %arg4[%swap3A, %swap3A_21], %mul3A_20 {strides = array<i32>} : memref<1000x128xf32, #tpu.memory_space<vmem>>, vector<1000x128xf32>,
    return
  }
  func.func @transform_0(%arg0: i32) -> (i32, i32) {
    %c0_i32 = arith.constant 0 : i32
    %c0_i32_0 = arith.constant 0 : i32
    return %arg0, %c0_i32 : i32, i32
  }
  func.func @transform_1(%arg0: i32) -> (i32, i32) {
    %c0_i32 = arith.constant 0 : i32
    %c0_i32_0 = arith.constant 0 : i32
    %c0_i32_1 = arith.constant 0 : i32
    return %c0_i32, %c0_i32_0 : i32, i32
  }
  func.func @transform_2(%arg0: i32) -> (i32, i32, i32) {
    %c0_i32 = arith.constant 0 : i32
    %c0_i32_0 = arith.constant 0 : i32
    %c0_i32_1 = arith.constant 0 : i32
    return %c0_i32, %arg0, %c0_i32_0 : i32, i32, i32
  }
  func.func @transform_3(%arg0: i32) -> (i32, i32) {
    %c0_i32 = arith.constant 0 : i32
    %c0_i32_0 = arith.constant 0 : i32
    return %arg0, %c0_i32 : i32, i32
  }
}

module attributes {stable_mosaic.version = 14 : i64} {
  func.func @body(%arg0: i32, %arg1: memref<2x1000x128xf32, #tpu.memory_space<vmem>>, %arg2: memref<1000x128xf32, #tpu.memory_space<vmem>>, %arg3: memref<2x1000x128xf32, #tpu.memory_space<vmem>>, %arg4: memref<1x128xf32, #tpu.memory_space<vmem>>, %arg5: memref<128x128xf32, #tpu.memory_space<vmem>>, %arg6: memref<1000x128xf32, #tpu.memory_space<vmem>>) attributes {dimension_semantics = [#tpu.dimension_semantics<arbitrary>], iteration_bounds = array<i64: 10>, scalar_prefetch = 0 : i64, scratch_operands = 0 : i64, tpu.core_type = #tpu.core_type<tc>, window_params = [{transform_indices = @transform_0, window_bounds = array<i64: 2, 1000, 128>}, {transform_indices = @transform_1, window_bounds = array<i64: 1000, 128>}, {transform_indices = @transform_2, window_bounds = array<i64: 2, 1000, 128>}, {pipeline_mode = #tpu.pipeline_mode<synchronous>, transform_indices = @transform_3, window_bounds = array<i64: 1, 128>}, {pipeline_mode = #tpu.pipeline_mode<synchronous>, transform_indices = @transform_4, window_bounds = array<i64: 128, 128>}, {transform_indices = @transform_5, window_bounds = array<i64: 1000, 128>}]} {
    %get3A = arith.constant 0 : index
    %get3A_0 = arith.constant 0 : index
    %get3A_1 = arith.constant 0 : index
    %get3A_2 = vector.load %arg3[%get3A, %get3A_0, %get3A_1] : memref<2x1000x128xf32, #tpu.memory_space<vmem>>, vector<1x1000x128xf32>
    %get3A_3 = vector.shape_cast %get3A_2 : vector<1x1000x128xf32> to vector<1000x128xf32>
    %get3A_4 = arith.constant 1 : index
    %get3A_5 = arith.constant 0 : index
    %get3A_6 = arith.constant 0 : index
    %get3A_7 = vector.load %arg3[%get3A_4, %get3A_5, %get3A_6] : memref<2x1000x128xf32, #tpu.memory_space<vmem>>, vector<1x1000x128xf32>
    %get3A_8 = vector.shape_cast %get3A_7 : vector<1x1000x128xf32> to vector<1000x128xf32>
    %slice3A = vector.extract_strided_slice %get3A_3 {offsets = [0, 0], sizes = [1000, 1], strides = [1, 1]} : vector<1000x128xf32> to vector<1000x1xf32>
    %slice3A_9 = vector.extract_strided_slice %get3A_8 {offsets = [0, 0], sizes = [1000, 1], strides = [1, 1]} : vector<1000x128xf32> to vector<1000x1xf32>
    %add3A = arith.addf %slice3A, %slice3A_9 : vector<1000x1xf32>
    %add3A_10 = arith.constant 1.000000e+00 : f32
    %add3A_11 = vector.broadcast %add3A_10 : f32 to vector<1000x1xf32>
    %add3A_12 = arith.addf %add3A, %add3A_11 : vector<1000x1xf32>
    %rsqrt3A = math.rsqrt %add3A_12 : vector<1000x1xf32>
    %get3A_13 = arith.constant 0 : index
    %get3A_14 = arith.constant 0 : index
    %get3A_15 = arith.constant 0 : index
    %get3A_16 = vector.load %arg1[%get3A_13, %get3A_14, %get3A_15] : memref<2x1000x128xf32, #tpu.memory_space<vmem>>, vector<1x1000x128xf32>
    %get3A_17 = vector.shape_cast %get3A_16 : vector<1x1000x128xf32> to vector<1000x128xf32>
    %get3A_18 = arith.constant 1 : index
    %get3A_19 = arith.constant 0 : index
    %get3A_20 = arith.constant 0 : index
    %get3A_21 = vector.load %arg1[%get3A_18, %get3A_19, %get3A_20] : memref<2x1000x128xf32, #tpu.memory_space<vmem>>, vector<1x1000x128xf32>
    %get3A_22 = vector.shape_cast %get3A_21 : vector<1x1000x128xf32> to vector<1000x128xf32>
    %add3A_23 = arith.addf %get3A_17, %get3A_22 : vector<1000x128xf32>
    %get3A_24 = arith.constant 0 : index
    %get3A_25 = arith.constant 0 : index
    %get3A_26 = vector.load %arg2[%get3A_24, %get3A_25] : memref<1000x128xf32, #tpu.memory_space<vmem>>, vector<1000x128xf32>
    %add3A_27 = arith.addf %add3A_23, %get3A_26 : vector<1000x128xf32>
    %mul3A = vector.broadcast %rsqrt3A : vector<1000x1xf32> to vector<1000x128xf32>
    %mul3A_28 = arith.mulf %add3A_27, %mul3A : vector<1000x128xf32>
    %get3A_29 = arith.constant 0 : index
    %get3A_30 = arith.constant 0 : index
    %get3A_31 = vector.load %arg4[%get3A_29, %get3A_30] : memref<1x128xf32, #tpu.memory_space<vmem>>, vector<1x128xf32>
    %add3A_32 = vector.broadcast %get3A_31 : vector<1x128xf32> to vector<1000x128xf32>
    %add3A_33 = arith.addf %mul3A_28, %add3A_32 : vector<1000x128xf32>
    %max3A = arith.constant 0.000000e+00 : f32
    %max3A_34 = vector.broadcast %max3A : f32 to vector<1000x128xf32>
    %max3A_35 = arith.maximumf %add3A_33, %max3A_34 : vector<1000x128xf32>
    %get3A_36 = arith.constant 0 : index
    %get3A_37 = arith.constant 0 : index
    %get3A_38 = vector.load %arg5[%get3A_36, %get3A_37] : memref<128x128xf32, #tpu.memory_space<vmem>>, vector<128x128xf32>
    %dot_general3A = arith.constant dense<0.000000e+00> : vector<1000x128xf32>
    %dot_general3A_39 = tpu.matmul %max3A_35, %get3A_38, %dot_general3A {dimension_numbers = #tpu.dot_dimension_numbers<[1], [0], [0], [1], [0, 0, 1, 1], [], []>, transpose_lhs_hint = false} : vector<1000x128xf32>, vector<128x128xf32>, vector<1000x128xf32> -> vector<1000x128xf32>
    %mul3A_40 = vector.broadcast %rsqrt3A : vector<1000x1xf32> to vector<1000x128xf32>
    %mul3A_41 = arith.mulf %dot_general3A_39, %mul3A_40 : vector<1000x128xf32>
    %swap3A = arith.constant 0 : index
    %swap3A_42 = arith.constant 0 : index
    %swap3A_43 = vector.load %arg6[%swap3A, %swap3A_42] : memref<1000x128xf32, #tpu.memory_space<vmem>>, vector<1000x128xf32>
    tpu.vector_store %arg6[%swap3A, %swap3A_42], %mul3A_41 {strides = array<i32>} : memref<1000x128xf32, #tpu.memory_space<vmem>>, vector<1000x128xf32>,
    return
  }
  func.func @transform_0(%arg0: i32) -> (i32, i32, i32) {
    %c0_i32 = arith.constant 0 : i32
    %c0_i32_0 = arith.constant 0 : i32
    %c0_i32_1 = arith.constant 0 : i32
    return %c0_i32, %arg0, %c0_i32_0 : i32, i32, i32
  }
  func.func @transform_1(%arg0: i32) -> (i32, i32) {
    %c0_i32 = arith.constant 0 : i32
    %c0_i32_0 = arith.constant 0 : i32
    return %arg0, %c0_i32 : i32, i32
  }
  func.func @transform_2(%arg0: i32) -> (i32, i32, i32) {
    %c0_i32 = arith.constant 0 : i32
    %c0_i32_0 = arith.constant 0 : i32
    %c0_i32_1 = arith.constant 0 : i32
    return %c0_i32, %arg0, %c0_i32_0 : i32, i32, i32
  }
  func.func @transform_3(%arg0: i32) -> (i32, i32) {
    %c0_i32 = arith.constant 0 : i32
    %c0_i32_0 = arith.constant 0 : i32
    %c0_i32_1 = arith.constant 0 : i32
    return %c0_i32, %c0_i32_0 : i32, i32
  }
  func.func @transform_4(%arg0: i32) -> (i32, i32) {
    %c0_i32 = arith.constant 0 : i32
    %c0_i32_0 = arith.constant 0 : i32
    %c0_i32_1 = arith.constant 0 : i32
    return %c0_i32, %c0_i32_0 : i32, i32
  }
  func.func @transform_5(%arg0: i32) -> (i32, i32) {
    %c0_i32 = arith.constant 0 : i32
    %c0_i32_0 = arith.constant 0 : i32
    return %arg0, %c0_i32 : i32, i32
  }
}

module attributes {stable_mosaic.version = 14 : i64} {
  func.func @body(%arg0: i32, %arg1: memref<2x1000x128xf32, #tpu.memory_space<vmem>>, %arg2: memref<1000x128xf32, #tpu.memory_space<vmem>>, %arg3: memref<2x1000x128xf32, #tpu.memory_space<vmem>>, %arg4: memref<1x128xf32, #tpu.memory_space<vmem>>, %arg5: memref<1000x40xf32, #tpu.memory_space<vmem>>) attributes {dimension_semantics = [#tpu.dimension_semantics<arbitrary>], iteration_bounds = array<i64: 10>, scalar_prefetch = 0 : i64, scratch_operands = 0 : i64, tpu.core_type = #tpu.core_type<tc>, window_params = [{transform_indices = @transform_0, window_bounds = array<i64: 2, 1000, 128>}, {transform_indices = @transform_1, window_bounds = array<i64: 1000, 128>}, {transform_indices = @transform_2, window_bounds = array<i64: 2, 1000, 128>}, {pipeline_mode = #tpu.pipeline_mode<synchronous>, transform_indices = @transform_3, window_bounds = array<i64: 1, 128>}, {transform_indices = @transform_4, window_bounds = array<i64: 1000, 40>}]} {
    %get3A = arith.constant 0 : index
    %get3A_0 = arith.constant 0 : index
    %get3A_1 = arith.constant 0 : index
    %get3A_2 = vector.load %arg3[%get3A, %get3A_0, %get3A_1] : memref<2x1000x128xf32, #tpu.memory_space<vmem>>, vector<1x1000x128xf32>
    %get3A_3 = vector.shape_cast %get3A_2 : vector<1x1000x128xf32> to vector<1000x128xf32>
    %get3A_4 = arith.constant 1 : index
    %get3A_5 = arith.constant 0 : index
    %get3A_6 = arith.constant 0 : index
    %get3A_7 = vector.load %arg3[%get3A_4, %get3A_5, %get3A_6] : memref<2x1000x128xf32, #tpu.memory_space<vmem>>, vector<1x1000x128xf32>
    %get3A_8 = vector.shape_cast %get3A_7 : vector<1x1000x128xf32> to vector<1000x128xf32>
    %slice3A = vector.extract_strided_slice %get3A_3 {offsets = [0, 0], sizes = [1000, 1], strides = [1, 1]} : vector<1000x128xf32> to vector<1000x1xf32>
    %slice3A_9 = vector.extract_strided_slice %get3A_8 {offsets = [0, 0], sizes = [1000, 1], strides = [1, 1]} : vector<1000x128xf32> to vector<1000x1xf32>
    %add3A = arith.addf %slice3A, %slice3A_9 : vector<1000x1xf32>
    %add3A_10 = arith.constant 1.000000e+00 : f32
    %add3A_11 = vector.broadcast %add3A_10 : f32 to vector<1000x1xf32>
    %add3A_12 = arith.addf %add3A, %add3A_11 : vector<1000x1xf32>
    %rsqrt3A = math.rsqrt %add3A_12 : vector<1000x1xf32>
    %get3A_13 = arith.constant 0 : index
    %get3A_14 = arith.constant 0 : index
    %get3A_15 = arith.constant 0 : index
    %get3A_16 = vector.load %arg1[%get3A_13, %get3A_14, %get3A_15] : memref<2x1000x128xf32, #tpu.memory_space<vmem>>, vector<1x1000x128xf32>
    %get3A_17 = vector.shape_cast %get3A_16 : vector<1x1000x128xf32> to vector<1000x128xf32>
    %get3A_18 = arith.constant 1 : index
    %get3A_19 = arith.constant 0 : index
    %get3A_20 = arith.constant 0 : index
    %get3A_21 = vector.load %arg1[%get3A_18, %get3A_19, %get3A_20] : memref<2x1000x128xf32, #tpu.memory_space<vmem>>, vector<1x1000x128xf32>
    %get3A_22 = vector.shape_cast %get3A_21 : vector<1x1000x128xf32> to vector<1000x128xf32>
    %add3A_23 = arith.addf %get3A_17, %get3A_22 : vector<1000x128xf32>
    %get3A_24 = arith.constant 0 : index
    %get3A_25 = arith.constant 0 : index
    %get3A_26 = vector.load %arg2[%get3A_24, %get3A_25] : memref<1000x128xf32, #tpu.memory_space<vmem>>, vector<1000x128xf32>
    %add3A_27 = arith.addf %add3A_23, %get3A_26 : vector<1000x128xf32>
    %mul3A = vector.broadcast %rsqrt3A : vector<1000x1xf32> to vector<1000x128xf32>
    %mul3A_28 = arith.mulf %add3A_27, %mul3A : vector<1000x128xf32>
    %get3A_29 = arith.constant 0 : index
    %get3A_30 = arith.constant 0 : index
    %get3A_31 = vector.load %arg4[%get3A_29, %get3A_30] : memref<1x128xf32, #tpu.memory_space<vmem>>, vector<1x128xf32>
    %add3A_32 = vector.broadcast %get3A_31 : vector<1x128xf32> to vector<1000x128xf32>
    %add3A_33 = arith.addf %mul3A_28, %add3A_32 : vector<1000x128xf32>
    %iota3A = tpu.iota {dimensions = array<i32: 1>} : vector<1000x128xi32>
    %lt3A = arith.constant 40 : i32
    %lt3A_34 = vector.broadcast %lt3A : i32 to vector<1000x128xi32>
    %lt3A_35 = arith.cmpi slt, %iota3A, %lt3A_34 : vector<1000x128xi32>
    %jit3A = arith.constant 0xFF800000 : f32
    %broadcast_in_dim3A = vector.broadcast %jit3A : f32 to vector<1000x128xf32>
    %select_n3A = arith.select %lt3A_35, %add3A_33, %broadcast_in_dim3A : vector<1000x128xi1>, vector<1000x128xf32>
    %reduce_max3A = arith.constant dense<0xFF800000> : vector<1000xf32>
    %reduce_max3A_36 = vector.multi_reduction <maximumf>, %select_n3A, %reduce_max3A [1] : vector<1000x128xf32> to vector<1000xf32>
    %broadcast_in_dim3A_37 = vector.shape_cast %reduce_max3A_36 : vector<1000xf32> to vector<1000x1xf32>
    %sub3A = vector.broadcast %broadcast_in_dim3A_37 : vector<1000x1xf32> to vector<1000x128xf32>
    %sub3A_38 = arith.subf %add3A_33, %sub3A : vector<1000x128xf32>
    %exp3A = math.exp %sub3A_38 : vector<1000x128xf32>
    %jit3A_39 = arith.constant 0.000000e+00 : f32
    %broadcast_in_dim3A_40 = vector.broadcast %jit3A_39 : f32 to vector<1000x128xf32>
    %select_n3A_41 = arith.select %lt3A_35, %exp3A, %broadcast_in_dim3A_40 : vector<1000x128xi1>, vector<1000x128xf32>
    %reduce_sum3A = arith.constant dense<0.000000e+00> : vector<1000xf32>
    %reduce_sum3A_42 = vector.multi_reduction <add>, %select_n3A_41, %reduce_sum3A [1] : vector<1000x128xf32> to vector<1000xf32>
    %broadcast_in_dim3A_43 = vector.shape_cast %reduce_sum3A_42 : vector<1000xf32> to vector<1000x1xf32>
    %log3A = math.log %broadcast_in_dim3A_43 : vector<1000x1xf32>
    %sub3A_44 = vector.broadcast %broadcast_in_dim3A_37 : vector<1000x1xf32> to vector<1000x128xf32>
    %sub3A_45 = arith.subf %add3A_33, %sub3A_44 : vector<1000x128xf32>
    %sub3A_46 = vector.broadcast %log3A : vector<1000x1xf32> to vector<1000x128xf32>
    %sub3A_47 = arith.subf %sub3A_45, %sub3A_46 : vector<1000x128xf32>
    %slice3A_48 = vector.extract_strided_slice %sub3A_47 {offsets = [0, 0], sizes = [1000, 40], strides = [1, 1]} : vector<1000x128xf32> to vector<1000x40xf32>
    %swap3A = arith.constant 0 : index
    %swap3A_49 = arith.constant 0 : index
    %swap3A_50 = vector.load %arg5[%swap3A, %swap3A_49] : memref<1000x40xf32, #tpu.memory_space<vmem>>, vector<1000x40xf32>
    tpu.vector_store %arg5[%swap3A, %swap3A_49], %slice3A_48 {strides = array<i32>} : memref<1000x40xf32, #tpu.memory_space<vmem>>, vector<1000x40xf32>,
    return
  }
  func.func @transform_0(%arg0: i32) -> (i32, i32, i32) {
    %c0_i32 = arith.constant 0 : i32
    %c0_i32_0 = arith.constant 0 : i32
    %c0_i32_1 = arith.constant 0 : i32
    return %c0_i32, %arg0, %c0_i32_0 : i32, i32, i32
  }
  func.func @transform_1(%arg0: i32) -> (i32, i32) {
    %c0_i32 = arith.constant 0 : i32
    %c0_i32_0 = arith.constant 0 : i32
    return %arg0, %c0_i32 : i32, i32
  }
  func.func @transform_2(%arg0: i32) -> (i32, i32, i32) {
    %c0_i32 = arith.constant 0 : i32
    %c0_i32_0 = arith.constant 0 : i32
    %c0_i32_1 = arith.constant 0 : i32
    return %c0_i32, %arg0, %c0_i32_0 : i32, i32, i32
  }
  func.func @transform_3(%arg0: i32) -> (i32, i32) {
    %c0_i32 = arith.constant 0 : i32
    %c0_i32_0 = arith.constant 0 : i32
    %c0_i32_1 = arith.constant 0 : i32
    return %c0_i32, %c0_i32_0 : i32, i32
  }
  func.func @transform_4(%arg0: i32) -> (i32, i32) {
    %c0_i32 = arith.constant 0 : i32
    %c0_i32_0 = arith.constant 0 : i32
    return %arg0, %c0_i32 : i32, i32
  }
}

</mosaic_0001>

<sc_bundles>
// kernel: kernel.10.cloned.1.call-start
scs
__scs_entry_jumppad:
0x0: {  	(pc) =	sbr.rel $0x88, $3  }
0x1: {  	(tag) =	ssettag $0x0;
	lr =	simm.s32 $0x1  }
0x2: {  	[smem:$0x3F99] =	sst lr;
	_ =	strace $0xD0000000  }
0x3: {  	_ = 	snop  }
0x4: {  	_ = 	snop  }
0x5: {  	_ = 	snop  }
0x6: {  	_ = 	snop  }
0x7: {  	_ = 	snop  }
__scs_overlays_trampoline_lowered:
0x8: {  	[smem:$0x3FA8] =	sst s0  }
0x9: {  	[smem:$0x3FA9] =	sst s1  }
0xa: {  	[smem:$0x3FAA] =	sst s2  }
0xb: {  	[smem:$0x3FAB] =	sst s3  }
0xc: {  	[smem:$0x3FAC] =	sst s4  }
0xd: {  	[smem:$0x3FAD] =	sst s5  }
0xe: {  	[smem:$0x3FAE] =	sst s6  }
0xf: {  	[smem:$0x3FAF] =	sst s7  }
0x10: {  	[smem:$0x3FB0] =	sst s8  }
0x11: {  	[smem:$0x3FB1] =	sst s9;
	s0 =	simm.s32 @!p0 $0x0  }
0x12: {  	s1 =	sld [smem:$0x3F97];
	s0 =	simm.s32 @p0 $0x1  }
0x13: {  	[smem:$0x3FB2] =	sst s0;
	s0 =	simm.s32 @!p1 $0x0  }
0x14: {  	s2 =	sld [smem:$0x3F96];
	s0 =	simm.s32 @p1 $0x1  }
0x15: {  	[smem:$0x3FB3] =	sst s0;
	s0 =	simm.s32 @!p2 $0x0  }
0x16: {  	s3 =	sld [smem:$0x3FDB];
	s0 =	simm.s32 @p2 $0x1  }
0x17: {  	s4 =	simm.s32 $0x1BF5;
	[smem:$0x3FB5] =	sst s0  }
0x18: {  	s0 =	sld [smem:$0x3F98];
	_ =	swait.ge [sflag:s4], $0x0  }
0x19: {  	s7 =	sld [smem:$0x3F99]  }
0x1a: {  	s8 =	sadd.s32 $0xFFFFE003, lr  }
0x1b: {  	s9 =	sadd.s32 $0xFFFFFEF7, lr;
	s5 =	simm.s32 $0xFFFFFFFF;
	p2 =	slt.u32 s8, $0xFFFFF086  }
0x1c: {  	p1 =	slt.u32 s9, $0xF7A;
	s5 =	simm.s32 @!p2 $0x0  }
0x1d: {  	s5 =	simm.s32 @p1 $0x1;
	p0 =	seq.s32 s7, s2  }
0x1e: {  	s7 =	smul.u32 @!p0 $0xF7A, s2;
	p2 =	seq.s32 @!p0 s5, $0x0  }
0x1f: {  	s9 =	smul.u32 $0xF7A, s1;
	s8 =	simm.s32 @!p0 $0x1BF5;
	p2 =	por !p2, p0  }
0x20: {  	[sflag:s8] =	ssyncset.s32 @!p0 $0xFFFFF086;
	s6 =	sadd.s32 @!p0 s3, s7;
	s7 =	simm.s32 @!p0 $0x108  }
0x21: {  	s3 =	sadd.s32 s3, s9;
	s6 =	sadd.s32 @!p0 $0x88, s6;
	s7 =	simm.s32 @p2 $0x1082  }
0x22: {  	[simem:s7], [sflag:s8] =	dma.local @!p0 [hbm:s6], $0xF7A  }
0x23: {  	s9 =	sor.u32 $0xD0000000, s2;
	s6 =	simm.s32 $0x108;
	_ =	swait.ge @!p0 [sflag:s8], $0x0  }
0x24: {  	s3 =	sadd.s32 $0x88, s3;
	s6 =	simm.s32 @!p1 $0x1082;
	[sflag:s4] =	ssyncset.s32 $0xFFFFF086  }
0x25: {  	[simem:s6], [sflag:s4] =	dma.local [hbm:s3], $0xF7A  }
0x26: {  	[smem:$0x3F99] =	sst s1;
	(tag) =	ssettag s2;
	_ =	strace s9  }
0x27: {  	s1 =	sld [smem:$0x3FA9]  }
0x28: {  	s2 =	sld [smem:$0x3FAA]  }
0x29: {  	s4 =	sld [smem:$0x3FAC]  }
0x2a: {  	p0 =	seq.s32 s5, $0x0;
	s5 =	sld [smem:$0x3FAD]  }
0x2b: {  	s6 =	sld [smem:$0x3FAE]  }
0x2c: {  	s7 =	sld [smem:$0x3FAF]  }
0x2d: {  	s3 =	simm.s32 $0x108;
	s8 =	sld [smem:$0x3FB0]  }
0x2e: {  	s3 =	simm.s32 @!p0 $0x1082;
	s9 =	sld [smem:$0x3FB1]  }
0x2f: {  	lr =	sadd.s32 s0, s3;
	s0 =	sld [smem:$0x3FA8]  }
0x30: {  	s3 =	sld [smem:$0x3FAB]  }
0x31: {  	[smem:$0x3FB4] =	sst s10  }
0x32: {  	s10 =	sld [smem:$0x3FB2];
	_ =	sdelay $0x3  }
0x33: {  	p0 =	seq.s32 s10, $0x1;
	s10 =	sld [smem:$0x3FB4];
	_ =	sdelay $0x3  }
0x34: {  	[smem:$0x3FB4] =	sst s10  }
0x35: {  	s10 =	sld [smem:$0x3FB3];
	_ =	sdelay $0x3  }
0x36: {  	p1 =	seq.s32 s10, $0x1;
	s10 =	sld [smem:$0x3FB4];
	_ =	sdelay $0x3  }
0x37: {  	[smem:$0x3FB4] =	sst s10  }
0x38: {  	s10 =	sld [smem:$0x3FB5]  }
0x39: {  	_ = 	snop;
	(pc) =	sbr.ind lr, $3  }
0x3a: {  	_ = 	snop  }
0x3b: {  	_ = 	snop  }
0x3c: {  	p2 =	seq.s32 s10, $0x1;
	s10 =	sld [smem:$0x3FB4]  }
0x3d: {  	_ =	shalt  }
0x3e: {  	_ =	shalt  }
0x3f: {  	_ =	shalt  }
0x40: {  	_ =	shalt  }
0x41: {  	_ =	shalt  }
0x42: {  	_ =	shalt  }
0x43: {  	_ =	shalt  }
0x44: {  	_ =	shalt  }
0x45: {  	_ =	shalt  }
0x46: {  	_ =	shalt  }
0x47: {  	_ =	shalt  }
0x48: {  	_ =	shalt  }
0x49: {  	_ =	shalt  }
0x4a: {  	_ =	shalt  }
0x4b: {  	_ =	shalt  }
0x4c: {  	_ =	shalt  }
0x4d: {  	_ =	shalt  }
0x4e: {  	_ =	shalt  }
0x4f: {  	_ =	shalt  }
0x50: {  	_ =	shalt  }
0x51: {  	_ =	shalt  }
0x52: {  	_ =	shalt  }
0x53: {  	_ =	shalt  }
0x54: {  	_ =	shalt  }
0x55: {  	_ =	shalt  }
0x56: {  	_ =	shalt  }
0x57: {  	_ =	shalt  }
0x58: {  	_ =	shalt  }
0x59: {  	_ =	shalt  }
0x5a: {  	_ =	shalt  }
0x5b: {  	_ =	shalt  }
0x5c: {  	_ =	shalt  }
0x5d: {  	_ =	shalt  }
0x5e: {  	_ =	shalt  }
0x5f: {  	_ =	shalt  }
0x60: {  	_ =	shalt  }
0x61: {  	_ =	shalt  }
0x62: {  	_ =	shalt  }
0x63: {  	_ =	shalt  }
0x64: {  	_ =	shalt  }
0x65: {  	_ =	shalt  }
0x66: {  	_ =	shalt  }
0x67: {  	_ =	shalt  }
0x68: {  	_ =	shalt  }
0x69: {  	_ =	shalt  }
0x6a: {  	_ =	shalt  }
0x6b: {  	_ =	shalt  }
0x6c: {  	_ =	shalt  }
0x6d: {  	_ =	shalt  }
0x6e: {  	_ =	shalt  }
0x6f: {  	_ =	shalt  }
0x70: {  	_ =	shalt  }
0x71: {  	_ =	shalt  }
0x72: {  	_ =	shalt  }
0x73: {  	_ =	shalt  }
0x74: {  	_ =	shalt  }
0x75: {  	_ =	shalt  }
0x76: {  	_ =	shalt  }
0x77: {  	_ =	shalt  }
0x78: {  	_ =	shalt  }
0x79: {  	_ =	shalt  }
0x7a: {  	_ =	shalt  }
0x7b: {  	_ =	shalt  }
0x7c: {  	_ =	shalt  }
0x7d: {  	_ =	shalt  }
0x7e: {  	_ =	shalt  }
0x7f: {  	_ =	shalt  }
0x80: {  	_ =	shalt  }
0x81: {  	_ =	shalt  }
0x82: {  	_ =	shalt  }
0x83: {  	_ =	shalt  }
0x84: {  	_ =	shalt  }
0x85: {  	_ =	shalt  }
0x86: {  	_ =	shalt  }
0x87: {  	_ =	shalt  }
.Lfunc_end0:
.L_simem_size_0:
called_computation_lowered:
.L_overlay_start_0:
0x88: {  	s2 =	sld [smem:$0x3FD9]  }
0x89: {  	s3 =	sld [smem:$0x3FFE];
	_ =	sdelay $0x1  }
0x8a: {  	s1 =	srdreg.scid  }
0x8b: {  	s0 =	sand.u32 $0x1, s1  }
0x8c: {  	s17 =	sshll.u32 s0, $0xA;
	s2 =	sadd.s32 s3, s2  }
0x8d: {  	s2 =	sadd.s32 s2, s17  }
0x8e: {  	[smem:$0x3FC0] =	sst s2  }
0x8f: {  	_ = 	snop  }
0x90: {  	s2 =	sld [smem:$0x3FD0];
	(tm) =	ssettm $0x1  }
0x91: {  	s18 =	sld [smem:$0x3FFB];
	_ =	sdelay $0x3  }
0x92: {  	_ =	strace s18  }
0x93: {  	s3 =	sld [smem:$0x3FFC];
	_ =	sdelay $0x3  }
0x94: {  	_ =	strace s3  }
0x95: {  	s3 =	sld [smem:$0x3FFD];
	_ =	sdelay $0x3  }
0x96: {  	_ =	strace s3  }
0x97: {  	_ =	strace $0x8FFFFFFF  }
0x98: {  	s19 =	sld [smem:$0x3FDB];
	_ =	sdelay $0x1  }
0x99: {  	s4 =	simm.s32 $_scs_section_size  }
0x9a: {  	s5 =	simm.s32 $_size__tile_overlayer_lowered;
	s6 =	simm.s32 $_tile_overlayer_lowered  }
0x9b: {  	s22 =	simm.s32 $0x1BFF;
	s21 =	sshll.u32 s6, $0x1;
	s3 =	sadd.s32 s4, s19  }
0x9c: {  	s7 =	simm.s32 $0x0;
	s20 =	sshll.u32 s5, $0x1;
	s5 =	sadd.s32 s21, s3  }
0x9d: {  	[timem:s7], [sflag:s22] =	dma.local [hbm:s5], s20  }
0x9e: {  	_ =	swait.ge [sflag:s22], s20  }
0x9f: {  	s4 =	ssub.s32 $0x0, s20;
	[sflag:s22] =	ssyncset.done $0x0  }
0xa0: {  	[sflag:s22] =	ssyncadd.s32 s4;
	_ =	sdelay $0x1  }
0xa1: {  	s23 =	simm.s32 $0x1B8B  }
0xa2: {  	_ =	swait.ge [sflag:s23], $0x1  }
0xa3: {  	[sflag:s23] =	ssyncset.done $0x0  }
0xa4: {  	s25 =	simm.s32 $0x1B8E;
	s24 =	sld [smem:$0x3FFE];
	[sflag:s23] =	ssyncadd.s32 $0xFFFFFFFF  }
0xa5: {  	s26 =	simm.s32 $execute0_lowered;
	[smem:$0x3FD2] =	sst s25  }
0xa6: {  	s5 =	sshll.u32 s26, $0x1;
	_ =	strace $0x80000046;
	[dreg:$0x1] =	wrdreg $0xFFFFFFFF  }
0xa7: {  	s28 =	simm.s32 $_size_execute0_lowered;
	s3 =	sadd.s32 s3, s5;
	[dreg:$0x0] =	wrdreg $0x0  }
0xa8: {  	s5 =	sshll.u32 s28, $0x1;
	[dreg:$0x2] =	wrdreg s3  }
0xa9: {  	[dreg:$0x3] =	wrdreg s5  }
0xaa: {  	[dreg:$0x4] =	wrdreg $0xC0  }
0xab: {  	_ =	task [dreg:s7], $0x5FFFF  }
0xac: {  	[dreg:$0x1] =	wrdreg $0xFFFFFFFF  }
0xad: {  	[dreg:$0x0] =	wrdreg $0x60  }
0xae: {  	[dreg:$0x2] =	wrdreg s2  }
0xaf: {  	[dreg:$0x3] =	wrdreg s24  }
0xb0: {  	[dreg:$0x4] =	wrdreg $0x68000  }
0xb1: {  	[dreg:$0x5] =	wrdreg $0x9  }
0xb2: {  	_ =	task.clear_ibuf [dreg:s7], $0x6FFFF;
	_ =	strace $0x90000046  }
0xb3: {  	s29 =	simm.s32 $0x9;
	_ =	strace $0x80000048  }
0xb4: {  	_ =	swait.ge [sflag:s29], $0x1  }
0xb5: {  	[sflag:s29] =	ssyncadd.s32 $0xFFFFFFFF  }
0xb6: {  	_ =	strace $0x90000048  }
0xb7: {  	_ =	sfence  }
0xb8: {  	s30 =	sld [smem:$0x0];
	_ =	sdelay $0x2  }
0xb9: {  	s31 =	sshll.u32 s1, $0xD;
	s1 =	sshrl.u32 s1, $0x2  }
0xba: {  	s3 =	sand.u32 $0x4000, s31;
	s1 =	sadd.s32 s1, s30  }
0xbb: {  	s0 =	sor.u32 s3, s0;
	s1 =	sshll.u32 s1, $0x11  }
0xbc: {  	s0 =	sor.u32 s1, s0  }
0xbd: {  	s0 =	sadd.s32 $0x8F2B, s0  }
0xbe: {  	[sflag:s0] =	ssyncadd.remote.s32 $0x1  }
0xbf: {  	_ =	sfence.sel $0xFFFF  }
0xc0: {  	[dreg:$0x0] =	wrdreg $0xFFFFFFFF;
	(pc) =	sbr.abs _section_cstart, $3  }
0xc1: {  	[dreg:$0x1] =	wrdreg $0xFFFFFFFF  }
0xc2: {  	_ =	task.clear_ibuf [dreg:s7], $0x2FFFF;
	_ =	strace $0x9FFFFFFF  }
0xc3: {  	(tm) =	ssettm $0x7FFFFFFF  }
tec
execute0_lowered:
.L_overlay_start_1:
0x0: {  	(tag) =	ssettag $0x1  }
0x1: {  	s7 =	rddreg [dreg:$0x0]  }
0x2: {  	s6 =	rddreg [dreg:$0x1]  }
0x3: {  	s1 =	rddreg [dreg:$0x2]  }
0x4: {  	s2 =	srdreg.scid;
	s0 =	rddreg [dreg:$0x3];
	s3 =	simm.s32 $0x0  }
0x5: {  	s12 =	simm.s32 $0x2800;
	s13 =	simm.s32 $0x80;
	s14 =	simm.s32 $0x100  }
0x6: {  	s15 =	simm.s32 $0x180;
	s16 =	simm.s32 $0x1;
	s8 =	sand.u32 $0x1, s2  }
0x7: {  	s17 =	simm.s32 $0x0;
	s2 =	stileid.u32;
	s9 =	smul.u32 $0x13C000, s8  }
0x8: {  	[smem:$0x7FF] =	sst s3;
	s4 =	sadd.s32 $0xD200, s6;
	s10 =	smul.u32 $0x13C00, s2  }
0x9: {  	s5 =	sadd.s32 $0xDA00, s6;
	_ =	strace $0x80000047;
	s28 =	smul.u32 $0x4F000, s2  }
0xa: {  	s11 =	sshll.u32 s2, $0x1;
	s29 =	ssub.s32 $0x2, s8;
	s31 =	sshll.u32 s2, $0x6  }
0xb: {  	s8 =	sor.u32 s8, s11;
	s30 =	sshrl.u32 s29, $0x1;
	s9 =	sadd.s32 s10, s9  }
0xc: {  	s10 =	sshrl.u32 s28, $0x2;
	s8 =	smul.u32 $0x500, s8;
	s9 =	sshrl.u32 s9, $0x3  }
0xd: {  	s11 =	ssub.s32 s29, s30;
	s10 =	sadd.s32 s10, s1;
	s9 =	sadd.s32 s9, s6  }
0xe: {  	s6 =	sor.u32 $0x1C02, s31;
	s7 =	sadd.s32 s7, s8;
	s10 =	sshrl.u32 s10, $0x3  }
0xf: {  	s8 =	sadd.s32 $0x10200, s9;
	s9 =	smax.u32 s11, $0x1;
	s11 =	simm.s32 $0x2  }
.LBB2_1:
0x10: {  	[spmem:s10], [sflag:s6] =	dma.local [hbm:s5], $0x2780  }
0x11: {  	_ =	swait.ge [sflag:s11], $0x2780  }
0x12: {  	[sflag:s11] =	ssyncset.done $0x0  }
0x13: {  	[sflag:s11] =	ssyncadd.s32 $0xFFFFD880  }
0x14: {  	[tilespmem:s12], [sflag:$0x2] =	stream.linear.gather [hbm4b:s4+s3], $0x4000, $0x38;
	[tilespmem:$0x1A400] =	vst v63  }
0x15: {  	_ =	swait.ge [sflag:s11], $0x4000  }
0x16: {  	[sflag:s11] =	ssyncset.done $0x0  }
0x17: {  	[sflag:s11] =	ssyncadd.s32 $0xFFFFC000  }
0x18: {  	[tilespmem:s3], [sflag:$0x2] =	stream.linear.gather [hbm4b:s7+s3], $0x2800, $0x38;
	[tilespmem:$0x1A400] =	vst v63  }
0x19: {  	_ =	swait.ge [sflag:s11], $0x2800  }
0x1a: {  	[sflag:s11] =	ssyncset.done $0x0  }
0x1b: {  	[sflag:s11] =	ssyncadd.s32 $0xFFFFD800  }
0x1c: {  	[bflag:$0x0] =	sbarrier.arrive $0xFFFF  }
0x1d: {  	[spmem:s1] =	stream.indirect.scatter.add.f32 [tilespmem:s12], [sflag:$0x1], $0x80, s3, s13, $0xb8;
	[tilespmem:$0x1A400] =	vst v63  }
0x1e: {  	_ = 	snop  }
0x1f: {  	[spmem:s1] =	stream.indirect.scatter.add.f32 [tilespmem:s12], [sflag:$0x1], $0x80, s13, s13, $0xb8;
	[tilespmem:$0x1A400] =	vst v63  }
0x20: {  	_ = 	snop  }
0x21: {  	[spmem:s1] =	stream.indirect.scatter.add.f32 [tilespmem:s12], [sflag:$0x1], $0x80, s14, s13, $0xb8;
	[tilespmem:$0x1A400] =	vst v63  }
0x22: {  	_ = 	snop  }
0x23: {  	[spmem:s1] =	stream.indirect.scatter.add.f32 [tilespmem:s12], [sflag:$0x1], $0x80, s15, s13, $0xb8;
	[tilespmem:$0x1A400] =	vst v63  }
0x24: {  	s18 =	simm.s32 $0x200  }
0x25: {  	[spmem:s1] =	stream.indirect.scatter.add.f32 [tilespmem:s12], [sflag:$0x1], $0x80, s18, s13, $0xb8;
	[tilespmem:$0x1A400] =	vst v63  }
0x26: {  	_ =	swait.ge [sflag:s16], $0x4000  }
0x27: {  	s18 =	simm.s32 $0xA00;
	[sflag:s16] =	ssyncset.done $0x0  }
.LBB2_2:
0x28: {  	s19 =	sshra.s32 s18, $0x2;
	[sflag:s16] =	ssyncadd.s32 $0xFFFFC000;
	p0 =	sne.s32 s18, $0x9E00  }
0x29: {  	[spmem:s1] =	stream.indirect.scatter.add.f32 [tilespmem:s12], [sflag:$0x1], $0x80, s19, s13, $0xb8;
	[tilespmem:$0x1A400] =	vst v63  }
.Ltmp0:
0x2a: {  	_ = 	snop;
	(pc) =	sbr.rel @p0 .LBB2_2-.Ltmp0, $4  }
0x2b: {  	_ = 	snop  }
0x2c: {  	s18 =	sadd.s32 $0x200, s18  }
0x2d: {  	_ =	swait.ge [sflag:s16], $0x4000  }
0x2e: {  	[sflag:s16] =	ssyncset.done $0x0  }
0x2f: {  	[sflag:s16] =	ssyncadd.s32 $0xFFFFC000  }
0x30: {  	_ =	swait.ge [sflag:s16], $0x4000  }
0x31: {  	[sflag:s16] =	ssyncset.done $0x0  }
0x32: {  	[sflag:s16] =	ssyncadd.s32 $0xFFFFC000  }
0x33: {  	_ =	swait.ge [sflag:s16], $0x4000  }
0x34: {  	[sflag:s16] =	ssyncset.done $0x0  }
0x35: {  	[sflag:s16] =	ssyncadd.s32 $0xFFFFC000  }
0x36: {  	_ =	swait.ge [sflag:s16], $0x4000  }
0x37: {  	[sflag:s16] =	ssyncset.done $0x0  }
0x38: {  	[sflag:s16] =	ssyncadd.s32 $0xFFFFC000  }
0x39: {  	_ =	swait.ge [sflag:s16], $0x4000  }
0x3a: {  	s17 =	sadd.s32 $0x1, s17;
	[sflag:s16] =	ssyncset.done $0x0  }
0x3b: {  	p0 =	sne.s32 s17, s9;
	[sflag:s16] =	ssyncadd.s32 $0xFFFFC000  }
.Ltmp1:
0x3c: {  	[bflag:$0x0] =	sbarrier.arrive $0xFFFF;
	(pc) =	sbr.rel @p0 .LBB2_1-.Ltmp1, $4  }
0x3d: {  	[hbm:s8], [sflag:s6] =	dma.local [spmem:s10], $0x2780  }
0x3e: {  	_ =	swait.ge [sflag:s11], $0x2780  }
0x3f: {  	[sflag:s11] =	ssyncset.done $0x0  }
0x40: {  	[sflag:s11] =	ssyncadd.s32 $0xFFFFD880  }
0x41: {  	_ =	sfence.sel $0x180000  }
0x42: {  	[bflag:$0x0] =	sbarrier.arrive $0xFFFF  }
0x43: {  	p0 =	sne.s32 s2, $0x0;
	_ =	strace $0x90000047  }
0x44: {  	s0 =	sadd.s32 @!p0 $0x100000, s0;
	[bflag:$0x2] =	sbarrier.arrive $0xFFFF  }
0x45: {  	[sflag:s0] =	ssyncadd.tile.s32 @!p0 $0x1;
	_ =	shalt  }
.Lfunc_end2:
_tile_overlayer_lowered:
.L_overlay_start_2:
0x46: {  	(tag) =	ssettag $0x2  }
0x47: {  	s0 =	rddreg [dreg:$0x0];
	s2 =	stileid.u32  }
0x48: {  	s1 =	rddreg [dreg:$0x1];
	p0 =	sne.s32 s2, $0x0  }
0x49: {  	s3 =	rddreg [dreg:$0x2];
	[bflag:$0x3] =	sbarrier.arrive $0xFFFF;
	s2 =	simm.s32 @!p0 $0x1C02  }
0x4a: {  	[timem:s3], [sflag:s2] =	dma.local @!p0 [hbm:s0], s1  }
0x4b: {  	s0 =	simm.s32 @!p0 $0x2  }
0x4c: {  	_ =	swait.ge @!p0 [sflag:s0], s1  }
0x4d: {  	s1 =	ssub.s32 @!p0 $0x0, s1;
	[sflag:s0] =	ssyncset.done @!p0 $0x0  }
0x4e: {  	[sflag:s0] =	ssyncadd.s32 @!p0 s1  }
0x4f: {  	[bflag:$0x3] =	sbarrier.arrive $0xFFFF  }
0x50: {  	_ =	shalt  }

// kernel: kernel.13.cloned.1.call-start
scs
__scs_entry_jumppad:
0x0: {  	(pc) =	sbr.rel $0x88, $3  }
0x1: {  	(tag) =	ssettag $0x0;
	lr =	simm.s32 $0x1  }
0x2: {  	[smem:$0x3F99] =	sst lr;
	_ =	strace $0xD0000000  }
0x3: {  	_ = 	snop  }
0x4: {  	_ = 	snop  }
0x5: {  	_ = 	snop  }
0x6: {  	_ = 	snop  }
0x7: {  	_ = 	snop  }
__scs_overlays_trampoline_lowered:
0x8: {  	[smem:$0x3FA8] =	sst s0  }
0x9: {  	[smem:$0x3FA9] =	sst s1  }
0xa: {  	[smem:$0x3FAA] =	sst s2  }
0xb: {  	[smem:$0x3FAB] =	sst s3  }
0xc: {  	[smem:$0x3FAC] =	sst s4  }
0xd: {  	[smem:$0x3FAD] =	sst s5  }
0xe: {  	[smem:$0x3FAE] =	sst s6  }
0xf: {  	[smem:$0x3FAF] =	sst s7  }
0x10: {  	[smem:$0x3FB0] =	sst s8  }
0x11: {  	[smem:$0x3FB1] =	sst s9;
	s0 =	simm.s32 @!p0 $0x0  }
0x12: {  	s1 =	sld [smem:$0x3F97];
	s0 =	simm.s32 @p0 $0x1  }
0x13: {  	[smem:$0x3FB2] =	sst s0;
	s0 =	simm.s32 @!p1 $0x0  }
0x14: {  	s2 =	sld [smem:$0x3F96];
	s0 =	simm.s32 @p1 $0x1  }
0x15: {  	[smem:$0x3FB3] =	sst s0;
	s0 =	simm.s32 @!p2 $0x0  }
0x16: {  	s3 =	sld [smem:$0x3FDB];
	s0 =	simm.s32 @p2 $0x1  }
0x17: {  	s4 =	simm.s32 $0x1BF5;
	[smem:$0x3FB5] =	sst s0  }
0x18: {  	s0 =	sld [smem:$0x3F98];
	_ =	swait.ge [sflag:s4], $0x0  }
0x19: {  	s7 =	sld [smem:$0x3F99]  }
0x1a: {  	s8 =	sadd.s32 $0xFFFFE003, lr  }
0x1b: {  	s9 =	sadd.s32 $0xFFFFFEF7, lr;
	s5 =	simm.s32 $0xFFFFFFFF;
	p2 =	slt.u32 s8, $0xFFFFF086  }
0x1c: {  	p1 =	slt.u32 s9, $0xF7A;
	s5 =	simm.s32 @!p2 $0x0  }
0x1d: {  	s5 =	simm.s32 @p1 $0x1;
	p0 =	seq.s32 s7, s2  }
0x1e: {  	s7 =	smul.u32 @!p0 $0xF7A, s2;
	p2 =	seq.s32 @!p0 s5, $0x0  }
0x1f: {  	s9 =	smul.u32 $0xF7A, s1;
	s8 =	simm.s32 @!p0 $0x1BF5;
	p2 =	por !p2, p0  }
0x20: {  	[sflag:s8] =	ssyncset.s32 @!p0 $0xFFFFF086;
	s6 =	sadd.s32 @!p0 s3, s7;
	s7 =	simm.s32 @!p0 $0x108  }
0x21: {  	s3 =	sadd.s32 s3, s9;
	s6 =	sadd.s32 @!p0 $0x88, s6;
	s7 =	simm.s32 @p2 $0x1082  }
0x22: {  	[simem:s7], [sflag:s8] =	dma.local @!p0 [hbm:s6], $0xF7A  }
0x23: {  	s9 =	sor.u32 $0xD0000000, s2;
	s6 =	simm.s32 $0x108;
	_ =	swait.ge @!p0 [sflag:s8], $0x0  }
0x24: {  	s3 =	sadd.s32 $0x88, s3;
	s6 =	simm.s32 @!p1 $0x1082;
	[sflag:s4] =	ssyncset.s32 $0xFFFFF086  }
0x25: {  	[simem:s6], [sflag:s4] =	dma.local [hbm:s3], $0xF7A  }
0x26: {  	[smem:$0x3F99] =	sst s1;
	(tag) =	ssettag s2;
	_ =	strace s9  }
0x27: {  	s1 =	sld [smem:$0x3FA9]  }
0x28: {  	s2 =	sld [smem:$0x3FAA]  }
0x29: {  	s4 =	sld [smem:$0x3FAC]  }
0x2a: {  	p0 =	seq.s32 s5, $0x0;
	s5 =	sld [smem:$0x3FAD]  }
0x2b: {  	s6 =	sld [smem:$0x3FAE]  }
0x2c: {  	s7 =	sld [smem:$0x3FAF]  }
0x2d: {  	s3 =	simm.s32 $0x108;
	s8 =	sld [smem:$0x3FB0]  }
0x2e: {  	s3 =	simm.s32 @!p0 $0x1082;
	s9 =	sld [smem:$0x3FB1]  }
0x2f: {  	lr =	sadd.s32 s0, s3;
	s0 =	sld [smem:$0x3FA8]  }
0x30: {  	s3 =	sld [smem:$0x3FAB]  }
0x31: {  	[smem:$0x3FB4] =	sst s10  }
0x32: {  	s10 =	sld [smem:$0x3FB2];
	_ =	sdelay $0x3  }
0x33: {  	p0 =	seq.s32 s10, $0x1;
	s10 =	sld [smem:$0x3FB4];
	_ =	sdelay $0x3  }
0x34: {  	[smem:$0x3FB4] =	sst s10  }
0x35: {  	s10 =	sld [smem:$0x3FB3];
	_ =	sdelay $0x3  }
0x36: {  	p1 =	seq.s32 s10, $0x1;
	s10 =	sld [smem:$0x3FB4];
	_ =	sdelay $0x3  }
0x37: {  	[smem:$0x3FB4] =	sst s10  }
0x38: {  	s10 =	sld [smem:$0x3FB5]  }
0x39: {  	_ = 	snop;
	(pc) =	sbr.ind lr, $3  }
0x3a: {  	_ = 	snop  }
0x3b: {  	_ = 	snop  }
0x3c: {  	p2 =	seq.s32 s10, $0x1;
	s10 =	sld [smem:$0x3FB4]  }
0x3d: {  	_ =	shalt  }
0x3e: {  	_ =	shalt  }
0x3f: {  	_ =	shalt  }
0x40: {  	_ =	shalt  }
0x41: {  	_ =	shalt  }
0x42: {  	_ =	shalt  }
0x43: {  	_ =	shalt  }
0x44: {  	_ =	shalt  }
0x45: {  	_ =	shalt  }
0x46: {  	_ =	shalt  }
0x47: {  	_ =	shalt  }
0x48: {  	_ =	shalt  }
0x49: {  	_ =	shalt  }
0x4a: {  	_ =	shalt  }
0x4b: {  	_ =	shalt  }
0x4c: {  	_ =	shalt  }
0x4d: {  	_ =	shalt  }
0x4e: {  	_ =	shalt  }
0x4f: {  	_ =	shalt  }
0x50: {  	_ =	shalt  }
0x51: {  	_ =	shalt  }
0x52: {  	_ =	shalt  }
0x53: {  	_ =	shalt  }
0x54: {  	_ =	shalt  }
0x55: {  	_ =	shalt  }
0x56: {  	_ =	shalt  }
0x57: {  	_ =	shalt  }
0x58: {  	_ =	shalt  }
0x59: {  	_ =	shalt  }
0x5a: {  	_ =	shalt  }
0x5b: {  	_ =	shalt  }
0x5c: {  	_ =	shalt  }
0x5d: {  	_ =	shalt  }
0x5e: {  	_ =	shalt  }
0x5f: {  	_ =	shalt  }
0x60: {  	_ =	shalt  }
0x61: {  	_ =	shalt  }
0x62: {  	_ =	shalt  }
0x63: {  	_ =	shalt  }
0x64: {  	_ =	shalt  }
0x65: {  	_ =	shalt  }
0x66: {  	_ =	shalt  }
0x67: {  	_ =	shalt  }
0x68: {  	_ =	shalt  }
0x69: {  	_ =	shalt  }
0x6a: {  	_ =	shalt  }
0x6b: {  	_ =	shalt  }
0x6c: {  	_ =	shalt  }
0x6d: {  	_ =	shalt  }
0x6e: {  	_ =	shalt  }
0x6f: {  	_ =	shalt  }
0x70: {  	_ =	shalt  }
0x71: {  	_ =	shalt  }
0x72: {  	_ =	shalt  }
0x73: {  	_ =	shalt  }
0x74: {  	_ =	shalt  }
0x75: {  	_ =	shalt  }
0x76: {  	_ =	shalt  }
0x77: {  	_ =	shalt  }
0x78: {  	_ =	shalt  }
0x79: {  	_ =	shalt  }
0x7a: {  	_ =	shalt  }
0x7b: {  	_ =	shalt  }
0x7c: {  	_ =	shalt  }
0x7d: {  	_ =	shalt  }
0x7e: {  	_ =	shalt  }
0x7f: {  	_ =	shalt  }
0x80: {  	_ =	shalt  }
0x81: {  	_ =	shalt  }
0x82: {  	_ =	shalt  }
0x83: {  	_ =	shalt  }
0x84: {  	_ =	shalt  }
0x85: {  	_ =	shalt  }
0x86: {  	_ =	shalt  }
0x87: {  	_ =	shalt  }
.Lfunc_end0:
.L_simem_size_0:
called_computation.1_lowered:
.L_overlay_start_0:
0x88: {  	s2 =	sld [smem:$0x3FD9]  }
0x89: {  	s3 =	sld [smem:$0x3FFE];
	_ =	sdelay $0x1  }
0x8a: {  	s1 =	srdreg.scid  }
0x8b: {  	s0 =	sand.u32 $0x1, s1  }
0x8c: {  	s17 =	sshll.u32 s0, $0xA;
	s2 =	sadd.s32 s3, s2  }
0x8d: {  	s2 =	sadd.s32 s2, s17  }
0x8e: {  	[smem:$0x3FC0] =	sst s2  }
0x8f: {  	_ = 	snop  }
0x90: {  	s2 =	sld [smem:$0x3FD0];
	(tm) =	ssettm $0x1  }
0x91: {  	s18 =	sld [smem:$0x3FFB];
	_ =	sdelay $0x3  }
0x92: {  	_ =	strace s18  }
0x93: {  	s3 =	sld [smem:$0x3FFC];
	_ =	sdelay $0x3  }
0x94: {  	_ =	strace s3  }
0x95: {  	s3 =	sld [smem:$0x3FFD];
	_ =	sdelay $0x3  }
0x96: {  	_ =	strace s3  }
0x97: {  	_ =	strace $0x8FFFFFFF  }
0x98: {  	s19 =	sld [smem:$0x3FDB];
	_ =	sdelay $0x1  }
0x99: {  	s4 =	simm.s32 $_scs_section_size  }
0x9a: {  	s5 =	simm.s32 $_size__tile_overlayer_lowered;
	s6 =	simm.s32 $_tile_overlayer_lowered  }
0x9b: {  	s22 =	simm.s32 $0x1BFF;
	s21 =	sshll.u32 s6, $0x1;
	s3 =	sadd.s32 s4, s19  }
0x9c: {  	s7 =	simm.s32 $0x0;
	s20 =	sshll.u32 s5, $0x1;
	s5 =	sadd.s32 s21, s3  }
0x9d: {  	[timem:s7], [sflag:s22] =	dma.local [hbm:s5], s20  }
0x9e: {  	_ =	swait.ge [sflag:s22], s20  }
0x9f: {  	s4 =	ssub.s32 $0x0, s20;
	[sflag:s22] =	ssyncset.done $0x0  }
0xa0: {  	[sflag:s22] =	ssyncadd.s32 s4;
	_ =	sdelay $0x1  }
0xa1: {  	s23 =	simm.s32 $0x1B8B  }
0xa2: {  	_ =	swait.ge [sflag:s23], $0x1  }
0xa3: {  	[sflag:s23] =	ssyncset.done $0x0  }
0xa4: {  	s25 =	simm.s32 $0x1B8E;
	s24 =	sld [smem:$0x3FFE];
	[sflag:s23] =	ssyncadd.s32 $0xFFFFFFFF  }
0xa5: {  	s26 =	simm.s32 $execute0_lowered;
	[smem:$0x3FD2] =	sst s25  }
0xa6: {  	s5 =	sshll.u32 s26, $0x1;
	_ =	strace $0x80000049;
	[dreg:$0x1] =	wrdreg $0xFFFFFFFF  }
0xa7: {  	s28 =	simm.s32 $_size_execute0_lowered;
	s3 =	sadd.s32 s3, s5;
	[dreg:$0x0] =	wrdreg $0x0  }
0xa8: {  	s5 =	sshll.u32 s28, $0x1;
	[dreg:$0x2] =	wrdreg s3  }
0xa9: {  	[dreg:$0x3] =	wrdreg s5  }
0xaa: {  	[dreg:$0x4] =	wrdreg $0xC0  }
0xab: {  	_ =	task [dreg:s7], $0x5FFFF  }
0xac: {  	[dreg:$0x1] =	wrdreg $0xFFFFFFFF  }
0xad: {  	[dreg:$0x0] =	wrdreg $0x60  }
0xae: {  	[dreg:$0x2] =	wrdreg s24  }
0xaf: {  	[dreg:$0x3] =	wrdreg s2  }
0xb0: {  	[dreg:$0x4] =	wrdreg $0xA8000  }
0xb1: {  	[dreg:$0x5] =	wrdreg $0x9  }
0xb2: {  	_ =	task.clear_ibuf [dreg:s7], $0x6FFFF;
	_ =	strace $0x90000049  }
0xb3: {  	s29 =	simm.s32 $0x9;
	_ =	strace $0x8000004B  }
0xb4: {  	_ =	swait.ge [sflag:s29], $0x1  }
0xb5: {  	[sflag:s29] =	ssyncadd.s32 $0xFFFFFFFF  }
0xb6: {  	_ =	strace $0x9000004B  }
0xb7: {  	_ =	sfence  }
0xb8: {  	s30 =	sld [smem:$0x0];
	_ =	sdelay $0x2  }
0xb9: {  	s31 =	sshll.u32 s1, $0xD;
	s1 =	sshrl.u32 s1, $0x2  }
0xba: {  	s3 =	sand.u32 $0x4000, s31;
	s1 =	sadd.s32 s1, s30  }
0xbb: {  	s0 =	sor.u32 s3, s0;
	s1 =	sshll.u32 s1, $0x11  }
0xbc: {  	s0 =	sor.u32 s1, s0  }
0xbd: {  	s0 =	sadd.s32 $0x8F2B, s0  }
0xbe: {  	[sflag:s0] =	ssyncadd.remote.s32 $0x1  }
0xbf: {  	_ =	sfence.sel $0xFFFF  }
0xc0: {  	[dreg:$0x0] =	wrdreg $0xFFFFFFFF;
	(pc) =	sbr.abs _section_cstart, $3  }
0xc1: {  	[dreg:$0x1] =	wrdreg $0xFFFFFFFF  }
0xc2: {  	_ =	task.clear_ibuf [dreg:s7], $0x2FFFF;
	_ =	strace $0x9FFFFFFF  }
0xc3: {  	(tm) =	ssettm $0x7FFFFFFF  }
tec
execute0_lowered:
.L_overlay_start_1:
0x0: {  	(tag) =	ssettag $0x1  }
0x1: {  	s6 =	rddreg [dreg:$0x0]  }
0x2: {  	s11 =	rddreg [dreg:$0x1]  }
0x3: {  	s1 =	rddreg [dreg:$0x2];
	s2 =	srdreg.scid;
	s3 =	simm.s32 $0x0  }
0x4: {  	s16 =	simm.s32 $0x1400;
	s17 =	simm.s32 $0x80;
	s18 =	simm.s32 $0x2800  }
0x5: {  	s19 =	simm.s32 $0x3;
	s20 =	simm.s32 $0x6800;
	s21 =	simm.s32 $0x1  }
0x6: {  	s22 =	simm.s32 $0x2;
	s23 =	simm.s32 $0x1380;
	s24 =	simm.s32 $0x2700  }
0x7: {  	s7 =	sand.u32 $0x1, s2;
	s2 =	stileid.u32;
	[smem:$0x7FF] =	sst s3  }
0x8: {  	s4 =	sadd.s32 $0x5F200, s6;
	s10 =	sadd.s32 $0x3200, s6;
	s5 =	smul.u32 $0x13C000, s7  }
0x9: {  	s8 =	smul.u32 $0x13C00, s2;
	_ =	strace $0x8000004A;
	s9 =	sshll.u32 s2, $0x1  }
0xa: {  	s12 =	ssub.s32 $0x2, s7;
	s25 =	smul.u32 $0x4F000, s2;
	s7 =	sor.u32 s7, s9  }
0xb: {  	s26 =	sshrl.u32 s12, $0x1;
	s8 =	sadd.s32 s8, s5;
	s5 =	sadd.s32 $0xDA00, s6  }
0xc: {  	s28 =	smul.u32 $0x2800, s7;
	s14 =	ssub.s32 s12, s26;
	s29 =	sshrl.u32 s25, $0x2  }
0xd: {  	s30 =	smul.u32 $0x500, s7;
	s25 =	simm.s32 $0x2780;
	s8 =	sshrl.u32 s8, $0x3  }
0xe: {  	s26 =	simm.s32 $0x0;
	s15 =	sadd.s32 s29, s1;
	s13 =	sadd.s32 s8, s6  }
0xf: {  	s6 =	sshll.u32 s2, $0x6;
	s31 =	sshrl.u32 s28, $0x3;
	s8 =	sadd.s32 s10, s30  }
0x10: {  	s9 =	sadd.s32 s11, s30;
	s7 =	sor.u32 $0x1C03, s6;
	s12 =	sadd.s32 $0x280, s31  }
0x11: {  	s10 =	sadd.s32 s10, s12;
	s11 =	sadd.s32 s11, s12;
	s12 =	sadd.s32 $0x86400, s13  }
0x12: {  	s13 =	smax.u32 s14, $0x1;
	s14 =	sshrl.u32 s15, $0x3;
	s15 =	simm.s32 $0x4  }
.LBB2_1:
0x13: {  	[spmem:s14], [sflag:s7] =	dma.local [hbm:s5], $0x2780  }
0x14: {  	[tilespmem:s3], [sflag:$0x4] =	stream.linear.gather [hbm4b:s8+s3], $0x1400, $0x38;
	[tilespmem:$0x1E400] =	vst v63  }
0x15: {  	_ =	swait.ge [sflag:s15], $0x1400  }
0x16: {  	[sflag:s15] =	ssyncset.done $0x0  }
0x17: {  	[sflag:s15] =	ssyncadd.s32 $0xFFFFEC00  }
0x18: {  	[tilespmem:s16], [sflag:$0x4] =	stream.linear.gather [hbm4b:s9+s3], $0x1400, $0x38;
	[tilespmem:$0x1E400] =	vst v63  }
0x19: {  	_ =	swait.ge [sflag:s15], $0x1400  }
0x1a: {  	[sflag:s15] =	ssyncset.done $0x0  }
0x1b: {  	[sflag:s15] =	ssyncadd.s32 $0xFFFFEC00  }
0x1c: {  	[tilespmem:s18], [sflag:$0x1] =	stream.indirect.gather [hbm4b:s4+s17], $0x80, s3, s17, $0xb8;
	[tilespmem:$0x1E400] =	vst v63  }
0x1d: {  	_ =	swait.ge [sflag:s19], $0x2780  }
0x1e: {  	[sflag:s19] =	ssyncset.done $0x0  }
0x1f: {  	[sflag:s19] =	ssyncadd.s32 $0xFFFFD880  }
0x20: {  	s28 =	simm.s32 $0x80;
	[bflag:$0x0] =	sbarrier.arrive $0xFFFF  }
0x21: {  	[tilespmem:s20], [sflag:$0x2] =	stream.indirect.gather [hbm4b:s4+s17], $0x80, s28, s17, $0xb8;
	[tilespmem:$0x1E400] =	vst v63  }
0x22: {  	_ =	swait.ge [sflag:s21], $0x4000  }
0x23: {  	[sflag:s21] =	ssyncset.done $0x0  }
0x24: {  	s28 =	simm.s32 $0x1400;
	[sflag:s21] =	ssyncadd.s32 $0xFFFFC000  }
0x25: {  	[spmem:s1] =	stream.indirect.scatter.add.f32 [tilespmem:s18], [sflag:$0x4], $0x80, s28, s17, $0xb8;
	[tilespmem:$0x1E400] =	vst v63  }
0x26: {  	_ =	swait.ge [sflag:s15], $0x4000  }
0x27: {  	[sflag:s15] =	ssyncset.done $0x0  }
0x28: {  	s28 =	simm.s32 $0x100;
	[sflag:s15] =	ssyncadd.s32 $0xFFFFC000  }
0x29: {  	[tilespmem:s18], [sflag:$0x1] =	stream.indirect.gather [hbm4b:s4+s17], $0x80, s28, s17, $0xb8;
	[tilespmem:$0x1E400] =	vst v63  }
0x2a: {  	_ =	swait.ge [sflag:s22], $0x4000  }
0x2b: {  	[sflag:s22] =	ssyncset.done $0x0  }
0x2c: {  	s28 =	simm.s32 $0x1480;
	[sflag:s22] =	ssyncadd.s32 $0xFFFFC000  }
0x2d: {  	[spmem:s1] =	stream.indirect.scatter.add.f32 [tilespmem:s20], [sflag:$0x4], $0x80, s28, s17, $0xb8;
	[tilespmem:$0x1E400] =	vst v63  }
0x2e: {  	_ =	swait.ge [sflag:s15], $0x4000  }
0x2f: {  	s29 =	simm.s32 $0x800;
	s28 =	simm.s32 $0x100;
	[sflag:s15] =	ssyncset.done $0x0  }
.LBB2_2:
0x30: {  	s30 =	sadd.s32 $0x80, s28  }
0x31: {  	[sflag:s15] =	ssyncadd.s32 $0xFFFFC000;
	s31 =	smov.u32 s29;
	s0 =	sadd.s32 $0x400, s29  }
0x32: {  	[tilespmem:s20], [sflag:$0x2] =	stream.indirect.gather [hbm4b:s4+s17], $0x80, s30, s17, $0xb8;
	[tilespmem:$0x1E400] =	vst v63  }
0x33: {  	p0 =	sne.s32 s29, $0x4800;
	_ =	swait.ge [sflag:s21], $0x4000  }
0x34: {  	[sflag:s21] =	ssyncset.done $0x0  }
0x35: {  	s29 =	sadd.s32 $0x1400, s28;
	[sflag:s21] =	ssyncadd.s32 $0xFFFFC000  }
0x36: {  	[spmem:s1] =	stream.indirect.scatter.add.f32 [tilespmem:s18], [sflag:$0x4], $0x80, s29, s17, $0xb8;
	[tilespmem:$0x1E400] =	vst v63  }
0x37: {  	_ =	swait.ge [sflag:s15], $0x4000  }
0x38: {  	[sflag:s15] =	ssyncset.done $0x0  }
0x39: {  	s29 =	sadd.s32 $0x100, s28;
	[sflag:s15] =	ssyncadd.s32 $0xFFFFC000  }
0x3a: {  	[tilespmem:s18], [sflag:$0x1] =	stream.indirect.gather [hbm4b:s4+s17], $0x80, s29, s17, $0xb8;
	[tilespmem:$0x1E400] =	vst v63  }
0x3b: {  	_ =	swait.ge [sflag:s22], $0x4000  }
.Ltmp0:
0x3c: {  	[sflag:s22] =	ssyncset.done $0x0;
	(pc) =	sbr.rel @p0 .LBB2_2-.Ltmp0, $4  }
0x3d: {  	s28 =	sadd.s32 $0x1480, s28;
	[sflag:s22] =	ssyncadd.s32 $0xFFFFC000  }
0x3e: {  	[spmem:s1] =	stream.indirect.scatter.add.f32 [tilespmem:s20], [sflag:$0x4], $0x80, s28, s17, $0xb8;
	[tilespmem:$0x1E400] =	vst v63  }
0x3f: {  	_ =	swait.ge [sflag:s15], $0x4000  }
0x40: {  	s29 =	smov.u32 s0;
	s28 =	sshra.s32 s31, $0x2;
	[sflag:s15] =	ssyncset.done $0x0  }
0x41: {  	s0 =	sadd.s32 $0x80, s28;
	[sflag:s15] =	ssyncadd.s32 $0xFFFFC000  }
0x42: {  	[tilespmem:s20], [sflag:$0x2] =	stream.indirect.gather [hbm4b:s4+s17], $0x80, s0, s17, $0xb8;
	[tilespmem:$0x1E400] =	vst v63  }
0x43: {  	_ =	swait.ge [sflag:s21], $0x4000  }
0x44: {  	[sflag:s21] =	ssyncset.done $0x0  }
0x45: {  	s30 =	sadd.s32 $0x1400, s28;
	[sflag:s21] =	ssyncadd.s32 $0xFFFFC000  }
0x46: {  	[spmem:s1] =	stream.indirect.scatter.add.f32 [tilespmem:s18], [sflag:$0x4], $0x80, s30, s17, $0xb8;
	[tilespmem:$0x1E400] =	vst v63  }
0x47: {  	_ =	swait.ge [sflag:s15], $0x4000  }
0x48: {  	[sflag:s15] =	ssyncset.done $0x0  }
0x49: {  	s31 =	sadd.s32 $0x100, s28;
	[sflag:s15] =	ssyncadd.s32 $0xFFFFC000  }
0x4a: {  	[tilespmem:s18], [sflag:$0x1] =	stream.indirect.gather [hbm4b:s4+s17], $0x80, s31, s17, $0xb8;
	[tilespmem:$0x1E400] =	vst v63  }
0x4b: {  	_ =	swait.ge [sflag:s22], $0x4000  }
0x4c: {  	[sflag:s22] =	ssyncset.done $0x0  }
0x4d: {  	s30 =	sadd.s32 $0x1480, s28;
	[sflag:s22] =	ssyncadd.s32 $0xFFFFC000  }
0x4e: {  	[spmem:s1] =	stream.indirect.scatter.add.f32 [tilespmem:s20], [sflag:$0x4], $0x80, s30, s17, $0xb8;
	[tilespmem:$0x1E400] =	vst v63  }
0x4f: {  	_ =	swait.ge [sflag:s15], $0x4000  }
0x50: {  	[sflag:s15] =	ssyncset.done $0x0  }
0x51: {  	[sflag:s15] =	ssyncadd.s32 $0xFFFFC000  }
0x52: {  	[tilespmem:s20], [sflag:$0x2] =	stream.indirect.gather [hbm4b:s4+s17], $0x80, s23, s17, $0xb8;
	[tilespmem:$0x1E400] =	vst v63  }
0x53: {  	_ =	swait.ge [sflag:s21], $0x4000  }
0x54: {  	[sflag:s21] =	ssyncset.done $0x0  }
0x55: {  	[sflag:s21] =	ssyncadd.s32 $0xFFFFC000  }
0x56: {  	[spmem:s1] =	stream.indirect.scatter.add.f32 [tilespmem:s18], [sflag:$0x4], $0x80, s24, s17, $0xb8;
	[tilespmem:$0x1E400] =	vst v63  }
0x57: {  	_ =	swait.ge [sflag:s15], $0x4000  }
0x58: {  	[sflag:s15] =	ssyncset.done $0x0  }
0x59: {  	[sflag:s15] =	ssyncadd.s32 $0xFFFFC000  }
0x5a: {  	[tilespmem:s18], [sflag:$0x1] =	stream.indirect.gather [hbm4b:s4+s17], $0x80, s23, s17, $0xb8;
	[tilespmem:$0x1E400] =	vst v63  }
0x5b: {  	_ =	swait.ge [sflag:s22], $0x4000  }
0x5c: {  	[sflag:s22] =	ssyncset.done $0x0  }
0x5d: {  	[sflag:s22] =	ssyncadd.s32 $0xFFFFC000  }
0x5e: {  	[spmem:s1] =	stream.indirect.scatter.add.f32 [tilespmem:s20], [sflag:$0x4], $0x80, s25, s17, $0xb8;
	[tilespmem:$0x1E400] =	vst v63  }
0x5f: {  	_ =	swait.ge [sflag:s15], $0x4000  }
0x60: {  	[sflag:s15] =	ssyncset.done $0x0  }
0x61: {  	[sflag:s15] =	ssyncadd.s32 $0xFFFFC000  }
0x62: {  	_ =	swait.ge [sflag:s21], $0x4000  }
0x63: {  	[sflag:s21] =	ssyncset.done $0x0  }
0x64: {  	s31 =	simm.s32 $0x0;
	[sflag:s21] =	ssyncadd.s32 $0xFFFFC000  }
0x65: {  	[tilespmem:s31], [sflag:$0x4] =	stream.linear.gather [hbm4b:s10+s31], $0x1400, $0x38;
	[tilespmem:$0x1E400] =	vst v63  }
0x66: {  	_ =	swait.ge [sflag:s15], $0x1400  }
0x67: {  	[sflag:s15] =	ssyncset.done $0x0  }
0x68: {  	[sflag:s15] =	ssyncadd.s32 $0xFFFFEC00  }
0x69: {  	[tilespmem:s16], [sflag:$0x4] =	stream.linear.gather [hbm4b:s11+s31], $0x1400, $0x38;
	[tilespmem:$0x1E400] =	vst v63  }
0x6a: {  	_ =	swait.ge [sflag:s15], $0x1400  }
0x6b: {  	[sflag:s15] =	ssyncset.done $0x0  }
0x6c: {  	[sflag:s15] =	ssyncadd.s32 $0xFFFFEC00  }
0x6d: {  	[tilespmem:s18], [sflag:$0x1] =	stream.indirect.gather [hbm4b:s4+s17], $0x80, s31, s17, $0xb8;
	[tilespmem:$0x1E400] =	vst v63  }
0x6e: {  	s30 =	simm.s32 $0x80  }
0x6f: {  	[tilespmem:s20], [sflag:$0x2] =	stream.indirect.gather [hbm4b:s4+s17], $0x80, s30, s17, $0xb8;
	[tilespmem:$0x1E400] =	vst v63  }
0x70: {  	_ =	swait.ge [sflag:s21], $0x4000  }
0x71: {  	[sflag:s21] =	ssyncset.done $0x0  }
0x72: {  	s31 =	simm.s32 $0x1400;
	[sflag:s21] =	ssyncadd.s32 $0xFFFFC000  }
0x73: {  	[spmem:s1] =	stream.indirect.scatter.add.f32 [tilespmem:s18], [sflag:$0x4], $0x80, s31, s17, $0xb8;
	[tilespmem:$0x1E400] =	vst v63  }
0x74: {  	_ =	swait.ge [sflag:s15], $0x4000  }
0x75: {  	[sflag:s15] =	ssyncset.done $0x0  }
0x76: {  	s30 =	simm.s32 $0x100;
	[sflag:s15] =	ssyncadd.s32 $0xFFFFC000  }
0x77: {  	[tilespmem:s18], [sflag:$0x1] =	stream.indirect.gather [hbm4b:s4+s17], $0x80, s30, s17, $0xb8;
	[tilespmem:$0x1E400] =	vst v63  }
0x78: {  	_ =	swait.ge [sflag:s22], $0x4000  }
0x79: {  	[sflag:s22] =	ssyncset.done $0x0  }
0x7a: {  	s31 =	simm.s32 $0x1480;
	[sflag:s22] =	ssyncadd.s32 $0xFFFFC000  }
0x7b: {  	[spmem:s1] =	stream.indirect.scatter.add.f32 [tilespmem:s20], [sflag:$0x4], $0x80, s31, s17, $0xb8;
	[tilespmem:$0x1E400] =	vst v63  }
0x7c: {  	_ =	swait.ge [sflag:s15], $0x4000  }
0x7d: {  	s29 =	simm.s32 $0x800;
	s28 =	simm.s32 $0x100;
	[sflag:s15] =	ssyncset.done $0x0  }
.LBB2_4:
0x7e: {  	s0 =	sadd.s32 $0x80, s28  }
0x7f: {  	[sflag:s15] =	ssyncadd.s32 $0xFFFFC000;
	s30 =	smov.u32 s29;
	s31 =	sadd.s32 $0x400, s29  }
0x80: {  	[tilespmem:s20], [sflag:$0x2] =	stream.indirect.gather [hbm4b:s4+s17], $0x80, s0, s17, $0xb8;
	[tilespmem:$0x1E400] =	vst v63  }
0x81: {  	p0 =	sne.s32 s29, $0x4800;
	_ =	swait.ge [sflag:s21], $0x4000  }
0x82: {  	[sflag:s21] =	ssyncset.done $0x0  }
0x83: {  	s0 =	sadd.s32 $0x1400, s28;
	[sflag:s21] =	ssyncadd.s32 $0xFFFFC000  }
0x84: {  	[spmem:s1] =	stream.indirect.scatter.add.f32 [tilespmem:s18], [sflag:$0x4], $0x80, s0, s17, $0xb8;
	[tilespmem:$0x1E400] =	vst v63  }
0x85: {  	_ =	swait.ge [sflag:s15], $0x4000  }
0x86: {  	[sflag:s15] =	ssyncset.done $0x0  }
0x87: {  	s0 =	sadd.s32 $0x100, s28;
	[sflag:s15] =	ssyncadd.s32 $0xFFFFC000  }
0x88: {  	[tilespmem:s18], [sflag:$0x1] =	stream.indirect.gather [hbm4b:s4+s17], $0x80, s0, s17, $0xb8;
	[tilespmem:$0x1E400] =	vst v63  }
0x89: {  	_ =	swait.ge [sflag:s22], $0x4000  }
.Ltmp1:
0x8a: {  	[sflag:s22] =	ssyncset.done $0x0;
	(pc) =	sbr.rel @p0 .LBB2_4-.Ltmp1, $4  }
0x8b: {  	s0 =	sadd.s32 $0x1480, s28;
	[sflag:s22] =	ssyncadd.s32 $0xFFFFC000  }
0x8c: {  	[spmem:s1] =	stream.indirect.scatter.add.f32 [tilespmem:s20], [sflag:$0x4], $0x80, s0, s17, $0xb8;
	[tilespmem:$0x1E400] =	vst v63  }
0x8d: {  	_ =	swait.ge [sflag:s15], $0x4000  }
0x8e: {  	s29 =	smov.u32 s31;
	s28 =	sshra.s32 s30, $0x2;
	[sflag:s15] =	ssyncset.done $0x0  }
0x8f: {  	s0 =	sadd.s32 $0x80, s28;
	[sflag:s15] =	ssyncadd.s32 $0xFFFFC000  }
0x90: {  	[tilespmem:s20], [sflag:$0x2] =	stream.indirect.gather [hbm4b:s4+s17], $0x80, s0, s17, $0xb8;
	[tilespmem:$0x1E400] =	vst v63  }
0x91: {  	_ =	swait.ge [sflag:s21], $0x4000  }
0x92: {  	[sflag:s21] =	ssyncset.done $0x0  }
0x93: {  	s31 =	sadd.s32 $0x1400, s28;
	[sflag:s21] =	ssyncadd.s32 $0xFFFFC000  }
0x94: {  	[spmem:s1] =	stream.indirect.scatter.add.f32 [tilespmem:s18], [sflag:$0x4], $0x80, s31, s17, $0xb8;
	[tilespmem:$0x1E400] =	vst v63  }
0x95: {  	_ =	swait.ge [sflag:s15], $0x4000  }
0x96: {  	[sflag:s15] =	ssyncset.done $0x0  }
0x97: {  	s29 =	sadd.s32 $0x100, s28;
	[sflag:s15] =	ssyncadd.s32 $0xFFFFC000  }
0x98: {  	[tilespmem:s18], [sflag:$0x1] =	stream.indirect.gather [hbm4b:s4+s17], $0x80, s29, s17, $0xb8;
	[tilespmem:$0x1E400] =	vst v63  }
0x99: {  	_ =	swait.ge [sflag:s22], $0x4000  }
0x9a: {  	[sflag:s22] =	ssyncset.done $0x0  }
0x9b: {  	s30 =	sadd.s32 $0x1480, s28;
	[sflag:s22] =	ssyncadd.s32 $0xFFFFC000  }
0x9c: {  	[spmem:s1] =	stream.indirect.scatter.add.f32 [tilespmem:s20], [sflag:$0x4], $0x80, s30, s17, $0xb8;
	[tilespmem:$0x1E400] =	vst v63  }
0x9d: {  	_ =	swait.ge [sflag:s15], $0x4000  }
0x9e: {  	[sflag:s15] =	ssyncset.done $0x0  }
0x9f: {  	[sflag:s15] =	ssyncadd.s32 $0xFFFFC000  }
0xa0: {  	[tilespmem:s20], [sflag:$0x2] =	stream.indirect.gather [hbm4b:s4+s17], $0x80, s23, s17, $0xb8;
	[tilespmem:$0x1E400] =	vst v63  }
0xa1: {  	_ =	swait.ge [sflag:s21], $0x4000  }
0xa2: {  	[sflag:s21] =	ssyncset.done $0x0  }
0xa3: {  	[sflag:s21] =	ssyncadd.s32 $0xFFFFC000  }
0xa4: {  	[spmem:s1] =	stream.indirect.scatter.add.f32 [tilespmem:s18], [sflag:$0x4], $0x80, s24, s17, $0xb8;
	[tilespmem:$0x1E400] =	vst v63  }
0xa5: {  	_ =	swait.ge [sflag:s15], $0x4000  }
0xa6: {  	[sflag:s15] =	ssyncset.done $0x0  }
0xa7: {  	[sflag:s15] =	ssyncadd.s32 $0xFFFFC000  }
0xa8: {  	[tilespmem:s18], [sflag:$0x1] =	stream.indirect.gather [hbm4b:s4+s17], $0x80, s23, s17, $0xb8;
	[tilespmem:$0x1E400] =	vst v63  }
0xa9: {  	_ =	swait.ge [sflag:s22], $0x4000  }
0xaa: {  	[sflag:s22] =	ssyncset.done $0x0  }
0xab: {  	[sflag:s22] =	ssyncadd.s32 $0xFFFFC000  }
0xac: {  	[spmem:s1] =	stream.indirect.scatter.add.f32 [tilespmem:s20], [sflag:$0x4], $0x80, s25, s17, $0xb8;
	[tilespmem:$0x1E400] =	vst v63  }
0xad: {  	_ =	swait.ge [sflag:s15], $0x4000  }
0xae: {  	[sflag:s15] =	ssyncset.done $0x0  }
0xaf: {  	[sflag:s15] =	ssyncadd.s32 $0xFFFFC000  }
0xb0: {  	_ =	swait.ge [sflag:s21], $0x4000  }
0xb1: {  	s26 =	sadd.s32 $0x1, s26;
	[sflag:s21] =	ssyncset.done $0x0  }
0xb2: {  	p0 =	sne.s32 s26, s13;
	[sflag:s21] =	ssyncadd.s32 $0xFFFFC000  }
.Ltmp2:
0xb3: {  	s31 =	sor.u32 $0x1C04, s6;
	[bflag:$0x0] =	sbarrier.arrive $0xFFFF;
	(pc) =	sbr.rel @p0 .LBB2_1-.Ltmp2, $4  }
0xb4: {  	[hbm:s12], [sflag:s31] =	dma.local [spmem:s14], $0x2780  }
0xb5: {  	_ =	swait.ge [sflag:s15], $0x2780  }
0xb6: {  	[sflag:s15] =	ssyncset.done $0x0  }
0xb7: {  	[sflag:s15] =	ssyncadd.s32 $0xFFFFD880  }
0xb8: {  	_ =	sfence.sel $0x180000  }
0xb9: {  	[bflag:$0x0] =	sbarrier.arrive $0xFFFF  }
0xba: {  	_ =	strace $0x9000004A  }
0xbb: {  	[bflag:$0x2] =	sbarrier.arrive $0xFFFF  }
0xbc: {  	p0 =	sne.s32 s2, $0x0;
	s0 =	rddreg [dreg:$0x3]  }
0xbd: {  	s0 =	sadd.s32 @!p0 $0x100000, s0  }
0xbe: {  	[sflag:s0] =	ssyncadd.tile.s32 @!p0 $0x1;
	_ =	shalt  }
.Lfunc_end2:
_tile_overlayer_lowered:
.L_overlay_start_2:
0xbf: {  	(tag) =	ssettag $0x2  }
0xc0: {  	s0 =	rddreg [dreg:$0x0];
	s2 =	stileid.u32  }
0xc1: {  	s1 =	rddreg [dreg:$0x1];
	p0 =	sne.s32 s2, $0x0  }
0xc2: {  	s3 =	rddreg [dreg:$0x2];
	[bflag:$0x3] =	sbarrier.arrive $0xFFFF;
	s2 =	simm.s32 @!p0 $0x1C04  }
0xc3: {  	[timem:s3], [sflag:s2] =	dma.local @!p0 [hbm:s0], s1  }
0xc4: {  	s0 =	simm.s32 @!p0 $0x4  }
0xc5: {  	_ =	swait.ge @!p0 [sflag:s0], s1  }
0xc6: {  	s1 =	ssub.s32 @!p0 $0x0, s1;
	[sflag:s0] =	ssyncset.done @!p0 $0x0  }
0xc7: {  	[sflag:s0] =	ssyncadd.s32 @!p0 s1  }
0xc8: {  	[bflag:$0x3] =	sbarrier.arrive $0xFFFF  }
0xc9: {  	_ =	shalt  }

// kernel: kernel.16.cloned.1.call-start
scs
__scs_entry_jumppad:
0x0: {  	(pc) =	sbr.rel $0x88, $3  }
0x1: {  	(tag) =	ssettag $0x0;
	lr =	simm.s32 $0x1  }
0x2: {  	[smem:$0x3F99] =	sst lr;
	_ =	strace $0xD0000000  }
0x3: {  	_ = 	snop  }
0x4: {  	_ = 	snop  }
0x5: {  	_ = 	snop  }
0x6: {  	_ = 	snop  }
0x7: {  	_ = 	snop  }
__scs_overlays_trampoline_lowered:
0x8: {  	[smem:$0x3FA8] =	sst s0  }
0x9: {  	[smem:$0x3FA9] =	sst s1  }
0xa: {  	[smem:$0x3FAA] =	sst s2  }
0xb: {  	[smem:$0x3FAB] =	sst s3  }
0xc: {  	[smem:$0x3FAC] =	sst s4  }
0xd: {  	[smem:$0x3FAD] =	sst s5  }
0xe: {  	[smem:$0x3FAE] =	sst s6  }
0xf: {  	[smem:$0x3FAF] =	sst s7  }
0x10: {  	[smem:$0x3FB0] =	sst s8  }
0x11: {  	[smem:$0x3FB1] =	sst s9;
	s0 =	simm.s32 @!p0 $0x0  }
0x12: {  	s1 =	sld [smem:$0x3F97];
	s0 =	simm.s32 @p0 $0x1  }
0x13: {  	[smem:$0x3FB2] =	sst s0;
	s0 =	simm.s32 @!p1 $0x0  }
0x14: {  	s2 =	sld [smem:$0x3F96];
	s0 =	simm.s32 @p1 $0x1  }
0x15: {  	[smem:$0x3FB3] =	sst s0;
	s0 =	simm.s32 @!p2 $0x0  }
0x16: {  	s3 =	sld [smem:$0x3FDB];
	s0 =	simm.s32 @p2 $0x1  }
0x17: {  	s4 =	simm.s32 $0x1BF5;
	[smem:$0x3FB5] =	sst s0  }
0x18: {  	s0 =	sld [smem:$0x3F98];
	_ =	swait.ge [sflag:s4], $0x0  }
0x19: {  	s7 =	sld [smem:$0x3F99]  }
0x1a: {  	s8 =	sadd.s32 $0xFFFFE003, lr  }
0x1b: {  	s9 =	sadd.s32 $0xFFFFFEF7, lr;
	s5 =	simm.s32 $0xFFFFFFFF;
	p2 =	slt.u32 s8, $0xFFFFF086  }
0x1c: {  	p1 =	slt.u32 s9, $0xF7A;
	s5 =	simm.s32 @!p2 $0x0  }
0x1d: {  	s5 =	simm.s32 @p1 $0x1;
	p0 =	seq.s32 s7, s2  }
0x1e: {  	s7 =	smul.u32 @!p0 $0xF7A, s2;
	p2 =	seq.s32 @!p0 s5, $0x0  }
0x1f: {  	s9 =	smul.u32 $0xF7A, s1;
	s8 =	simm.s32 @!p0 $0x1BF5;
	p2 =	por !p2, p0  }
0x20: {  	[sflag:s8] =	ssyncset.s32 @!p0 $0xFFFFF086;
	s6 =	sadd.s32 @!p0 s3, s7;
	s7 =	simm.s32 @!p0 $0x108  }
0x21: {  	s3 =	sadd.s32 s3, s9;
	s6 =	sadd.s32 @!p0 $0x88, s6;
	s7 =	simm.s32 @p2 $0x1082  }
0x22: {  	[simem:s7], [sflag:s8] =	dma.local @!p0 [hbm:s6], $0xF7A  }
0x23: {  	s9 =	sor.u32 $0xD0000000, s2;
	s6 =	simm.s32 $0x108;
	_ =	swait.ge @!p0 [sflag:s8], $0x0  }
0x24: {  	s3 =	sadd.s32 $0x88, s3;
	s6 =	simm.s32 @!p1 $0x1082;
	[sflag:s4] =	ssyncset.s32 $0xFFFFF086  }
0x25: {  	[simem:s6], [sflag:s4] =	dma.local [hbm:s3], $0xF7A  }
0x26: {  	[smem:$0x3F99] =	sst s1;
	(tag) =	ssettag s2;
	_ =	strace s9  }
0x27: {  	s1 =	sld [smem:$0x3FA9]  }
0x28: {  	s2 =	sld [smem:$0x3FAA]  }
0x29: {  	s4 =	sld [smem:$0x3FAC]  }
0x2a: {  	p0 =	seq.s32 s5, $0x0;
	s5 =	sld [smem:$0x3FAD]  }
0x2b: {  	s6 =	sld [smem:$0x3FAE]  }
0x2c: {  	s7 =	sld [smem:$0x3FAF]  }
0x2d: {  	s3 =	simm.s32 $0x108;
	s8 =	sld [smem:$0x3FB0]  }
0x2e: {  	s3 =	simm.s32 @!p0 $0x1082;
	s9 =	sld [smem:$0x3FB1]  }
0x2f: {  	lr =	sadd.s32 s0, s3;
	s0 =	sld [smem:$0x3FA8]  }
0x30: {  	s3 =	sld [smem:$0x3FAB]  }
0x31: {  	[smem:$0x3FB4] =	sst s10  }
0x32: {  	s10 =	sld [smem:$0x3FB2];
	_ =	sdelay $0x3  }
0x33: {  	p0 =	seq.s32 s10, $0x1;
	s10 =	sld [smem:$0x3FB4];
	_ =	sdelay $0x3  }
0x34: {  	[smem:$0x3FB4] =	sst s10  }
0x35: {  	s10 =	sld [smem:$0x3FB3];
	_ =	sdelay $0x3  }
0x36: {  	p1 =	seq.s32 s10, $0x1;
	s10 =	sld [smem:$0x3FB4];
	_ =	sdelay $0x3  }
0x37: {  	[smem:$0x3FB4] =	sst s10  }
0x38: {  	s10 =	sld [smem:$0x3FB5]  }
0x39: {  	_ = 	snop;
	(pc) =	sbr.ind lr, $3  }
0x3a: {  	_ = 	snop  }
0x3b: {  	_ = 	snop  }
0x3c: {  	p2 =	seq.s32 s10, $0x1;
	s10 =	sld [smem:$0x3FB4]  }
0x3d: {  	_ =	shalt  }
0x3e: {  	_ =	shalt  }
0x3f: {  	_ =	shalt  }
0x40: {  	_ =	shalt  }
0x41: {  	_ =	shalt  }
0x42: {  	_ =	shalt  }
0x43: {  	_ =	shalt  }
0x44: {  	_ =	shalt  }
0x45: {  	_ =	shalt  }
0x46: {  	_ =	shalt  }
0x47: {  	_ =	shalt  }
0x48: {  	_ =	shalt  }
0x49: {  	_ =	shalt  }
0x4a: {  	_ =	shalt  }
0x4b: {  	_ =	shalt  }
0x4c: {  	_ =	shalt  }
0x4d: {  	_ =	shalt  }
0x4e: {  	_ =	shalt  }
0x4f: {  	_ =	shalt  }
0x50: {  	_ =	shalt  }
0x51: {  	_ =	shalt  }
0x52: {  	_ =	shalt  }
0x53: {  	_ =	shalt  }
0x54: {  	_ =	shalt  }
0x55: {  	_ =	shalt  }
0x56: {  	_ =	shalt  }
0x57: {  	_ =	shalt  }
0x58: {  	_ =	shalt  }
0x59: {  	_ =	shalt  }
0x5a: {  	_ =	shalt  }
0x5b: {  	_ =	shalt  }
0x5c: {  	_ =	shalt  }
0x5d: {  	_ =	shalt  }
0x5e: {  	_ =	shalt  }
0x5f: {  	_ =	shalt  }
0x60: {  	_ =	shalt  }
0x61: {  	_ =	shalt  }
0x62: {  	_ =	shalt  }
0x63: {  	_ =	shalt  }
0x64: {  	_ =	shalt  }
0x65: {  	_ =	shalt  }
0x66: {  	_ =	shalt  }
0x67: {  	_ =	shalt  }
0x68: {  	_ =	shalt  }
0x69: {  	_ =	shalt  }
0x6a: {  	_ =	shalt  }
0x6b: {  	_ =	shalt  }
0x6c: {  	_ =	shalt  }
0x6d: {  	_ =	shalt  }
0x6e: {  	_ =	shalt  }
0x6f: {  	_ =	shalt  }
0x70: {  	_ =	shalt  }
0x71: {  	_ =	shalt  }
0x72: {  	_ =	shalt  }
0x73: {  	_ =	shalt  }
0x74: {  	_ =	shalt  }
0x75: {  	_ =	shalt  }
0x76: {  	_ =	shalt  }
0x77: {  	_ =	shalt  }
0x78: {  	_ =	shalt  }
0x79: {  	_ =	shalt  }
0x7a: {  	_ =	shalt  }
0x7b: {  	_ =	shalt  }
0x7c: {  	_ =	shalt  }
0x7d: {  	_ =	shalt  }
0x7e: {  	_ =	shalt  }
0x7f: {  	_ =	shalt  }
0x80: {  	_ =	shalt  }
0x81: {  	_ =	shalt  }
0x82: {  	_ =	shalt  }
0x83: {  	_ =	shalt  }
0x84: {  	_ =	shalt  }
0x85: {  	_ =	shalt  }
0x86: {  	_ =	shalt  }
0x87: {  	_ =	shalt  }
.Lfunc_end0:
.L_simem_size_0:
called_computation.2_lowered:
.L_overlay_start_0:
0x88: {  	s2 =	sld [smem:$0x3FD9]  }
0x89: {  	s3 =	sld [smem:$0x3FFE];
	_ =	sdelay $0x1  }
0x8a: {  	s1 =	srdreg.scid  }
0x8b: {  	s0 =	sand.u32 $0x1, s1  }
0x8c: {  	s17 =	sshll.u32 s0, $0xA;
	s2 =	sadd.s32 s3, s2  }
0x8d: {  	s2 =	sadd.s32 s2, s17  }
0x8e: {  	[smem:$0x3FC0] =	sst s2  }
0x8f: {  	_ = 	snop  }
0x90: {  	s2 =	sld [smem:$0x3FD0];
	(tm) =	ssettm $0x1  }
0x91: {  	s18 =	sld [smem:$0x3FFB];
	_ =	sdelay $0x3  }
0x92: {  	_ =	strace s18  }
0x93: {  	s3 =	sld [smem:$0x3FFC];
	_ =	sdelay $0x3  }
0x94: {  	_ =	strace s3  }
0x95: {  	s3 =	sld [smem:$0x3FFD];
	_ =	sdelay $0x3  }
0x96: {  	_ =	strace s3  }
0x97: {  	_ =	strace $0x8FFFFFFF  }
0x98: {  	s19 =	sld [smem:$0x3FDB];
	_ =	sdelay $0x1  }
0x99: {  	s4 =	simm.s32 $_scs_section_size  }
0x9a: {  	s5 =	simm.s32 $_size__tile_overlayer_lowered;
	s6 =	simm.s32 $_tile_overlayer_lowered  }
0x9b: {  	s22 =	simm.s32 $0x1BFF;
	s21 =	sshll.u32 s6, $0x1;
	s3 =	sadd.s32 s4, s19  }
0x9c: {  	s7 =	simm.s32 $0x0;
	s20 =	sshll.u32 s5, $0x1;
	s5 =	sadd.s32 s21, s3  }
0x9d: {  	[timem:s7], [sflag:s22] =	dma.local [hbm:s5], s20  }
0x9e: {  	_ =	swait.ge [sflag:s22], s20  }
0x9f: {  	s4 =	ssub.s32 $0x0, s20;
	[sflag:s22] =	ssyncset.done $0x0  }
0xa0: {  	[sflag:s22] =	ssyncadd.s32 s4;
	_ =	sdelay $0x1  }
0xa1: {  	s23 =	simm.s32 $0x1B8B  }
0xa2: {  	_ =	swait.ge [sflag:s23], $0x1  }
0xa3: {  	[sflag:s23] =	ssyncset.done $0x0  }
0xa4: {  	s25 =	simm.s32 $0x1B8E;
	s24 =	sld [smem:$0x3FFE];
	[sflag:s23] =	ssyncadd.s32 $0xFFFFFFFF  }
0xa5: {  	s26 =	simm.s32 $execute0_lowered;
	[smem:$0x3FD2] =	sst s25  }
0xa6: {  	s5 =	sshll.u32 s26, $0x1;
	_ =	strace $0x8000004C;
	[dreg:$0x1] =	wrdreg $0xFFFFFFFF  }
0xa7: {  	s28 =	simm.s32 $_size_execute0_lowered;
	s3 =	sadd.s32 s3, s5;
	[dreg:$0x0] =	wrdreg $0x0  }
0xa8: {  	s5 =	sshll.u32 s28, $0x1;
	[dreg:$0x2] =	wrdreg s3  }
0xa9: {  	[dreg:$0x3] =	wrdreg s5  }
0xaa: {  	[dreg:$0x4] =	wrdreg $0xC0  }
0xab: {  	_ =	task [dreg:s7], $0x5FFFF  }
0xac: {  	[dreg:$0x1] =	wrdreg $0xFFFFFFFF  }
0xad: {  	[dreg:$0x0] =	wrdreg $0x60  }
0xae: {  	[dreg:$0x2] =	wrdreg s24  }
0xaf: {  	[dreg:$0x3] =	wrdreg s2  }
0xb0: {  	[dreg:$0x4] =	wrdreg $0xA8000  }
0xb1: {  	[dreg:$0x5] =	wrdreg $0x9  }
0xb2: {  	_ =	task.clear_ibuf [dreg:s7], $0x6FFFF;
	_ =	strace $0x9000004C  }
0xb3: {  	s29 =	simm.s32 $0x9;
	_ =	strace $0x8000004E  }
0xb4: {  	_ =	swait.ge [sflag:s29], $0x1  }
0xb5: {  	[sflag:s29] =	ssyncadd.s32 $0xFFFFFFFF  }
0xb6: {  	_ =	strace $0x9000004E  }
0xb7: {  	_ =	sfence  }
0xb8: {  	s30 =	sld [smem:$0x0];
	_ =	sdelay $0x2  }
0xb9: {  	s31 =	sshll.u32 s1, $0xD;
	s1 =	sshrl.u32 s1, $0x2  }
0xba: {  	s3 =	sand.u32 $0x4000, s31;
	s1 =	sadd.s32 s1, s30  }
0xbb: {  	s0 =	sor.u32 s3, s0;
	s1 =	sshll.u32 s1, $0x11  }
0xbc: {  	s0 =	sor.u32 s1, s0  }
0xbd: {  	s0 =	sadd.s32 $0x8F2B, s0  }
0xbe: {  	[sflag:s0] =	ssyncadd.remote.s32 $0x1  }
0xbf: {  	_ =	sfence.sel $0xFFFF  }
0xc0: {  	[dreg:$0x0] =	wrdreg $0xFFFFFFFF;
	(pc) =	sbr.abs _section_cstart, $3  }
0xc1: {  	[dreg:$0x1] =	wrdreg $0xFFFFFFFF  }
0xc2: {  	_ =	task.clear_ibuf [dreg:s7], $0x2FFFF;
	_ =	strace $0x9FFFFFFF  }
0xc3: {  	(tm) =	ssettm $0x7FFFFFFF  }
tec
execute0_lowered:
.L_overlay_start_1:
0x0: {  	(tag) =	ssettag $0x1  }
0x1: {  	s6 =	rddreg [dreg:$0x0]  }
0x2: {  	s11 =	rddreg [dreg:$0x1]  }
0x3: {  	s1 =	rddreg [dreg:$0x2];
	s2 =	srdreg.scid;
	s3 =	simm.s32 $0x0  }
0x4: {  	s16 =	simm.s32 $0x1400;
	s17 =	simm.s32 $0x80;
	s18 =	simm.s32 $0x2800  }
0x5: {  	s19 =	simm.s32 $0x3;
	s20 =	simm.s32 $0x6800;
	s21 =	simm.s32 $0x1  }
0x6: {  	s22 =	simm.s32 $0x2;
	s23 =	simm.s32 $0x1380;
	s24 =	simm.s32 $0x2700  }
0x7: {  	s7 =	sand.u32 $0x1, s2;
	s2 =	stileid.u32;
	[smem:$0x7FF] =	sst s3  }
0x8: {  	s4 =	sadd.s32 $0x5F200, s6;
	s10 =	sadd.s32 $0x3200, s6;
	s5 =	smul.u32 $0x13C000, s7  }
0x9: {  	s8 =	smul.u32 $0x13C00, s2;
	_ =	strace $0x8000004D;
	s9 =	sshll.u32 s2, $0x1  }
0xa: {  	s12 =	ssub.s32 $0x2, s7;
	s25 =	smul.u32 $0x4F000, s2;
	s7 =	sor.u32 s7, s9  }
0xb: {  	s26 =	sshrl.u32 s12, $0x1;
	s8 =	sadd.s32 s8, s5;
	s5 =	sadd.s32 $0xDA00, s6  }
0xc: {  	s28 =	smul.u32 $0x2800, s7;
	s14 =	ssub.s32 s12, s26;
	s29 =	sshrl.u32 s25, $0x2  }
0xd: {  	s30 =	smul.u32 $0x500, s7;
	s25 =	simm.s32 $0x2780;
	s8 =	sshrl.u32 s8, $0x3  }
0xe: {  	s26 =	simm.s32 $0x0;
	s15 =	sadd.s32 s29, s1;
	s13 =	sadd.s32 s8, s6  }
0xf: {  	s6 =	sshll.u32 s2, $0x6;
	s31 =	sshrl.u32 s28, $0x3;
	s8 =	sadd.s32 s10, s30  }
0x10: {  	s9 =	sadd.s32 s11, s30;
	s7 =	sor.u32 $0x1C03, s6;
	s12 =	sadd.s32 $0x280, s31  }
0x11: {  	s10 =	sadd.s32 s10, s12;
	s11 =	sadd.s32 s11, s12;
	s12 =	sadd.s32 $0x86400, s13  }
0x12: {  	s13 =	smax.u32 s14, $0x1;
	s14 =	sshrl.u32 s15, $0x3;
	s15 =	simm.s32 $0x4  }
.LBB2_1:
0x13: {  	[spmem:s14], [sflag:s7] =	dma.local [hbm:s5], $0x2780  }
0x14: {  	[tilespmem:s3], [sflag:$0x4] =	stream.linear.gather [hbm4b:s8+s3], $0x1400, $0x38;
	[tilespmem:$0x1E400] =	vst v63  }
0x15: {  	_ =	swait.ge [sflag:s15], $0x1400  }
0x16: {  	[sflag:s15] =	ssyncset.done $0x0  }
0x17: {  	[sflag:s15] =	ssyncadd.s32 $0xFFFFEC00  }
0x18: {  	[tilespmem:s16], [sflag:$0x4] =	stream.linear.gather [hbm4b:s9+s3], $0x1400, $0x38;
	[tilespmem:$0x1E400] =	vst v63  }
0x19: {  	_ =	swait.ge [sflag:s15], $0x1400  }
0x1a: {  	[sflag:s15] =	ssyncset.done $0x0  }
0x1b: {  	[sflag:s15] =	ssyncadd.s32 $0xFFFFEC00  }
0x1c: {  	[tilespmem:s18], [sflag:$0x1] =	stream.indirect.gather [hbm4b:s4+s17], $0x80, s3, s17, $0xb8;
	[tilespmem:$0x1E400] =	vst v63  }
0x1d: {  	_ =	swait.ge [sflag:s19], $0x2780  }
0x1e: {  	[sflag:s19] =	ssyncset.done $0x0  }
0x1f: {  	[sflag:s19] =	ssyncadd.s32 $0xFFFFD880  }
0x20: {  	s28 =	simm.s32 $0x80;
	[bflag:$0x0] =	sbarrier.arrive $0xFFFF  }
0x21: {  	[tilespmem:s20], [sflag:$0x2] =	stream.indirect.gather [hbm4b:s4+s17], $0x80, s28, s17, $0xb8;
	[tilespmem:$0x1E400] =	vst v63  }
0x22: {  	_ =	swait.ge [sflag:s21], $0x4000  }
0x23: {  	[sflag:s21] =	ssyncset.done $0x0  }
0x24: {  	s28 =	simm.s32 $0x1400;
	[sflag:s21] =	ssyncadd.s32 $0xFFFFC000  }
0x25: {  	[spmem:s1] =	stream.indirect.scatter.add.f32 [tilespmem:s18], [sflag:$0x4], $0x80, s28, s17, $0xb8;
	[tilespmem:$0x1E400] =	vst v63  }
0x26: {  	_ =	swait.ge [sflag:s15], $0x4000  }
0x27: {  	[sflag:s15] =	ssyncset.done $0x0  }
0x28: {  	s28 =	simm.s32 $0x100;
	[sflag:s15] =	ssyncadd.s32 $0xFFFFC000  }
0x29: {  	[tilespmem:s18], [sflag:$0x1] =	stream.indirect.gather [hbm4b:s4+s17], $0x80, s28, s17, $0xb8;
	[tilespmem:$0x1E400] =	vst v63  }
0x2a: {  	_ =	swait.ge [sflag:s22], $0x4000  }
0x2b: {  	[sflag:s22] =	ssyncset.done $0x0  }
0x2c: {  	s28 =	simm.s32 $0x1480;
	[sflag:s22] =	ssyncadd.s32 $0xFFFFC000  }
0x2d: {  	[spmem:s1] =	stream.indirect.scatter.add.f32 [tilespmem:s20], [sflag:$0x4], $0x80, s28, s17, $0xb8;
	[tilespmem:$0x1E400] =	vst v63  }
0x2e: {  	_ =	swait.ge [sflag:s15], $0x4000  }
0x2f: {  	s29 =	simm.s32 $0x800;
	s28 =	simm.s32 $0x100;
	[sflag:s15] =	ssyncset.done $0x0  }
.LBB2_2:
0x30: {  	s30 =	sadd.s32 $0x80, s28  }
0x31: {  	[sflag:s15] =	ssyncadd.s32 $0xFFFFC000;
	s31 =	smov.u32 s29;
	s0 =	sadd.s32 $0x400, s29  }
0x32: {  	[tilespmem:s20], [sflag:$0x2] =	stream.indirect.gather [hbm4b:s4+s17], $0x80, s30, s17, $0xb8;
	[tilespmem:$0x1E400] =	vst v63  }
0x33: {  	p0 =	sne.s32 s29, $0x4800;
	_ =	swait.ge [sflag:s21], $0x4000  }
0x34: {  	[sflag:s21] =	ssyncset.done $0x0  }
0x35: {  	s29 =	sadd.s32 $0x1400, s28;
	[sflag:s21] =	ssyncadd.s32 $0xFFFFC000  }
0x36: {  	[spmem:s1] =	stream.indirect.scatter.add.f32 [tilespmem:s18], [sflag:$0x4], $0x80, s29, s17, $0xb8;
	[tilespmem:$0x1E400] =	vst v63  }
0x37: {  	_ =	swait.ge [sflag:s15], $0x4000  }
0x38: {  	[sflag:s15] =	ssyncset.done $0x0  }
0x39: {  	s29 =	sadd.s32 $0x100, s28;
	[sflag:s15] =	ssyncadd.s32 $0xFFFFC000  }
0x3a: {  	[tilespmem:s18], [sflag:$0x1] =	stream.indirect.gather [hbm4b:s4+s17], $0x80, s29, s17, $0xb8;
	[tilespmem:$0x1E400] =	vst v63  }
0x3b: {  	_ =	swait.ge [sflag:s22], $0x4000  }
.Ltmp0:
0x3c: {  	[sflag:s22] =	ssyncset.done $0x0;
	(pc) =	sbr.rel @p0 .LBB2_2-.Ltmp0, $4  }
0x3d: {  	s28 =	sadd.s32 $0x1480, s28;
	[sflag:s22] =	ssyncadd.s32 $0xFFFFC000  }
0x3e: {  	[spmem:s1] =	stream.indirect.scatter.add.f32 [tilespmem:s20], [sflag:$0x4], $0x80, s28, s17, $0xb8;
	[tilespmem:$0x1E400] =	vst v63  }
0x3f: {  	_ =	swait.ge [sflag:s15], $0x4000  }
0x40: {  	s29 =	smov.u32 s0;
	s28 =	sshra.s32 s31, $0x2;
	[sflag:s15] =	ssyncset.done $0x0  }
0x41: {  	s0 =	sadd.s32 $0x80, s28;
	[sflag:s15] =	ssyncadd.s32 $0xFFFFC000  }
0x42: {  	[tilespmem:s20], [sflag:$0x2] =	stream.indirect.gather [hbm4b:s4+s17], $0x80, s0, s17, $0xb8;
	[tilespmem:$0x1E400] =	vst v63  }
0x43: {  	_ =	swait.ge [sflag:s21], $0x4000  }
0x44: {  	[sflag:s21] =	ssyncset.done $0x0  }
0x45: {  	s30 =	sadd.s32 $0x1400, s28;
	[sflag:s21] =	ssyncadd.s32 $0xFFFFC000  }
0x46: {  	[spmem:s1] =	stream.indirect.scatter.add.f32 [tilespmem:s18], [sflag:$0x4], $0x80, s30, s17, $0xb8;
	[tilespmem:$0x1E400] =	vst v63  }
0x47: {  	_ =	swait.ge [sflag:s15], $0x4000  }
0x48: {  	[sflag:s15] =	ssyncset.done $0x0  }
0x49: {  	s31 =	sadd.s32 $0x100, s28;
	[sflag:s15] =	ssyncadd.s32 $0xFFFFC000  }
0x4a: {  	[tilespmem:s18], [sflag:$0x1] =	stream.indirect.gather [hbm4b:s4+s17], $0x80, s31, s17, $0xb8;
	[tilespmem:$0x1E400] =	vst v63  }
0x4b: {  	_ =	swait.ge [sflag:s22], $0x4000  }
0x4c: {  	[sflag:s22] =	ssyncset.done $0x0  }
0x4d: {  	s30 =	sadd.s32 $0x1480, s28;
	[sflag:s22] =	ssyncadd.s32 $0xFFFFC000  }
0x4e: {  	[spmem:s1] =	stream.indirect.scatter.add.f32 [tilespmem:s20], [sflag:$0x4], $0x80, s30, s17, $0xb8;
	[tilespmem:$0x1E400] =	vst v63  }
0x4f: {  	_ =	swait.ge [sflag:s15], $0x4000  }
0x50: {  	[sflag:s15] =	ssyncset.done $0x0  }
0x51: {  	[sflag:s15] =	ssyncadd.s32 $0xFFFFC000  }
0x52: {  	[tilespmem:s20], [sflag:$0x2] =	stream.indirect.gather [hbm4b:s4+s17], $0x80, s23, s17, $0xb8;
	[tilespmem:$0x1E400] =	vst v63  }
0x53: {  	_ =	swait.ge [sflag:s21], $0x4000  }
0x54: {  	[sflag:s21] =	ssyncset.done $0x0  }
0x55: {  	[sflag:s21] =	ssyncadd.s32 $0xFFFFC000  }
0x56: {  	[spmem:s1] =	stream.indirect.scatter.add.f32 [tilespmem:s18], [sflag:$0x4], $0x80, s24, s17, $0xb8;
	[tilespmem:$0x1E400] =	vst v63  }
0x57: {  	_ =	swait.ge [sflag:s15], $0x4000  }
0x58: {  	[sflag:s15] =	ssyncset.done $0x0  }
0x59: {  	[sflag:s15] =	ssyncadd.s32 $0xFFFFC000  }
0x5a: {  	[tilespmem:s18], [sflag:$0x1] =	stream.indirect.gather [hbm4b:s4+s17], $0x80, s23, s17, $0xb8;
	[tilespmem:$0x1E400] =	vst v63  }
0x5b: {  	_ =	swait.ge [sflag:s22], $0x4000  }
0x5c: {  	[sflag:s22] =	ssyncset.done $0x0  }
0x5d: {  	[sflag:s22] =	ssyncadd.s32 $0xFFFFC000  }
0x5e: {  	[spmem:s1] =	stream.indirect.scatter.add.f32 [tilespmem:s20], [sflag:$0x4], $0x80, s25, s17, $0xb8;
	[tilespmem:$0x1E400] =	vst v63  }
0x5f: {  	_ =	swait.ge [sflag:s15], $0x4000  }
0x60: {  	[sflag:s15] =	ssyncset.done $0x0  }
0x61: {  	[sflag:s15] =	ssyncadd.s32 $0xFFFFC000  }
0x62: {  	_ =	swait.ge [sflag:s21], $0x4000  }
0x63: {  	[sflag:s21] =	ssyncset.done $0x0  }
0x64: {  	s31 =	simm.s32 $0x0;
	[sflag:s21] =	ssyncadd.s32 $0xFFFFC000  }
0x65: {  	[tilespmem:s31], [sflag:$0x4] =	stream.linear.gather [hbm4b:s10+s31], $0x1400, $0x38;
	[tilespmem:$0x1E400] =	vst v63  }
0x66: {  	_ =	swait.ge [sflag:s15], $0x1400  }
0x67: {  	[sflag:s15] =	ssyncset.done $0x0  }
0x68: {  	[sflag:s15] =	ssyncadd.s32 $0xFFFFEC00  }
0x69: {  	[tilespmem:s16], [sflag:$0x4] =	stream.linear.gather [hbm4b:s11+s31], $0x1400, $0x38;
	[tilespmem:$0x1E400] =	vst v63  }
0x6a: {  	_ =	swait.ge [sflag:s15], $0x1400  }
0x6b: {  	[sflag:s15] =	ssyncset.done $0x0  }
0x6c: {  	[sflag:s15] =	ssyncadd.s32 $0xFFFFEC00  }
0x6d: {  	[tilespmem:s18], [sflag:$0x1] =	stream.indirect.gather [hbm4b:s4+s17], $0x80, s31, s17, $0xb8;
	[tilespmem:$0x1E400] =	vst v63  }
0x6e: {  	s30 =	simm.s32 $0x80  }
0x6f: {  	[tilespmem:s20], [sflag:$0x2] =	stream.indirect.gather [hbm4b:s4+s17], $0x80, s30, s17, $0xb8;
	[tilespmem:$0x1E400] =	vst v63  }
0x70: {  	_ =	swait.ge [sflag:s21], $0x4000  }
0x71: {  	[sflag:s21] =	ssyncset.done $0x0  }
0x72: {  	s31 =	simm.s32 $0x1400;
	[sflag:s21] =	ssyncadd.s32 $0xFFFFC000  }
0x73: {  	[spmem:s1] =	stream.indirect.scatter.add.f32 [tilespmem:s18], [sflag:$0x4], $0x80, s31, s17, $0xb8;
	[tilespmem:$0x1E400] =	vst v63  }
0x74: {  	_ =	swait.ge [sflag:s15], $0x4000  }
0x75: {  	[sflag:s15] =	ssyncset.done $0x0  }
0x76: {  	s30 =	simm.s32 $0x100;
	[sflag:s15] =	ssyncadd.s32 $0xFFFFC000  }
0x77: {  	[tilespmem:s18], [sflag:$0x1] =	stream.indirect.gather [hbm4b:s4+s17], $0x80, s30, s17, $0xb8;
	[tilespmem:$0x1E400] =	vst v63  }
0x78: {  	_ =	swait.ge [sflag:s22], $0x4000  }
0x79: {  	[sflag:s22] =	ssyncset.done $0x0  }
0x7a: {  	s31 =	simm.s32 $0x1480;
	[sflag:s22] =	ssyncadd.s32 $0xFFFFC000  }
0x7b: {  	[spmem:s1] =	stream.indirect.scatter.add.f32 [tilespmem:s20], [sflag:$0x4], $0x80, s31, s17, $0xb8;
	[tilespmem:$0x1E400] =	vst v63  }
0x7c: {  	_ =	swait.ge [sflag:s15], $0x4000  }
0x7d: {  	s29 =	simm.s32 $0x800;
	s28 =	simm.s32 $0x100;
	[sflag:s15] =	ssyncset.done $0x0  }
.LBB2_4:
0x7e: {  	s0 =	sadd.s32 $0x80, s28  }
0x7f: {  	[sflag:s15] =	ssyncadd.s32 $0xFFFFC000;
	s30 =	smov.u32 s29;
	s31 =	sadd.s32 $0x400, s29  }
0x80: {  	[tilespmem:s20], [sflag:$0x2] =	stream.indirect.gather [hbm4b:s4+s17], $0x80, s0, s17, $0xb8;
	[tilespmem:$0x1E400] =	vst v63  }
0x81: {  	p0 =	sne.s32 s29, $0x4800;
	_ =	swait.ge [sflag:s21], $0x4000  }
0x82: {  	[sflag:s21] =	ssyncset.done $0x0  }
0x83: {  	s0 =	sadd.s32 $0x1400, s28;
	[sflag:s21] =	ssyncadd.s32 $0xFFFFC000  }
0x84: {  	[spmem:s1] =	stream.indirect.scatter.add.f32 [tilespmem:s18], [sflag:$0x4], $0x80, s0, s17, $0xb8;
	[tilespmem:$0x1E400] =	vst v63  }
0x85: {  	_ =	swait.ge [sflag:s15], $0x4000  }
0x86: {  	[sflag:s15] =	ssyncset.done $0x0  }
0x87: {  	s0 =	sadd.s32 $0x100, s28;
	[sflag:s15] =	ssyncadd.s32 $0xFFFFC000  }
0x88: {  	[tilespmem:s18], [sflag:$0x1] =	stream.indirect.gather [hbm4b:s4+s17], $0x80, s0, s17, $0xb8;
	[tilespmem:$0x1E400] =	vst v63  }
0x89: {  	_ =	swait.ge [sflag:s22], $0x4000  }
.Ltmp1:
0x8a: {  	[sflag:s22] =	ssyncset.done $0x0;
	(pc) =	sbr.rel @p0 .LBB2_4-.Ltmp1, $4  }
0x8b: {  	s0 =	sadd.s32 $0x1480, s28;
	[sflag:s22] =	ssyncadd.s32 $0xFFFFC000  }
0x8c: {  	[spmem:s1] =	stream.indirect.scatter.add.f32 [tilespmem:s20], [sflag:$0x4], $0x80, s0, s17, $0xb8;
	[tilespmem:$0x1E400] =	vst v63  }
0x8d: {  	_ =	swait.ge [sflag:s15], $0x4000  }
0x8e: {  	s29 =	smov.u32 s31;
	s28 =	sshra.s32 s30, $0x2;
	[sflag:s15] =	ssyncset.done $0x0  }
0x8f: {  	s0 =	sadd.s32 $0x80, s28;
	[sflag:s15] =	ssyncadd.s32 $0xFFFFC000  }
0x90: {  	[tilespmem:s20], [sflag:$0x2] =	stream.indirect.gather [hbm4b:s4+s17], $0x80, s0, s17, $0xb8;
	[tilespmem:$0x1E400] =	vst v63  }
0x91: {  	_ =	swait.ge [sflag:s21], $0x4000  }
0x92: {  	[sflag:s21] =	ssyncset.done $0x0  }
0x93: {  	s31 =	sadd.s32 $0x1400, s28;
	[sflag:s21] =	ssyncadd.s32 $0xFFFFC000  }
0x94: {  	[spmem:s1] =	stream.indirect.scatter.add.f32 [tilespmem:s18], [sflag:$0x4], $0x80, s31, s17, $0xb8;
	[tilespmem:$0x1E400] =	vst v63  }
0x95: {  	_ =	swait.ge [sflag:s15], $0x4000  }
0x96: {  	[sflag:s15] =	ssyncset.done $0x0  }
0x97: {  	s29 =	sadd.s32 $0x100, s28;
	[sflag:s15] =	ssyncadd.s32 $0xFFFFC000  }
0x98: {  	[tilespmem:s18], [sflag:$0x1] =	stream.indirect.gather [hbm4b:s4+s17], $0x80, s29, s17, $0xb8;
	[tilespmem:$0x1E400] =	vst v63  }
0x99: {  	_ =	swait.ge [sflag:s22], $0x4000  }
0x9a: {  	[sflag:s22] =	ssyncset.done $0x0  }
0x9b: {  	s30 =	sadd.s32 $0x1480, s28;
	[sflag:s22] =	ssyncadd.s32 $0xFFFFC000  }
0x9c: {  	[spmem:s1] =	stream.indirect.scatter.add.f32 [tilespmem:s20], [sflag:$0x4], $0x80, s30, s17, $0xb8;
	[tilespmem:$0x1E400] =	vst v63  }
0x9d: {  	_ =	swait.ge [sflag:s15], $0x4000  }
0x9e: {  	[sflag:s15] =	ssyncset.done $0x0  }
0x9f: {  	[sflag:s15] =	ssyncadd.s32 $0xFFFFC000  }
0xa0: {  	[tilespmem:s20], [sflag:$0x2] =	stream.indirect.gather [hbm4b:s4+s17], $0x80, s23, s17, $0xb8;
	[tilespmem:$0x1E400] =	vst v63  }
0xa1: {  	_ =	swait.ge [sflag:s21], $0x4000  }
0xa2: {  	[sflag:s21] =	ssyncset.done $0x0  }
0xa3: {  	[sflag:s21] =	ssyncadd.s32 $0xFFFFC000  }
0xa4: {  	[spmem:s1] =	stream.indirect.scatter.add.f32 [tilespmem:s18], [sflag:$0x4], $0x80, s24, s17, $0xb8;
	[tilespmem:$0x1E400] =	vst v63  }
0xa5: {  	_ =	swait.ge [sflag:s15], $0x4000  }
0xa6: {  	[sflag:s15] =	ssyncset.done $0x0  }
0xa7: {  	[sflag:s15] =	ssyncadd.s32 $0xFFFFC000  }
0xa8: {  	[tilespmem:s18], [sflag:$0x1] =	stream.indirect.gather [hbm4b:s4+s17], $0x80, s23, s17, $0xb8;
	[tilespmem:$0x1E400] =	vst v63  }
0xa9: {  	_ =	swait.ge [sflag:s22], $0x4000  }
0xaa: {  	[sflag:s22] =	ssyncset.done $0x0  }
0xab: {  	[sflag:s22] =	ssyncadd.s32 $0xFFFFC000  }
0xac: {  	[spmem:s1] =	stream.indirect.scatter.add.f32 [tilespmem:s20], [sflag:$0x4], $0x80, s25, s17, $0xb8;
	[tilespmem:$0x1E400] =	vst v63  }
0xad: {  	_ =	swait.ge [sflag:s15], $0x4000  }
0xae: {  	[sflag:s15] =	ssyncset.done $0x0  }
0xaf: {  	[sflag:s15] =	ssyncadd.s32 $0xFFFFC000  }
0xb0: {  	_ =	swait.ge [sflag:s21], $0x4000  }
0xb1: {  	s26 =	sadd.s32 $0x1, s26;
	[sflag:s21] =	ssyncset.done $0x0  }
0xb2: {  	p0 =	sne.s32 s26, s13;
	[sflag:s21] =	ssyncadd.s32 $0xFFFFC000  }
.Ltmp2:
0xb3: {  	s31 =	sor.u32 $0x1C04, s6;
	[bflag:$0x0] =	sbarrier.arrive $0xFFFF;
	(pc) =	sbr.rel @p0 .LBB2_1-.Ltmp2, $4  }
0xb4: {  	[hbm:s12], [sflag:s31] =	dma.local [spmem:s14], $0x2780  }
0xb5: {  	_ =	swait.ge [sflag:s15], $0x2780  }
0xb6: {  	[sflag:s15] =	ssyncset.done $0x0  }
0xb7: {  	[sflag:s15] =	ssyncadd.s32 $0xFFFFD880  }
0xb8: {  	_ =	sfence.sel $0x180000  }
0xb9: {  	[bflag:$0x0] =	sbarrier.arrive $0xFFFF  }
0xba: {  	_ =	strace $0x9000004D  }
0xbb: {  	[bflag:$0x2] =	sbarrier.arrive $0xFFFF  }
0xbc: {  	p0 =	sne.s32 s2, $0x0;
	s0 =	rddreg [dreg:$0x3]  }
0xbd: {  	s0 =	sadd.s32 @!p0 $0x100000, s0  }
0xbe: {  	[sflag:s0] =	ssyncadd.tile.s32 @!p0 $0x1;
	_ =	shalt  }
.Lfunc_end2:
_tile_overlayer_lowered:
.L_overlay_start_2:
0xbf: {  	(tag) =	ssettag $0x2  }
0xc0: {  	s0 =	rddreg [dreg:$0x0];
	s2 =	stileid.u32  }
0xc1: {  	s1 =	rddreg [dreg:$0x1];
	p0 =	sne.s32 s2, $0x0  }
0xc2: {  	s3 =	rddreg [dreg:$0x2];
	[bflag:$0x3] =	sbarrier.arrive $0xFFFF;
	s2 =	simm.s32 @!p0 $0x1C04  }
0xc3: {  	[timem:s3], [sflag:s2] =	dma.local @!p0 [hbm:s0], s1  }
0xc4: {  	s0 =	simm.s32 @!p0 $0x4  }
0xc5: {  	_ =	swait.ge @!p0 [sflag:s0], s1  }
0xc6: {  	s1 =	ssub.s32 @!p0 $0x0, s1;
	[sflag:s0] =	ssyncset.done @!p0 $0x0  }
0xc7: {  	[sflag:s0] =	ssyncadd.s32 @!p0 s1  }
0xc8: {  	[bflag:$0x3] =	sbarrier.arrive $0xFFFF  }
0xc9: {  	_ =	shalt  }

// kernel: kernel.19.cloned.1.call-start
scs
__scs_entry_jumppad:
0x0: {  	(pc) =	sbr.rel $0x88, $3  }
0x1: {  	(tag) =	ssettag $0x0;
	lr =	simm.s32 $0x1  }
0x2: {  	[smem:$0x3F99] =	sst lr;
	_ =	strace $0xD0000000  }
0x3: {  	_ = 	snop  }
0x4: {  	_ = 	snop  }
0x5: {  	_ = 	snop  }
0x6: {  	_ = 	snop  }
0x7: {  	_ = 	snop  }
__scs_overlays_trampoline_lowered:
0x8: {  	[smem:$0x3FA8] =	sst s0  }
0x9: {  	[smem:$0x3FA9] =	sst s1  }
0xa: {  	[smem:$0x3FAA] =	sst s2  }
0xb: {  	[smem:$0x3FAB] =	sst s3  }
0xc: {  	[smem:$0x3FAC] =	sst s4  }
0xd: {  	[smem:$0x3FAD] =	sst s5  }
0xe: {  	[smem:$0x3FAE] =	sst s6  }
0xf: {  	[smem:$0x3FAF] =	sst s7  }
0x10: {  	[smem:$0x3FB0] =	sst s8  }
0x11: {  	[smem:$0x3FB1] =	sst s9;
	s0 =	simm.s32 @!p0 $0x0  }
0x12: {  	s1 =	sld [smem:$0x3F97];
	s0 =	simm.s32 @p0 $0x1  }
0x13: {  	[smem:$0x3FB2] =	sst s0;
	s0 =	simm.s32 @!p1 $0x0  }
0x14: {  	s2 =	sld [smem:$0x3F96];
	s0 =	simm.s32 @p1 $0x1  }
0x15: {  	[smem:$0x3FB3] =	sst s0;
	s0 =	simm.s32 @!p2 $0x0  }
0x16: {  	s3 =	sld [smem:$0x3FDB];
	s0 =	simm.s32 @p2 $0x1  }
0x17: {  	s4 =	simm.s32 $0x1BF5;
	[smem:$0x3FB5] =	sst s0  }
0x18: {  	s0 =	sld [smem:$0x3F98];
	_ =	swait.ge [sflag:s4], $0x0  }
0x19: {  	s7 =	sld [smem:$0x3F99]  }
0x1a: {  	s8 =	sadd.s32 $0xFFFFE003, lr  }
0x1b: {  	s9 =	sadd.s32 $0xFFFFFEF7, lr;
	s5 =	simm.s32 $0xFFFFFFFF;
	p2 =	slt.u32 s8, $0xFFFFF086  }
0x1c: {  	p1 =	slt.u32 s9, $0xF7A;
	s5 =	simm.s32 @!p2 $0x0  }
0x1d: {  	s5 =	simm.s32 @p1 $0x1;
	p0 =	seq.s32 s7, s2  }
0x1e: {  	s7 =	smul.u32 @!p0 $0xF7A, s2;
	p2 =	seq.s32 @!p0 s5, $0x0  }
0x1f: {  	s9 =	smul.u32 $0xF7A, s1;
	s8 =	simm.s32 @!p0 $0x1BF5;
	p2 =	por !p2, p0  }
0x20: {  	[sflag:s8] =	ssyncset.s32 @!p0 $0xFFFFF086;
	s6 =	sadd.s32 @!p0 s3, s7;
	s7 =	simm.s32 @!p0 $0x108  }
0x21: {  	s3 =	sadd.s32 s3, s9;
	s6 =	sadd.s32 @!p0 $0x88, s6;
	s7 =	simm.s32 @p2 $0x1082  }
0x22: {  	[simem:s7], [sflag:s8] =	dma.local @!p0 [hbm:s6], $0xF7A  }
0x23: {  	s9 =	sor.u32 $0xD0000000, s2;
	s6 =	simm.s32 $0x108;
	_ =	swait.ge @!p0 [sflag:s8], $0x0  }
0x24: {  	s3 =	sadd.s32 $0x88, s3;
	s6 =	simm.s32 @!p1 $0x1082;
	[sflag:s4] =	ssyncset.s32 $0xFFFFF086  }
0x25: {  	[simem:s6], [sflag:s4] =	dma.local [hbm:s3], $0xF7A  }
0x26: {  	[smem:$0x3F99] =	sst s1;
	(tag) =	ssettag s2;
	_ =	strace s9  }
0x27: {  	s1 =	sld [smem:$0x3FA9]  }
0x28: {  	s2 =	sld [smem:$0x3FAA]  }
0x29: {  	s4 =	sld [smem:$0x3FAC]  }
0x2a: {  	p0 =	seq.s32 s5, $0x0;
	s5 =	sld [smem:$0x3FAD]  }
0x2b: {  	s6 =	sld [smem:$0x3FAE]  }
0x2c: {  	s7 =	sld [smem:$0x3FAF]  }
0x2d: {  	s3 =	simm.s32 $0x108;
	s8 =	sld [smem:$0x3FB0]  }
0x2e: {  	s3 =	simm.s32 @!p0 $0x1082;
	s9 =	sld [smem:$0x3FB1]  }
0x2f: {  	lr =	sadd.s32 s0, s3;
	s0 =	sld [smem:$0x3FA8]  }
0x30: {  	s3 =	sld [smem:$0x3FAB]  }
0x31: {  	[smem:$0x3FB4] =	sst s10  }
0x32: {  	s10 =	sld [smem:$0x3FB2];
	_ =	sdelay $0x3  }
0x33: {  	p0 =	seq.s32 s10, $0x1;
	s10 =	sld [smem:$0x3FB4];
	_ =	sdelay $0x3  }
0x34: {  	[smem:$0x3FB4] =	sst s10  }
0x35: {  	s10 =	sld [smem:$0x3FB3];
	_ =	sdelay $0x3  }
0x36: {  	p1 =	seq.s32 s10, $0x1;
	s10 =	sld [smem:$0x3FB4];
	_ =	sdelay $0x3  }
0x37: {  	[smem:$0x3FB4] =	sst s10  }
0x38: {  	s10 =	sld [smem:$0x3FB5]  }
0x39: {  	_ = 	snop;
	(pc) =	sbr.ind lr, $3  }
0x3a: {  	_ = 	snop  }
0x3b: {  	_ = 	snop  }
0x3c: {  	p2 =	seq.s32 s10, $0x1;
	s10 =	sld [smem:$0x3FB4]  }
0x3d: {  	_ =	shalt  }
0x3e: {  	_ =	shalt  }
0x3f: {  	_ =	shalt  }
0x40: {  	_ =	shalt  }
0x41: {  	_ =	shalt  }
0x42: {  	_ =	shalt  }
0x43: {  	_ =	shalt  }
0x44: {  	_ =	shalt  }
0x45: {  	_ =	shalt  }
0x46: {  	_ =	shalt  }
0x47: {  	_ =	shalt  }
0x48: {  	_ =	shalt  }
0x49: {  	_ =	shalt  }
0x4a: {  	_ =	shalt  }
0x4b: {  	_ =	shalt  }
0x4c: {  	_ =	shalt  }
0x4d: {  	_ =	shalt  }
0x4e: {  	_ =	shalt  }
0x4f: {  	_ =	shalt  }
0x50: {  	_ =	shalt  }
0x51: {  	_ =	shalt  }
0x52: {  	_ =	shalt  }
0x53: {  	_ =	shalt  }
0x54: {  	_ =	shalt  }
0x55: {  	_ =	shalt  }
0x56: {  	_ =	shalt  }
0x57: {  	_ =	shalt  }
0x58: {  	_ =	shalt  }
0x59: {  	_ =	shalt  }
0x5a: {  	_ =	shalt  }
0x5b: {  	_ =	shalt  }
0x5c: {  	_ =	shalt  }
0x5d: {  	_ =	shalt  }
0x5e: {  	_ =	shalt  }
0x5f: {  	_ =	shalt  }
0x60: {  	_ =	shalt  }
0x61: {  	_ =	shalt  }
0x62: {  	_ =	shalt  }
0x63: {  	_ =	shalt  }
0x64: {  	_ =	shalt  }
0x65: {  	_ =	shalt  }
0x66: {  	_ =	shalt  }
0x67: {  	_ =	shalt  }
0x68: {  	_ =	shalt  }
0x69: {  	_ =	shalt  }
0x6a: {  	_ =	shalt  }
0x6b: {  	_ =	shalt  }
0x6c: {  	_ =	shalt  }
0x6d: {  	_ =	shalt  }
0x6e: {  	_ =	shalt  }
0x6f: {  	_ =	shalt  }
0x70: {  	_ =	shalt  }
0x71: {  	_ =	shalt  }
0x72: {  	_ =	shalt  }
0x73: {  	_ =	shalt  }
0x74: {  	_ =	shalt  }
0x75: {  	_ =	shalt  }
0x76: {  	_ =	shalt  }
0x77: {  	_ =	shalt  }
0x78: {  	_ =	shalt  }
0x79: {  	_ =	shalt  }
0x7a: {  	_ =	shalt  }
0x7b: {  	_ =	shalt  }
0x7c: {  	_ =	shalt  }
0x7d: {  	_ =	shalt  }
0x7e: {  	_ =	shalt  }
0x7f: {  	_ =	shalt  }
0x80: {  	_ =	shalt  }
0x81: {  	_ =	shalt  }
0x82: {  	_ =	shalt  }
0x83: {  	_ =	shalt  }
0x84: {  	_ =	shalt  }
0x85: {  	_ =	shalt  }
0x86: {  	_ =	shalt  }
0x87: {  	_ =	shalt  }
.Lfunc_end0:
.L_simem_size_0:
called_computation.3_lowered:
.L_overlay_start_0:
0x88: {  	s2 =	sld [smem:$0x3FD9]  }
0x89: {  	s3 =	sld [smem:$0x3FFE];
	_ =	sdelay $0x1  }
0x8a: {  	s1 =	srdreg.scid  }
0x8b: {  	s0 =	sand.u32 $0x1, s1  }
0x8c: {  	s17 =	sshll.u32 s0, $0xA;
	s2 =	sadd.s32 s3, s2  }
0x8d: {  	s2 =	sadd.s32 s2, s17  }
0x8e: {  	[smem:$0x3FC0] =	sst s2  }
0x8f: {  	_ = 	snop  }
0x90: {  	s2 =	sld [smem:$0x3FD0];
	(tm) =	ssettm $0x1  }
0x91: {  	s18 =	sld [smem:$0x3FFB];
	_ =	sdelay $0x3  }
0x92: {  	_ =	strace s18  }
0x93: {  	s3 =	sld [smem:$0x3FFC];
	_ =	sdelay $0x3  }
0x94: {  	_ =	strace s3  }
0x95: {  	s3 =	sld [smem:$0x3FFD];
	_ =	sdelay $0x3  }
0x96: {  	_ =	strace s3  }
0x97: {  	_ =	strace $0x8FFFFFFF  }
0x98: {  	s19 =	sld [smem:$0x3FDB];
	_ =	sdelay $0x1  }
0x99: {  	s4 =	simm.s32 $_scs_section_size  }
0x9a: {  	s5 =	simm.s32 $_size__tile_overlayer_lowered;
	s6 =	simm.s32 $_tile_overlayer_lowered  }
0x9b: {  	s22 =	simm.s32 $0x1BFF;
	s21 =	sshll.u32 s6, $0x1;
	s3 =	sadd.s32 s4, s19  }
0x9c: {  	s7 =	simm.s32 $0x0;
	s20 =	sshll.u32 s5, $0x1;
	s5 =	sadd.s32 s21, s3  }
0x9d: {  	[timem:s7], [sflag:s22] =	dma.local [hbm:s5], s20  }
0x9e: {  	_ =	swait.ge [sflag:s22], s20  }
0x9f: {  	s4 =	ssub.s32 $0x0, s20;
	[sflag:s22] =	ssyncset.done $0x0  }
0xa0: {  	[sflag:s22] =	ssyncadd.s32 s4;
	_ =	sdelay $0x1  }
0xa1: {  	s23 =	simm.s32 $0x1B8B  }
0xa2: {  	_ =	swait.ge [sflag:s23], $0x1  }
0xa3: {  	[sflag:s23] =	ssyncset.done $0x0  }
0xa4: {  	s25 =	simm.s32 $0x1B8E;
	s24 =	sld [smem:$0x3FFE];
	[sflag:s23] =	ssyncadd.s32 $0xFFFFFFFF  }
0xa5: {  	s26 =	simm.s32 $execute0_lowered;
	[smem:$0x3FD2] =	sst s25  }
0xa6: {  	s5 =	sshll.u32 s26, $0x1;
	_ =	strace $0x8000004F;
	[dreg:$0x1] =	wrdreg $0xFFFFFFFF  }
0xa7: {  	s28 =	simm.s32 $_size_execute0_lowered;
	s3 =	sadd.s32 s3, s5;
	[dreg:$0x0] =	wrdreg $0x0  }
0xa8: {  	s5 =	sshll.u32 s28, $0x1;
	[dreg:$0x2] =	wrdreg s3  }
0xa9: {  	[dreg:$0x3] =	wrdreg s5  }
0xaa: {  	[dreg:$0x4] =	wrdreg $0xC0  }
0xab: {  	_ =	task [dreg:s7], $0x5FFFF  }
0xac: {  	[dreg:$0x1] =	wrdreg $0xFFFFFFFF  }
0xad: {  	[dreg:$0x0] =	wrdreg $0x60  }
0xae: {  	[dreg:$0x2] =	wrdreg s24  }
0xaf: {  	[dreg:$0x3] =	wrdreg s2  }
0xb0: {  	[dreg:$0x4] =	wrdreg $0xA8000  }
0xb1: {  	[dreg:$0x5] =	wrdreg $0x9  }
0xb2: {  	_ =	task.clear_ibuf [dreg:s7], $0x6FFFF;
	_ =	strace $0x9000004F  }
0xb3: {  	s29 =	simm.s32 $0x9;
	_ =	strace $0x80000051  }
0xb4: {  	_ =	swait.ge [sflag:s29], $0x1  }
0xb5: {  	[sflag:s29] =	ssyncadd.s32 $0xFFFFFFFF  }
0xb6: {  	_ =	strace $0x90000051  }
0xb7: {  	_ =	sfence  }
0xb8: {  	s30 =	sld [smem:$0x0];
	_ =	sdelay $0x2  }
0xb9: {  	s31 =	sshll.u32 s1, $0xD;
	s1 =	sshrl.u32 s1, $0x2  }
0xba: {  	s3 =	sand.u32 $0x4000, s31;
	s1 =	sadd.s32 s1, s30  }
0xbb: {  	s0 =	sor.u32 s3, s0;
	s1 =	sshll.u32 s1, $0x11  }
0xbc: {  	s0 =	sor.u32 s1, s0  }
0xbd: {  	s0 =	sadd.s32 $0x8F2B, s0  }
0xbe: {  	[sflag:s0] =	ssyncadd.remote.s32 $0x1  }
0xbf: {  	_ =	sfence.sel $0xFFFF  }
0xc0: {  	[dreg:$0x0] =	wrdreg $0xFFFFFFFF;
	(pc) =	sbr.abs _section_cstart, $3  }
0xc1: {  	[dreg:$0x1] =	wrdreg $0xFFFFFFFF  }
0xc2: {  	_ =	task.clear_ibuf [dreg:s7], $0x2FFFF;
	_ =	strace $0x9FFFFFFF  }
0xc3: {  	(tm) =	ssettm $0x7FFFFFFF  }
tec
execute0_lowered:
.L_overlay_start_1:
0x0: {  	(tag) =	ssettag $0x1  }
0x1: {  	s6 =	rddreg [dreg:$0x0]  }
0x2: {  	s11 =	rddreg [dreg:$0x1]  }
0x3: {  	s1 =	rddreg [dreg:$0x2];
	s2 =	srdreg.scid;
	s3 =	simm.s32 $0x0  }
0x4: {  	s16 =	simm.s32 $0x1400;
	s17 =	simm.s32 $0x80;
	s18 =	simm.s32 $0x2800  }
0x5: {  	s19 =	simm.s32 $0x3;
	s20 =	simm.s32 $0x6800;
	s21 =	simm.s32 $0x1  }
0x6: {  	s22 =	simm.s32 $0x2;
	s23 =	simm.s32 $0x1380;
	s24 =	simm.s32 $0x2700  }
0x7: {  	s7 =	sand.u32 $0x1, s2;
	s2 =	stileid.u32;
	[smem:$0x7FF] =	sst s3  }
0x8: {  	s4 =	sadd.s32 $0x5F200, s6;
	s10 =	sadd.s32 $0x3200, s6;
	s5 =	smul.u32 $0x13C000, s7  }
0x9: {  	s8 =	smul.u32 $0x13C00, s2;
	_ =	strace $0x80000050;
	s9 =	sshll.u32 s2, $0x1  }
0xa: {  	s12 =	ssub.s32 $0x2, s7;
	s25 =	smul.u32 $0x4F000, s2;
	s7 =	sor.u32 s7, s9  }
0xb: {  	s26 =	sshrl.u32 s12, $0x1;
	s8 =	sadd.s32 s8, s5;
	s5 =	sadd.s32 $0xDA00, s6  }
0xc: {  	s28 =	smul.u32 $0x2800, s7;
	s14 =	ssub.s32 s12, s26;
	s29 =	sshrl.u32 s25, $0x2  }
0xd: {  	s30 =	smul.u32 $0x500, s7;
	s25 =	simm.s32 $0x2780;
	s8 =	sshrl.u32 s8, $0x3  }
0xe: {  	s26 =	simm.s32 $0x0;
	s15 =	sadd.s32 s29, s1;
	s13 =	sadd.s32 s8, s6  }
0xf: {  	s6 =	sshll.u32 s2, $0x6;
	s31 =	sshrl.u32 s28, $0x3;
	s8 =	sadd.s32 s10, s30  }
0x10: {  	s9 =	sadd.s32 s11, s30;
	s7 =	sor.u32 $0x1C03, s6;
	s12 =	sadd.s32 $0x280, s31  }
0x11: {  	s10 =	sadd.s32 s10, s12;
	s11 =	sadd.s32 s11, s12;
	s12 =	sadd.s32 $0x86400, s13  }
0x12: {  	s13 =	smax.u32 s14, $0x1;
	s14 =	sshrl.u32 s15, $0x3;
	s15 =	simm.s32 $0x4  }
.LBB2_1:
0x13: {  	[spmem:s14], [sflag:s7] =	dma.local [hbm:s5], $0x2780  }
0x14: {  	[tilespmem:s3], [sflag:$0x4] =	stream.linear.gather [hbm4b:s8+s3], $0x1400, $0x38;
	[tilespmem:$0x1E400] =	vst v63  }
0x15: {  	_ =	swait.ge [sflag:s15], $0x1400  }
0x16: {  	[sflag:s15] =	ssyncset.done $0x0  }
0x17: {  	[sflag:s15] =	ssyncadd.s32 $0xFFFFEC00  }
0x18: {  	[tilespmem:s16], [sflag:$0x4] =	stream.linear.gather [hbm4b:s9+s3], $0x1400, $0x38;
	[tilespmem:$0x1E400] =	vst v63  }
0x19: {  	_ =	swait.ge [sflag:s15], $0x1400  }
0x1a: {  	[sflag:s15] =	ssyncset.done $0x0  }
0x1b: {  	[sflag:s15] =	ssyncadd.s32 $0xFFFFEC00  }
0x1c: {  	[tilespmem:s18], [sflag:$0x1] =	stream.indirect.gather [hbm4b:s4+s17], $0x80, s3, s17, $0xb8;
	[tilespmem:$0x1E400] =	vst v63  }
0x1d: {  	_ =	swait.ge [sflag:s19], $0x2780  }
0x1e: {  	[sflag:s19] =	ssyncset.done $0x0  }
0x1f: {  	[sflag:s19] =	ssyncadd.s32 $0xFFFFD880  }
0x20: {  	s28 =	simm.s32 $0x80;
	[bflag:$0x0] =	sbarrier.arrive $0xFFFF  }
0x21: {  	[tilespmem:s20], [sflag:$0x2] =	stream.indirect.gather [hbm4b:s4+s17], $0x80, s28, s17, $0xb8;
	[tilespmem:$0x1E400] =	vst v63  }
0x22: {  	_ =	swait.ge [sflag:s21], $0x4000  }
0x23: {  	[sflag:s21] =	ssyncset.done $0x0  }
0x24: {  	s28 =	simm.s32 $0x1400;
	[sflag:s21] =	ssyncadd.s32 $0xFFFFC000  }
0x25: {  	[spmem:s1] =	stream.indirect.scatter.add.f32 [tilespmem:s18], [sflag:$0x4], $0x80, s28, s17, $0xb8;
	[tilespmem:$0x1E400] =	vst v63  }
0x26: {  	_ =	swait.ge [sflag:s15], $0x4000  }
0x27: {  	[sflag:s15] =	ssyncset.done $0x0  }
0x28: {  	s28 =	simm.s32 $0x100;
	[sflag:s15] =	ssyncadd.s32 $0xFFFFC000  }
0x29: {  	[tilespmem:s18], [sflag:$0x1] =	stream.indirect.gather [hbm4b:s4+s17], $0x80, s28, s17, $0xb8;
	[tilespmem:$0x1E400] =	vst v63  }
0x2a: {  	_ =	swait.ge [sflag:s22], $0x4000  }
0x2b: {  	[sflag:s22] =	ssyncset.done $0x0  }
0x2c: {  	s28 =	simm.s32 $0x1480;
	[sflag:s22] =	ssyncadd.s32 $0xFFFFC000  }
0x2d: {  	[spmem:s1] =	stream.indirect.scatter.add.f32 [tilespmem:s20], [sflag:$0x4], $0x80, s28, s17, $0xb8;
	[tilespmem:$0x1E400] =	vst v63  }
0x2e: {  	_ =	swait.ge [sflag:s15], $0x4000  }
0x2f: {  	s29 =	simm.s32 $0x800;
	s28 =	simm.s32 $0x100;
	[sflag:s15] =	ssyncset.done $0x0  }
.LBB2_2:
0x30: {  	s30 =	sadd.s32 $0x80, s28  }
0x31: {  	[sflag:s15] =	ssyncadd.s32 $0xFFFFC000;
	s31 =	smov.u32 s29;
	s0 =	sadd.s32 $0x400, s29  }
0x32: {  	[tilespmem:s20], [sflag:$0x2] =	stream.indirect.gather [hbm4b:s4+s17], $0x80, s30, s17, $0xb8;
	[tilespmem:$0x1E400] =	vst v63  }
0x33: {  	p0 =	sne.s32 s29, $0x4800;
	_ =	swait.ge [sflag:s21], $0x4000  }
0x34: {  	[sflag:s21] =	ssyncset.done $0x0  }
0x35: {  	s29 =	sadd.s32 $0x1400, s28;
	[sflag:s21] =	ssyncadd.s32 $0xFFFFC000  }
0x36: {  	[spmem:s1] =	stream.indirect.scatter.add.f32 [tilespmem:s18], [sflag:$0x4], $0x80, s29, s17, $0xb8;
	[tilespmem:$0x1E400] =	vst v63  }
0x37: {  	_ =	swait.ge [sflag:s15], $0x4000  }
0x38: {  	[sflag:s15] =	ssyncset.done $0x0  }
0x39: {  	s29 =	sadd.s32 $0x100, s28;
	[sflag:s15] =	ssyncadd.s32 $0xFFFFC000  }
0x3a: {  	[tilespmem:s18], [sflag:$0x1] =	stream.indirect.gather [hbm4b:s4+s17], $0x80, s29, s17, $0xb8;
	[tilespmem:$0x1E400] =	vst v63  }
0x3b: {  	_ =	swait.ge [sflag:s22], $0x4000  }
.Ltmp0:
0x3c: {  	[sflag:s22] =	ssyncset.done $0x0;
	(pc) =	sbr.rel @p0 .LBB2_2-.Ltmp0, $4  }
0x3d: {  	s28 =	sadd.s32 $0x1480, s28;
	[sflag:s22] =	ssyncadd.s32 $0xFFFFC000  }
0x3e: {  	[spmem:s1] =	stream.indirect.scatter.add.f32 [tilespmem:s20], [sflag:$0x4], $0x80, s28, s17, $0xb8;
	[tilespmem:$0x1E400] =	vst v63  }
0x3f: {  	_ =	swait.ge [sflag:s15], $0x4000  }
0x40: {  	s29 =	smov.u32 s0;
	s28 =	sshra.s32 s31, $0x2;
	[sflag:s15] =	ssyncset.done $0x0  }
0x41: {  	s0 =	sadd.s32 $0x80, s28;
	[sflag:s15] =	ssyncadd.s32 $0xFFFFC000  }
0x42: {  	[tilespmem:s20], [sflag:$0x2] =	stream.indirect.gather [hbm4b:s4+s17], $0x80, s0, s17, $0xb8;
	[tilespmem:$0x1E400] =	vst v63  }
0x43: {  	_ =	swait.ge [sflag:s21], $0x4000  }
0x44: {  	[sflag:s21] =	ssyncset.done $0x0  }
0x45: {  	s30 =	sadd.s32 $0x1400, s28;
	[sflag:s21] =	ssyncadd.s32 $0xFFFFC000  }
0x46: {  	[spmem:s1] =	stream.indirect.scatter.add.f32 [tilespmem:s18], [sflag:$0x4], $0x80, s30, s17, $0xb8;
	[tilespmem:$0x1E400] =	vst v63  }
0x47: {  	_ =	swait.ge [sflag:s15], $0x4000  }
0x48: {  	[sflag:s15] =	ssyncset.done $0x0  }
0x49: {  	s31 =	sadd.s32 $0x100, s28;
	[sflag:s15] =	ssyncadd.s32 $0xFFFFC000  }
0x4a: {  	[tilespmem:s18], [sflag:$0x1] =	stream.indirect.gather [hbm4b:s4+s17], $0x80, s31, s17, $0xb8;
	[tilespmem:$0x1E400] =	vst v63  }
0x4b: {  	_ =	swait.ge [sflag:s22], $0x4000  }
0x4c: {  	[sflag:s22] =	ssyncset.done $0x0  }
0x4d: {  	s30 =	sadd.s32 $0x1480, s28;
	[sflag:s22] =	ssyncadd.s32 $0xFFFFC000  }
0x4e: {  	[spmem:s1] =	stream.indirect.scatter.add.f32 [tilespmem:s20], [sflag:$0x4], $0x80, s30, s17, $0xb8;
	[tilespmem:$0x1E400] =	vst v63  }
0x4f: {  	_ =	swait.ge [sflag:s15], $0x4000  }
0x50: {  	[sflag:s15] =	ssyncset.done $0x0  }
0x51: {  	[sflag:s15] =	ssyncadd.s32 $0xFFFFC000  }
0x52: {  	[tilespmem:s20], [sflag:$0x2] =	stream.indirect.gather [hbm4b:s4+s17], $0x80, s23, s17, $0xb8;
	[tilespmem:$0x1E400] =	vst v63  }
0x53: {  	_ =	swait.ge [sflag:s21], $0x4000  }
0x54: {  	[sflag:s21] =	ssyncset.done $0x0  }
0x55: {  	[sflag:s21] =	ssyncadd.s32 $0xFFFFC000  }
0x56: {  	[spmem:s1] =	stream.indirect.scatter.add.f32 [tilespmem:s18], [sflag:$0x4], $0x80, s24, s17, $0xb8;
	[tilespmem:$0x1E400] =	vst v63  }
0x57: {  	_ =	swait.ge [sflag:s15], $0x4000  }
0x58: {  	[sflag:s15] =	ssyncset.done $0x0  }
0x59: {  	[sflag:s15] =	ssyncadd.s32 $0xFFFFC000  }
0x5a: {  	[tilespmem:s18], [sflag:$0x1] =	stream.indirect.gather [hbm4b:s4+s17], $0x80, s23, s17, $0xb8;
	[tilespmem:$0x1E400] =	vst v63  }
0x5b: {  	_ =	swait.ge [sflag:s22], $0x4000  }
0x5c: {  	[sflag:s22] =	ssyncset.done $0x0  }
0x5d: {  	[sflag:s22] =	ssyncadd.s32 $0xFFFFC000  }
0x5e: {  	[spmem:s1] =	stream.indirect.scatter.add.f32 [tilespmem:s20], [sflag:$0x4], $0x80, s25, s17, $0xb8;
	[tilespmem:$0x1E400] =	vst v63  }
0x5f: {  	_ =	swait.ge [sflag:s15], $0x4000  }
0x60: {  	[sflag:s15] =	ssyncset.done $0x0  }
0x61: {  	[sflag:s15] =	ssyncadd.s32 $0xFFFFC000  }
0x62: {  	_ =	swait.ge [sflag:s21], $0x4000  }
0x63: {  	[sflag:s21] =	ssyncset.done $0x0  }
0x64: {  	s31 =	simm.s32 $0x0;
	[sflag:s21] =	ssyncadd.s32 $0xFFFFC000  }
0x65: {  	[tilespmem:s31], [sflag:$0x4] =	stream.linear.gather [hbm4b:s10+s31], $0x1400, $0x38;
	[tilespmem:$0x1E400] =	vst v63  }
0x66: {  	_ =	swait.ge [sflag:s15], $0x1400  }
0x67: {  	[sflag:s15] =	ssyncset.done $0x0  }
0x68: {  	[sflag:s15] =	ssyncadd.s32 $0xFFFFEC00  }
0x69: {  	[tilespmem:s16], [sflag:$0x4] =	stream.linear.gather [hbm4b:s11+s31], $0x1400, $0x38;
	[tilespmem:$0x1E400] =	vst v63  }
0x6a: {  	_ =	swait.ge [sflag:s15], $0x1400  }
0x6b: {  	[sflag:s15] =	ssyncset.done $0x0  }
0x6c: {  	[sflag:s15] =	ssyncadd.s32 $0xFFFFEC00  }
0x6d: {  	[tilespmem:s18], [sflag:$0x1] =	stream.indirect.gather [hbm4b:s4+s17], $0x80, s31, s17, $0xb8;
	[tilespmem:$0x1E400] =	vst v63  }
0x6e: {  	s30 =	simm.s32 $0x80  }
0x6f: {  	[tilespmem:s20], [sflag:$0x2] =	stream.indirect.gather [hbm4b:s4+s17], $0x80, s30, s17, $0xb8;
	[tilespmem:$0x1E400] =	vst v63  }
0x70: {  	_ =	swait.ge [sflag:s21], $0x4000  }
0x71: {  	[sflag:s21] =	ssyncset.done $0x0  }
0x72: {  	s31 =	simm.s32 $0x1400;
	[sflag:s21] =	ssyncadd.s32 $0xFFFFC000  }
0x73: {  	[spmem:s1] =	stream.indirect.scatter.add.f32 [tilespmem:s18], [sflag:$0x4], $0x80, s31, s17, $0xb8;
	[tilespmem:$0x1E400] =	vst v63  }
0x74: {  	_ =	swait.ge [sflag:s15], $0x4000  }
0x75: {  	[sflag:s15] =	ssyncset.done $0x0  }
0x76: {  	s30 =	simm.s32 $0x100;
	[sflag:s15] =	ssyncadd.s32 $0xFFFFC000  }
0x77: {  	[tilespmem:s18], [sflag:$0x1] =	stream.indirect.gather [hbm4b:s4+s17], $0x80, s30, s17, $0xb8;
	[tilespmem:$0x1E400] =	vst v63  }
0x78: {  	_ =	swait.ge [sflag:s22], $0x4000  }
0x79: {  	[sflag:s22] =	ssyncset.done $0x0  }
0x7a: {  	s31 =	simm.s32 $0x1480;
	[sflag:s22] =	ssyncadd.s32 $0xFFFFC000  }
0x7b: {  	[spmem:s1] =	stream.indirect.scatter.add.f32 [tilespmem:s20], [sflag:$0x4], $0x80, s31, s17, $0xb8;
	[tilespmem:$0x1E400] =	vst v63  }
0x7c: {  	_ =	swait.ge [sflag:s15], $0x4000  }
0x7d: {  	s29 =	simm.s32 $0x800;
	s28 =	simm.s32 $0x100;
	[sflag:s15] =	ssyncset.done $0x0  }
.LBB2_4:
0x7e: {  	s0 =	sadd.s32 $0x80, s28  }
0x7f: {  	[sflag:s15] =	ssyncadd.s32 $0xFFFFC000;
	s30 =	smov.u32 s29;
	s31 =	sadd.s32 $0x400, s29  }
0x80: {  	[tilespmem:s20], [sflag:$0x2] =	stream.indirect.gather [hbm4b:s4+s17], $0x80, s0, s17, $0xb8;
	[tilespmem:$0x1E400] =	vst v63  }
0x81: {  	p0 =	sne.s32 s29, $0x4800;
	_ =	swait.ge [sflag:s21], $0x4000  }
0x82: {  	[sflag:s21] =	ssyncset.done $0x0  }
0x83: {  	s0 =	sadd.s32 $0x1400, s28;
	[sflag:s21] =	ssyncadd.s32 $0xFFFFC000  }
0x84: {  	[spmem:s1] =	stream.indirect.scatter.add.f32 [tilespmem:s18], [sflag:$0x4], $0x80, s0, s17, $0xb8;
	[tilespmem:$0x1E400] =	vst v63  }
0x85: {  	_ =	swait.ge [sflag:s15], $0x4000  }
0x86: {  	[sflag:s15] =	ssyncset.done $0x0  }
0x87: {  	s0 =	sadd.s32 $0x100, s28;
	[sflag:s15] =	ssyncadd.s32 $0xFFFFC000  }
0x88: {  	[tilespmem:s18], [sflag:$0x1] =	stream.indirect.gather [hbm4b:s4+s17], $0x80, s0, s17, $0xb8;
	[tilespmem:$0x1E400] =	vst v63  }
0x89: {  	_ =	swait.ge [sflag:s22], $0x4000  }
.Ltmp1:
0x8a: {  	[sflag:s22] =	ssyncset.done $0x0;
	(pc) =	sbr.rel @p0 .LBB2_4-.Ltmp1, $4  }
0x8b: {  	s0 =	sadd.s32 $0x1480, s28;
	[sflag:s22] =	ssyncadd.s32 $0xFFFFC000  }
0x8c: {  	[spmem:s1] =	stream.indirect.scatter.add.f32 [tilespmem:s20], [sflag:$0x4], $0x80, s0, s17, $0xb8;
	[tilespmem:$0x1E400] =	vst v63  }
0x8d: {  	_ =	swait.ge [sflag:s15], $0x4000  }
0x8e: {  	s29 =	smov.u32 s31;
	s28 =	sshra.s32 s30, $0x2;
	[sflag:s15] =	ssyncset.done $0x0  }
0x8f: {  	s0 =	sadd.s32 $0x80, s28;
	[sflag:s15] =	ssyncadd.s32 $0xFFFFC000  }
0x90: {  	[tilespmem:s20], [sflag:$0x2] =	stream.indirect.gather [hbm4b:s4+s17], $0x80, s0, s17, $0xb8;
	[tilespmem:$0x1E400] =	vst v63  }
0x91: {  	_ =	swait.ge [sflag:s21], $0x4000  }
0x92: {  	[sflag:s21] =	ssyncset.done $0x0  }
0x93: {  	s31 =	sadd.s32 $0x1400, s28;
	[sflag:s21] =	ssyncadd.s32 $0xFFFFC000  }
0x94: {  	[spmem:s1] =	stream.indirect.scatter.add.f32 [tilespmem:s18], [sflag:$0x4], $0x80, s31, s17, $0xb8;
	[tilespmem:$0x1E400] =	vst v63  }
0x95: {  	_ =	swait.ge [sflag:s15], $0x4000  }
0x96: {  	[sflag:s15] =	ssyncset.done $0x0  }
0x97: {  	s29 =	sadd.s32 $0x100, s28;
	[sflag:s15] =	ssyncadd.s32 $0xFFFFC000  }
0x98: {  	[tilespmem:s18], [sflag:$0x1] =	stream.indirect.gather [hbm4b:s4+s17], $0x80, s29, s17, $0xb8;
	[tilespmem:$0x1E400] =	vst v63  }
0x99: {  	_ =	swait.ge [sflag:s22], $0x4000  }
0x9a: {  	[sflag:s22] =	ssyncset.done $0x0  }
0x9b: {  	s30 =	sadd.s32 $0x1480, s28;
	[sflag:s22] =	ssyncadd.s32 $0xFFFFC000  }
0x9c: {  	[spmem:s1] =	stream.indirect.scatter.add.f32 [tilespmem:s20], [sflag:$0x4], $0x80, s30, s17, $0xb8;
	[tilespmem:$0x1E400] =	vst v63  }
0x9d: {  	_ =	swait.ge [sflag:s15], $0x4000  }
0x9e: {  	[sflag:s15] =	ssyncset.done $0x0  }
0x9f: {  	[sflag:s15] =	ssyncadd.s32 $0xFFFFC000  }
0xa0: {  	[tilespmem:s20], [sflag:$0x2] =	stream.indirect.gather [hbm4b:s4+s17], $0x80, s23, s17, $0xb8;
	[tilespmem:$0x1E400] =	vst v63  }
0xa1: {  	_ =	swait.ge [sflag:s21], $0x4000  }
0xa2: {  	[sflag:s21] =	ssyncset.done $0x0  }
0xa3: {  	[sflag:s21] =	ssyncadd.s32 $0xFFFFC000  }
0xa4: {  	[spmem:s1] =	stream.indirect.scatter.add.f32 [tilespmem:s18], [sflag:$0x4], $0x80, s24, s17, $0xb8;
	[tilespmem:$0x1E400] =	vst v63  }
0xa5: {  	_ =	swait.ge [sflag:s15], $0x4000  }
0xa6: {  	[sflag:s15] =	ssyncset.done $0x0  }
0xa7: {  	[sflag:s15] =	ssyncadd.s32 $0xFFFFC000  }
0xa8: {  	[tilespmem:s18], [sflag:$0x1] =	stream.indirect.gather [hbm4b:s4+s17], $0x80, s23, s17, $0xb8;
	[tilespmem:$0x1E400] =	vst v63  }
0xa9: {  	_ =	swait.ge [sflag:s22], $0x4000  }
0xaa: {  	[sflag:s22] =	ssyncset.done $0x0  }
0xab: {  	[sflag:s22] =	ssyncadd.s32 $0xFFFFC000  }
0xac: {  	[spmem:s1] =	stream.indirect.scatter.add.f32 [tilespmem:s20], [sflag:$0x4], $0x80, s25, s17, $0xb8;
	[tilespmem:$0x1E400] =	vst v63  }
0xad: {  	_ =	swait.ge [sflag:s15], $0x4000  }
0xae: {  	[sflag:s15] =	ssyncset.done $0x0  }
0xaf: {  	[sflag:s15] =	ssyncadd.s32 $0xFFFFC000  }
0xb0: {  	_ =	swait.ge [sflag:s21], $0x4000  }
0xb1: {  	s26 =	sadd.s32 $0x1, s26;
	[sflag:s21] =	ssyncset.done $0x0  }
0xb2: {  	p0 =	sne.s32 s26, s13;
	[sflag:s21] =	ssyncadd.s32 $0xFFFFC000  }
.Ltmp2:
0xb3: {  	s31 =	sor.u32 $0x1C04, s6;
	[bflag:$0x0] =	sbarrier.arrive $0xFFFF;
	(pc) =	sbr.rel @p0 .LBB2_1-.Ltmp2, $4  }
0xb4: {  	[hbm:s12], [sflag:s31] =	dma.local [spmem:s14], $0x2780  }
0xb5: {  	_ =	swait.ge [sflag:s15], $0x2780  }
0xb6: {  	[sflag:s15] =	ssyncset.done $0x0  }
0xb7: {  	[sflag:s15] =	ssyncadd.s32 $0xFFFFD880  }
0xb8: {  	_ =	sfence.sel $0x180000  }
0xb9: {  	[bflag:$0x0] =	sbarrier.arrive $0xFFFF  }
0xba: {  	_ =	strace $0x90000050  }
0xbb: {  	[bflag:$0x2] =	sbarrier.arrive $0xFFFF  }
0xbc: {  	p0 =	sne.s32 s2, $0x0;
	s0 =	rddreg [dreg:$0x3]  }
0xbd: {  	s0 =	sadd.s32 @!p0 $0x100000, s0  }
0xbe: {  	[sflag:s0] =	ssyncadd.tile.s32 @!p0 $0x1;
	_ =	shalt  }
.Lfunc_end2:
_tile_overlayer_lowered:
.L_overlay_start_2:
0xbf: {  	(tag) =	ssettag $0x2  }
0xc0: {  	s0 =	rddreg [dreg:$0x0];
	s2 =	stileid.u32  }
0xc1: {  	s1 =	rddreg [dreg:$0x1];
	p0 =	sne.s32 s2, $0x0  }
0xc2: {  	s3 =	rddreg [dreg:$0x2];
	[bflag:$0x3] =	sbarrier.arrive $0xFFFF;
	s2 =	simm.s32 @!p0 $0x1C04  }
0xc3: {  	[timem:s3], [sflag:s2] =	dma.local @!p0 [hbm:s0], s1  }
0xc4: {  	s0 =	simm.s32 @!p0 $0x4  }
0xc5: {  	_ =	swait.ge @!p0 [sflag:s0], s1  }
0xc6: {  	s1 =	ssub.s32 @!p0 $0x0, s1;
	[sflag:s0] =	ssyncset.done @!p0 $0x0  }
0xc7: {  	[sflag:s0] =	ssyncadd.s32 @!p0 s1  }
0xc8: {  	[bflag:$0x3] =	sbarrier.arrive $0xFFFF  }
0xc9: {  	_ =	shalt  }

</sc_bundles>
